<compile_context>
chip_gen: v7x
topology: tpu7x:2x2x1
jax: 0.10.2.dev20260603
libtpu: 0.0.44.dev20260713+nightly
codegen_flags: <defaults>
</compile_context>

<pallas_src>
import functools

import jax
import jax.numpy as jnp
from jax import lax
from jax.experimental import pallas as pl
from jax.experimental.pallas import tpu as pltpu
from jax.experimental.pallas import tpu_sc as plsc

NUM_EXPERTS = 8
TOP_K = 2
HIDDEN = 1024
INTER = 1024
TOKENS = 2048
TM = 256
NASSIGN = TOKENS * TOP_K
NBUF = NASSIGN + NUM_EXPERTS * TM
NTILES = NBUF // TM
CHUNK = 256
TEID_W = 128


def _routing_body(logits_ref, pos_ref, w_ref, teid_ref):
    logits = logits_ref[...]
    m = jnp.max(logits, axis=-1, keepdims=True)
    ex = jnp.exp(logits - m)
    probs = ex / jnp.sum(ex, axis=-1, keepdims=True)
    lanes = lax.broadcasted_iota(jnp.int32, probs.shape, 1)
    m1 = jnp.max(probs, axis=-1, keepdims=True)
    i1 = jnp.min(jnp.where(probs == m1, lanes, NUM_EXPERTS), axis=-1, keepdims=True)
    oh1 = (lanes == i1).astype(jnp.float32)
    masked = jnp.where(lanes == i1, -jnp.inf, probs)
    m2 = jnp.max(masked, axis=-1, keepdims=True)
    i2 = jnp.min(jnp.where(masked == m2, lanes, NUM_EXPERTS), axis=-1, keepdims=True)
    oh2 = (lanes == i2).astype(jnp.float32)
    denom = m1 + m2
    lanes32 = lax.broadcasted_iota(jnp.int32, (TOKENS, 2 * 16), 1)
    w_ref[...] = jnp.where(lanes32 < 16, m1 / denom, m2 / denom)

    a = oh1 + oh2
    rr = lax.broadcasted_iota(jnp.int32, (CHUNK, CHUNK), 0)
    cc = lax.broadcasted_iota(jnp.int32, (CHUNK, CHUNK), 1)
    ltri = (cc < rr).astype(jnp.float32)
    ones_row = jnp.ones((1, CHUNK), jnp.float32)
    n_chunks = TOKENS // CHUNK
    pieces = []
    off = jnp.zeros((1, NUM_EXPERTS), jnp.float32)
    for g in range(n_chunks):
        a_g = a[g * CHUNK:(g + 1) * CHUNK, :]
        c_g = lax.dot_general(ltri, a_g, (((1,), (0,)), ((), ())),
                              preferred_element_type=jnp.float32)
        pieces.append(c_g + off)
        tot = lax.dot_general(ones_row, a_g, (((1,), (0,)), ((), ())),
                              preferred_element_type=jnp.float32)
        off = off + tot
    cnt_before = jnp.concatenate(pieces, axis=0)
    counts = off

    padded = jnp.floor((counts + (TM - 1)) / TM) * TM
    lanes8r = lax.broadcasted_iota(jnp.int32, (NUM_EXPERTS, NUM_EXPERTS), 0)
    lanes8c = lax.broadcasted_iota(jnp.int32, (NUM_EXPERTS, NUM_EXPERTS), 1)
    lincl8 = (lanes8r <= lanes8c).astype(jnp.float32)
    seg_end = lax.dot_general(padded, lincl8, (((1,), (0,)), ((), ())),
                              preferred_element_type=jnp.float32)
    offs = seg_end - padded

    off1 = jnp.sum(offs * oh1, axis=-1, keepdims=True)
    off2 = jnp.sum(offs * oh2, axis=-1, keepdims=True)
    rank1 = jnp.sum(cnt_before * oh1, axis=-1, keepdims=True)
    rank2 = jnp.sum(cnt_before * oh2, axis=-1, keepdims=True)
    slot1 = (off1 + rank1).astype(jnp.int32)
    slot2 = (off2 + rank2).astype(jnp.int32)
    pos_ref[...] = jnp.where(lanes == 0, slot1, jnp.where(lanes == 1, slot2, 0))

    t_start = (lax.broadcasted_iota(jnp.int32, (1, TEID_W), 1) * TM).astype(jnp.float32)
    lanes8 = lax.broadcasted_iota(jnp.int32, (1, NUM_EXPERTS), 1)
    cur = jnp.full((1, TEID_W), -1.0, jnp.float32)
    for e in range(NUM_EXPERTS):
        pe = jnp.sum(jnp.where(lanes8 == e, padded, 0.0), axis=-1, keepdims=True)
        oe = jnp.sum(jnp.where(lanes8 == e, offs, 0.0), axis=-1, keepdims=True)
        cond = jnp.logical_and(pe > 0, oe <= t_start)
        cur = jnp.maximum(cur, jnp.where(cond, float(e), -1.0))
    nxt = jnp.full((1, TEID_W), 99.0, jnp.float32)
    for e in range(NUM_EXPERTS):
        pe = jnp.sum(jnp.where(lanes8 == e, padded, 0.0), axis=-1, keepdims=True)
        cond = jnp.logical_and(pe > 0, cur < float(e))
        nxt = jnp.minimum(nxt, jnp.where(cond, float(e), 99.0))
    hasnxt = (nxt < 99.0).astype(jnp.float32)
    prev = jnp.concatenate(
        [jnp.full((1, 1), -1.0, jnp.float32), cur[:, :TEID_W - 1]], axis=1)
    startf = (cur != prev).astype(jnp.float32)
    rT = lax.broadcasted_iota(jnp.int32, (TEID_W, TEID_W), 0)
    cT = lax.broadcasted_iota(jnp.int32, (TEID_W, TEID_W), 1)
    linclT = (rT <= cT).astype(jnp.float32)
    run_id = lax.dot_general(startf, linclT, (((1,), (0,)), ((), ())),
                             preferred_element_type=jnp.float32) - 1.0
    slot = run_id - 2.0 * jnp.floor(run_id * 0.5)
    zero3 = jnp.zeros((3, TEID_W), jnp.float32)
    teid_ref[...] = jnp.concatenate(
        [cur, slot, startf, jnp.minimum(nxt, 7.0), hasnxt, zero3], axis=0
    ).astype(jnp.int32)


def _routing(router_logits):
    return pl.pallas_call(
        _routing_body,
        out_shape=(
            jax.ShapeDtypeStruct((TOKENS, NUM_EXPERTS), jnp.int32),
            jax.ShapeDtypeStruct((TOKENS, 2 * 16), jnp.float32),
            jax.ShapeDtypeStruct((8, TEID_W), jnp.int32),
        ),
    )(router_logits)


def _ffn_body(te_ref, xs_ref, w31_hbm, w2_hbm, out_ref, w31_v, w2_v, s31, s2):
    i = pl.program_id(0)
    te = te_ref[0, i]
    slot = te_ref[1, i]
    start = te_ref[2, i]
    nxt = te_ref[3, i]
    hasnxt = te_ref[4, i]

    def cp31(e, s):
        return pltpu.make_async_copy(w31_hbm.at[e], w31_v.at[s], s31.at[s])

    def cp2(e, s):
        return pltpu.make_async_copy(w2_hbm.at[e], w2_v.at[s], s2.at[s])

    @pl.when(i == 0)
    def _():
        cp31(te, slot).start()
        cp2(te, slot).start()

    @pl.when(start == 1)
    def _():
        cp31(te, slot).wait()
        cp2(te, slot).wait()

    @pl.when(jnp.logical_and(start == 1, hasnxt == 1))
    def _():
        cp31(nxt, 1 - slot).start()
        cp2(nxt, 1 - slot).start()

    xs = xs_ref[...]
    w31 = w31_v[pl.ds(slot, 1), :, :][0]
    proj = lax.dot_general(
        xs, w31, (((1,), (1,)), ((), ())), preferred_element_type=jnp.float32
    )
    up = proj[:, :INTER]
    gate = proj[:, INTER:]
    h = gate * jax.nn.sigmoid(gate) * up
    w2 = w2_v[pl.ds(slot, 1), :, :][0]
    out_ref[...] = lax.dot_general(
        h, w2, (((1,), (1,)), ((), ())), preferred_element_type=jnp.float32
    )


def _ffn(xs, w3_w1_weight, w2_weight, tile_sched):
    grid_spec = pltpu.PrefetchScalarGridSpec(
        num_scalar_prefetch=1,
        grid=(NTILES,),
        in_specs=[
            pl.BlockSpec((TM, HIDDEN), lambda i, te: (i, 0)),
            pl.BlockSpec(memory_space=pl.ANY),
            pl.BlockSpec(memory_space=pl.ANY),
        ],
        out_specs=pl.BlockSpec((TM, HIDDEN), lambda i, te: (i, 0)),
        scratch_shapes=[
            pltpu.VMEM((2, 2 * INTER, HIDDEN), jnp.float32),
            pltpu.VMEM((2, HIDDEN, INTER), jnp.float32),
            pltpu.SemaphoreType.DMA((2,)),
            pltpu.SemaphoreType.DMA((2,)),
        ],
    )
    return pl.pallas_call(
        _ffn_body,
        grid_spec=grid_spec,
        out_shape=jax.ShapeDtypeStruct((NBUF, HIDDEN), jnp.float32),
        compiler_params=pltpu.CompilerParams(dimension_semantics=("arbitrary",)),
    )(tile_sched, xs, w3_w1_weight, w2_weight)


def _sc_dispatch(x, scat_idx):
    info = plsc.get_sparse_core_info()
    nw = info.num_cores * info.num_subcores
    t_per_w = TOKENS // nw
    mesh = plsc.VectorSubcoreMesh(core_axis_name="c", subcore_axis_name="s")

    @functools.partial(
        pl.kernel,
        mesh=mesh,
        out_type=jax.ShapeDtypeStruct((NBUF, HIDDEN), jnp.float32),
        scratch_types=[
            pltpu.VMEM((TOP_K, t_per_w), jnp.int32),
            pltpu.VMEM((t_per_w, HIDDEN), jnp.float32),
            pltpu.SemaphoreType.DMA,
            pltpu.SemaphoreType.DMA,
            pltpu.SemaphoreType.DMA,
            pltpu.SemaphoreType.DMA,
        ],
    )
    def k(x_hbm, sidx_hbm, xs_hbm, idx_v, rows_v, s0, s1, s2, s3):
        wid = lax.axis_index("s") * info.num_cores + lax.axis_index("c")
        base = wid * t_per_w
        cpi = pltpu.async_copy(sidx_hbm.at[wid], idx_v, s2)
        cpx = pltpu.async_copy(x_hbm.at[pl.ds(base, t_per_w)], rows_v, s3)
        cpi.wait()
        cpx.wait()
        cp0 = pltpu.async_copy(rows_v, xs_hbm.at[idx_v.at[0]], s0)
        cp1 = pltpu.async_copy(rows_v, xs_hbm.at[idx_v.at[1]], s1)
        cp0.wait()
        cp1.wait()

    return k(x, scat_idx)


def _sc_combine(ysw, scat_idx, wmat):
    info = plsc.get_sparse_core_info()
    nw = info.num_cores * info.num_subcores
    t_per_w = TOKENS // nw
    chunk = 32
    n_chunks = t_per_w // chunk
    mesh = plsc.VectorSubcoreMesh(core_axis_name="c", subcore_axis_name="s")

    @functools.partial(
        pl.kernel,
        mesh=mesh,
        out_type=jax.ShapeDtypeStruct((TOKENS, HIDDEN), jnp.float32),
        scratch_types=[
            pltpu.VMEM((TOP_K, t_per_w), jnp.int32),
            pltpu.VMEM((t_per_w, 2 * 16), jnp.float32),
            pltpu.VMEM((chunk, HIDDEN), jnp.float32),
            pltpu.VMEM((chunk, HIDDEN), jnp.float32),
            pltpu.SemaphoreType.DMA,
            pltpu.SemaphoreType.DMA,
        ],
    )
    def k(ysw_hbm, sidx_hbm, wmat_hbm, out_hbm, idx_v, wm_v, r0_v, r1_v, s0, s1):
        wid = lax.axis_index("s") * info.num_cores + lax.axis_index("c")
        base = wid * t_per_w
        pltpu.sync_copy(sidx_hbm.at[wid], idx_v)
        pltpu.sync_copy(wmat_hbm.at[pl.ds(base, t_per_w)], wm_v)

        def body(c, _):
            off = base + c * chunk
            cp0 = pltpu.async_copy(
                ysw_hbm.at[idx_v.at[0, pl.ds(c * chunk, chunk)]], r0_v, s0)
            cp1 = pltpu.async_copy(
                ysw_hbm.at[idx_v.at[1, pl.ds(c * chunk, chunk)]], r1_v, s1)
            cp0.wait()
            cp1.wait()

            def row(i, _):
                w0 = wm_v[c * chunk + i, pl.ds(0, 16)]
                w1 = wm_v[c * chunk + i, pl.ds(16, 16)]
                for j in range(HIDDEN // 16):
                    sl = pl.ds(j * 16, 16)
                    r0_v[i, sl] = r0_v[i, sl] * w0 + r1_v[i, sl] * w1
                return 0

            lax.fori_loop(0, chunk, row, 0)
            pltpu.sync_copy(r0_v, out_hbm.at[pl.ds(off, chunk)])
            return 0

        lax.fori_loop(0, n_chunks, body, 0)

    return k(ysw, scat_idx, wmat)


def kernel(x, router_logits, w3_w1_weight, w2_weight):
    pos_out, wmat, teid_out = _routing(router_logits)
    nw = 32
    scat_idx = pos_out[:, :TOP_K].reshape(nw, TOKENS // nw, TOP_K).transpose(0, 2, 1)
    xs = _sc_dispatch(x, scat_idx)
    ys = _ffn(xs, w3_w1_weight, w2_weight, teid_out)
    out = _sc_combine(ys, scat_idx, wmat)
    return out.astype(x.dtype)

# --- scband reference (transcript-rebuilt; emitter-appended) ---
"""Pipeline reference for scband-fused-mo-e-76905684402346 (READ-ONLY COPY).

The authoritative reference and input builder live on the scoring server;
editing this copy changes nothing except your own understanding.
"""

import jax, jax.numpy as jnp
import numpy as np

NUM_EXPERTS = 8
TOP_K = 2
HIDDEN = 1024
INTER = 1024
TOKENS = 2048


def setup_inputs(seed: int = 0) -> dict:
    key = jax.random.key(seed)
    k1, k2, k3, k4 = jax.random.split(key, 4)
    x = jax.random.normal(k1, (TOKENS, HIDDEN), dtype=jnp.float32)
    router_logits = jax.random.normal(k2, (TOKENS, NUM_EXPERTS), dtype=jnp.float32)
    # Learned params per init_kwargs: fused w3/w1 [E, 2*I, H] and w2 [E, H, I]
    w3_w1_weight = jax.random.normal(k3, (NUM_EXPERTS, 2 * INTER, HIDDEN), dtype=jnp.float32) * 0.02
    w2_weight = jax.random.normal(k4, (NUM_EXPERTS, HIDDEN, INTER), dtype=jnp.float32) * 0.02
    return {"x": x, "router_logits": router_logits, "w3_w1_weight": w3_w1_weight, "w2_weight": w2_weight}


def reference(x, router_logits, w3_w1_weight, w2_weight):
    # Routing: softmax over experts, top-k select, RENORMALIZE (mode=1)
    probs = jax.nn.softmax(router_logits.astype(jnp.float32), axis=-1)
    topk_vals, topk_idx = jax.lax.top_k(probs, TOP_K)  # [T, k]
    topk_vals = topk_vals / jnp.sum(topk_vals, axis=-1, keepdims=True)
    # Dense combine weights [T, E]: scatter renormalized top-k probs via one-hot
    onehot = jax.nn.one_hot(topk_idx, NUM_EXPERTS, dtype=jnp.float32)  # [T, k, E]
    combine = jnp.sum(onehot * topk_vals[..., None], axis=1)  # [T, E]
    # Expert FFN: gated SiLU (w1 = gate proj, w3 = up proj; w3 stacked first in fused weight)
    out = jnp.zeros_like(x)
    for e in range(NUM_EXPERTS):
        w3 = w3_w1_weight[e, :INTER, :]   # up projection [I, H]
        w1 = w3_w1_weight[e, INTER:, :]   # gate projection [I, H]
        gate = x @ w1.T
        up = x @ w3.T
        h = jax.nn.silu(gate) * up
        y = h @ w2_weight[e].T           # [T, H]
        out = out + combine[:, e:e + 1] * y
    return out.astype(x.dtype)

if __name__ == "__main__":
    import jax
    _d = setup_inputs()
    print(jax.jit(kernel)(*tuple(_d.values())))

</pallas_src>

<mosaic_0001>
#map = affine_map<(d0, d1) -> (0, 0)>
#map1 = affine_map<(d0, d1) -> (0, 0, 0)>
module attributes {stable_mosaic.version = 14 : i64} {
  func.func @k(%arg0: i32, %arg1: i32, %arg2: memref<6144x1024xf32, #tpu.memory_space<hbm>>, %arg3: memref<32x2x64xi32, #tpu.memory_space<hbm>>, %arg4: memref<2048x32xf32, #tpu.memory_space<hbm>>, %arg5: memref<2048x1024xf32, #tpu.memory_space<hbm>>, %arg6: memref<2x64xi32, #tpu.memory_space<vmem>>, %arg7: memref<64x32xf32, #tpu.memory_space<vmem>>, %arg8: memref<32x1024xf32, #tpu.memory_space<vmem>>, %arg9: memref<32x1024xf32, #tpu.memory_space<vmem>>, %arg10: memref<!tpu.dma_semaphore, #tpu.memory_space<semaphore_mem>>, %arg11: memref<!tpu.dma_semaphore, #tpu.memory_space<semaphore_mem>>) attributes {dimension_semantics = [#tpu.dimension_semantics<core_parallel>, #tpu.dimension_semantics<subcore_parallel>], iteration_bounds = array<i64: 2, 16>, scalar_prefetch = 0 : i64, scratch_operands = 6 : i64, tpu.core_type = #tpu.core_type<sc_vector_subcore>, window_params = [{transform_indices = #map}, {transform_indices = #map1}, {transform_indices = #map}, {transform_indices = #map}]} {
    %mul3A = arith.constant 2 : i32
    %mul3A_0 = arith.muli %arg1, %mul3A : i32
    %add3A = arith.addi %mul3A_0, %arg0 : i32
    %mul3A_1 = arith.constant 64 : i32
    %mul3A_2 = arith.muli %add3A, %mul3A_1 : i32
    "tpu.region"() ({
      %run_scoped3A = tpu.sem_alloc : memref<!tpu.dma_semaphore, #tpu.memory_space<semaphore_mem>>
      %dma_start3A = arith.constant 0 : i32
      %dma_start3A_9 = arith.constant 0 : i32
      %dma_start3A_10 = tpu.memref_slice %arg3[%add3A, %dma_start3A, %dma_start3A_9] : memref<32x2x64xi32, #tpu.memory_space<hbm>> -> memref<1x2x64xi32, #tpu.memory_space<hbm>>
      %dma_start3A_11 = tpu.memref_squeeze %dma_start3A_10 : memref<1x2x64xi32, #tpu.memory_space<hbm>> -> memref<2x64xi32, #tpu.memory_space<hbm>>
      %dma_start3A_12 = arith.constant 0 : i32
      %dma_start3A_13 = arith.constant 0 : i32
      %dma_start3A_14 = tpu.memref_slice %arg3[%add3A, %dma_start3A_12, %dma_start3A_13] : memref<32x2x64xi32, #tpu.memory_space<hbm>> -> memref<1x2x64xi32, #tpu.memory_space<hbm>>
      %dma_start3A_15 = tpu.memref_squeeze %dma_start3A_14 : memref<1x2x64xi32, #tpu.memory_space<hbm>> -> memref<2x64xi32, #tpu.memory_space<hbm>>
      tpu.enqueue_dma source(%dma_start3A_15 : memref<2x64xi32, #tpu.memory_space<hbm>>) target(%arg6 : memref<2x64xi32, #tpu.memory_space<vmem>>) target_semaphore(%run_scoped3A : memref<!tpu.dma_semaphore, #tpu.memory_space<semaphore_mem>>)
      %dma_wait3A = arith.constant 0 : i32
      %dma_wait3A_16 = arith.constant 0 : i32
      %dma_wait3A_17 = tpu.memref_slice %arg3[%add3A, %dma_wait3A, %dma_wait3A_16] : memref<32x2x64xi32, #tpu.memory_space<hbm>> -> memref<1x2x64xi32, #tpu.memory_space<hbm>>
      %dma_wait3A_18 = tpu.memref_squeeze %dma_wait3A_17 : memref<1x2x64xi32, #tpu.memory_space<hbm>> -> memref<2x64xi32, #tpu.memory_space<hbm>>
      %dma_wait3A_19 = arith.constant 0 : i32
      %dma_wait3A_20 = arith.constant 0 : i32
      %dma_wait3A_21 = tpu.memref_slice %arg3[%add3A, %dma_wait3A_19, %dma_wait3A_20] : memref<32x2x64xi32, #tpu.memory_space<hbm>> -> memref<1x2x64xi32, #tpu.memory_space<hbm>>
      %dma_wait3A_22 = tpu.memref_squeeze %dma_wait3A_21 : memref<1x2x64xi32, #tpu.memory_space<hbm>> -> memref<2x64xi32, #tpu.memory_space<hbm>>
      tpu.wait_dma2 semaphore(%run_scoped3A : memref<!tpu.dma_semaphore, #tpu.memory_space<semaphore_mem>>) src(%dma_wait3A_22 : memref<2x64xi32, #tpu.memory_space<hbm>>) dst(%arg6 : memref<2x64xi32, #tpu.memory_space<vmem>>)
      tpu.yield
    }) : () -> ()
    "tpu.region"() ({
      %run_scoped3A = tpu.sem_alloc : memref<!tpu.dma_semaphore, #tpu.memory_space<semaphore_mem>>
      %dma_start3A = arith.constant 0 : i32
      %dma_start3A_9 = tpu.memref_slice %arg4[%mul3A_2, %dma_start3A] : memref<2048x32xf32, #tpu.memory_space<hbm>> -> memref<64x32xf32, #tpu.memory_space<hbm>>
      %dma_start3A_10 = arith.constant 0 : i32
      %dma_start3A_11 = tpu.memref_slice %arg4[%mul3A_2, %dma_start3A_10] : memref<2048x32xf32, #tpu.memory_space<hbm>> -> memref<64x32xf32, #tpu.memory_space<hbm>>
      tpu.enqueue_dma source(%dma_start3A_11 : memref<64x32xf32, #tpu.memory_space<hbm>>) target(%arg7 : memref<64x32xf32, #tpu.memory_space<vmem>>) target_semaphore(%run_scoped3A : memref<!tpu.dma_semaphore, #tpu.memory_space<semaphore_mem>>)
      %dma_wait3A = arith.constant 0 : i32
      %dma_wait3A_12 = tpu.memref_slice %arg4[%mul3A_2, %dma_wait3A] : memref<2048x32xf32, #tpu.memory_space<hbm>> -> memref<64x32xf32, #tpu.memory_space<hbm>>
      %dma_wait3A_13 = arith.constant 0 : i32
      %dma_wait3A_14 = tpu.memref_slice %arg4[%mul3A_2, %dma_wait3A_13] : memref<2048x32xf32, #tpu.memory_space<hbm>> -> memref<64x32xf32, #tpu.memory_space<hbm>>
      tpu.wait_dma2 semaphore(%run_scoped3A : memref<!tpu.dma_semaphore, #tpu.memory_space<semaphore_mem>>) src(%dma_wait3A_14 : memref<64x32xf32, #tpu.memory_space<hbm>>) dst(%arg7 : memref<64x32xf32, #tpu.memory_space<vmem>>)
      tpu.yield
    }) : () -> ()
    %scan3A = arith.constant 0 : i32
    %scan3A_3 = arith.constant 0 : i32
    %scan3A_4 = arith.constant 2 : i32
    %scan3A_5 = arith.addi %scan3A_3, %scan3A_4 : i32
    %scan3A_6 = arith.constant 1 : i32
    %scan3A_7 = scf.for %scan3A_9 = %scan3A_3 to %scan3A_5 step %scan3A_6 iter_args(%scan3A_10 = %scan3A) -> (i32)  : i32 {
      %mul3A_11 = arith.constant 32 : i32
      %mul3A_12 = arith.muli %scan3A_9, %mul3A_11 : i32
      %add3A_13 = arith.addi %mul3A_2, %mul3A_12 : i32
      %mul3A_14 = arith.constant 32 : i32
      %mul3A_15 = arith.muli %scan3A_9, %mul3A_14 : i32
      %dma_start3A = arith.constant 0 : i32
      %dma_start3A_16 = tpu.memref_slice %arg6[%dma_start3A, %mul3A_15] : memref<2x64xi32, #tpu.memory_space<vmem>> -> memref<1x32xi32, #tpu.memory_space<vmem>>
      %dma_start3A_17 = tpu.memref_squeeze %dma_start3A_16 : memref<1x32xi32, #tpu.memory_space<vmem>> -> memref<32xi32, #tpu.memory_space<vmem>>
      %dma_start3A_18 = arith.constant 0 : i32
      %dma_start3A_19 = arith.constant 0 : i32
      %dma_start3A_20 = tpu.memref_slice %arg2[%dma_start3A_18, %dma_start3A_19] : memref<6144x1024xf32, #tpu.memory_space<hbm>> -> memref<6144x1024xf32, #tpu.memory_space<hbm>>
      tpu.enqueue_indirect_dma source(%dma_start3A_20 : memref<6144x1024xf32, #tpu.memory_space<hbm>>) target(%arg8 : memref<32x1024xf32, #tpu.memory_space<vmem>>) offsets(%dma_start3A_17 : memref<32xi32, #tpu.memory_space<vmem>>) semaphore(%arg10 : memref<!tpu.dma_semaphore, #tpu.memory_space<semaphore_mem>>)
      %mul3A_21 = arith.constant 32 : i32
      %mul3A_22 = arith.muli %scan3A_9, %mul3A_21 : i32
      %dma_start3A_23 = arith.constant 1 : i32
      %dma_start3A_24 = tpu.memref_slice %arg6[%dma_start3A_23, %mul3A_22] : memref<2x64xi32, #tpu.memory_space<vmem>> -> memref<1x32xi32, #tpu.memory_space<vmem>>
      %dma_start3A_25 = tpu.memref_squeeze %dma_start3A_24 : memref<1x32xi32, #tpu.memory_space<vmem>> -> memref<32xi32, #tpu.memory_space<vmem>>
      %dma_start3A_26 = arith.constant 0 : i32
      %dma_start3A_27 = arith.constant 0 : i32
      %dma_start3A_28 = tpu.memref_slice %arg2[%dma_start3A_26, %dma_start3A_27] : memref<6144x1024xf32, #tpu.memory_space<hbm>> -> memref<6144x1024xf32, #tpu.memory_space<hbm>>
      tpu.enqueue_indirect_dma source(%dma_start3A_28 : memref<6144x1024xf32, #tpu.memory_space<hbm>>) target(%arg9 : memref<32x1024xf32, #tpu.memory_space<vmem>>) offsets(%dma_start3A_25 : memref<32xi32, #tpu.memory_space<vmem>>) semaphore(%arg11 : memref<!tpu.dma_semaphore, #tpu.memory_space<semaphore_mem>>)
      %dma_wait3A = arith.constant 0 : i32
      %dma_wait3A_29 = tpu.memref_slice %arg6[%dma_wait3A, %mul3A_15] : memref<2x64xi32, #tpu.memory_space<vmem>> -> memref<1x32xi32, #tpu.memory_space<vmem>>
      %dma_wait3A_30 = tpu.memref_squeeze %dma_wait3A_29 : memref<1x32xi32, #tpu.memory_space<vmem>> -> memref<32xi32, #tpu.memory_space<vmem>>
      %dma_wait3A_31 = arith.constant 0 : i32
      %dma_wait3A_32 = arith.constant 0 : i32
      %dma_wait3A_33 = tpu.memref_slice %arg2[%dma_wait3A_31, %dma_wait3A_32] : memref<6144x1024xf32, #tpu.memory_space<hbm>> -> memref<6144x1024xf32, #tpu.memory_space<hbm>>
      tpu.wait_indirect_dma semaphore(%arg10 : memref<!tpu.dma_semaphore, #tpu.memory_space<semaphore_mem>>) src(%dma_wait3A_33 : memref<6144x1024xf32, #tpu.memory_space<hbm>>) dst(%arg8 : memref<32x1024xf32, #tpu.memory_space<vmem>>)
      %dma_wait3A_34 = arith.constant 1 : i32
      %dma_wait3A_35 = tpu.memref_slice %arg6[%dma_wait3A_34, %mul3A_22] : memref<2x64xi32, #tpu.memory_space<vmem>> -> memref<1x32xi32, #tpu.memory_space<vmem>>
      %dma_wait3A_36 = tpu.memref_squeeze %dma_wait3A_35 : memref<1x32xi32, #tpu.memory_space<vmem>> -> memref<32xi32, #tpu.memory_space<vmem>>
      %dma_wait3A_37 = arith.constant 0 : i32
      %dma_wait3A_38 = arith.constant 0 : i32
      %dma_wait3A_39 = tpu.memref_slice %arg2[%dma_wait3A_37, %dma_wait3A_38] : memref<6144x1024xf32, #tpu.memory_space<hbm>> -> memref<6144x1024xf32, #tpu.memory_space<hbm>>
      tpu.wait_indirect_dma semaphore(%arg11 : memref<!tpu.dma_semaphore, #tpu.memory_space<semaphore_mem>>) src(%dma_wait3A_39 : memref<6144x1024xf32, #tpu.memory_space<hbm>>) dst(%arg9 : memref<32x1024xf32, #tpu.memory_space<vmem>>)
      %scan3A_40 = arith.constant 0 : i32
      %scan3A_41 = arith.constant 0 : i32
      %scan3A_42 = arith.constant 32 : i32
      %scan3A_43 = arith.addi %scan3A_41, %scan3A_42 : i32
      %scan3A_44 = arith.constant 1 : i32
      %scan3A_45 = scf.for %scan3A_48 = %scan3A_41 to %scan3A_43 step %scan3A_44 iter_args(%scan3A_49 = %scan3A_40) -> (i32)  : i32 {
        %mul3A_50 = arith.constant 32 : i32
        %mul3A_51 = arith.muli %scan3A_9, %mul3A_50 : i32
        %add3A_52 = arith.addi %mul3A_51, %scan3A_48 : i32
        %get3A = arith.index_cast %add3A_52 : i32 to index
        %get3A_53 = arith.constant 0 : index
        %get3A_54 = tpu.vector_load %arg7[%get3A, %get3A_53] {strides = array<i32>} : memref<64x32xf32, #tpu.memory_space<vmem>>, vector<1x16xf32>,
        %get3A_55 = vector.shape_cast %get3A_54 : vector<1x16xf32> to vector<16xf32>
        %mul3A_56 = arith.constant 32 : i32
        %mul3A_57 = arith.muli %scan3A_9, %mul3A_56 : i32
        %add3A_58 = arith.addi %mul3A_57, %scan3A_48 : i32
        %get3A_59 = arith.index_cast %add3A_58 : i32 to index
        %get3A_60 = arith.constant 16 : index
        %get3A_61 = tpu.vector_load %arg7[%get3A_59, %get3A_60] {strides = array<i32>} : memref<64x32xf32, #tpu.memory_space<vmem>>, vector<1x16xf32>,
        %get3A_62 = vector.shape_cast %get3A_61 : vector<1x16xf32> to vector<16xf32>
        %get3A_63 = arith.index_cast %scan3A_48 : i32 to index
        %get3A_64 = arith.constant 0 : index
        %get3A_65 = tpu.vector_load %arg8[%get3A_63, %get3A_64] {strides = array<i32>} : memref<32x1024xf32, #tpu.memory_space<vmem>>, vector<1x16xf32>,
        %get3A_66 = vector.shape_cast %get3A_65 : vector<1x16xf32> to vector<16xf32>
        %mul3A_67 = arith.mulf %get3A_66, %get3A_55 : vector<16xf32>
        %get3A_68 = arith.index_cast %scan3A_48 : i32 to index
        %get3A_69 = arith.constant 0 : index
        %get3A_70 = tpu.vector_load %arg9[%get3A_68, %get3A_69] {strides = array<i32>} : memref<32x1024xf32, #tpu.memory_space<vmem>>, vector<1x16xf32>,
        %get3A_71 = vector.shape_cast %get3A_70 : vector<1x16xf32> to vector<16xf32>
        %mul3A_72 = arith.mulf %get3A_71, %get3A_62 : vector<16xf32>
        %add3A_73 = arith.addf %mul3A_67, %mul3A_72 : vector<16xf32>
        %swap3A = arith.index_cast %scan3A_48 : i32 to index
        %swap3A_74 = arith.constant 0 : index
        %swap3A_75 = tpu.vector_load %arg8[%swap3A, %swap3A_74] {strides = array<i32>} : memref<32x1024xf32, #tpu.memory_space<vmem>>, vector<1x16xf32>,
        %swap3A_76 = vector.shape_cast %swap3A_75 : vector<1x16xf32> to vector<16xf32>
        %swap3A_77 = vector.shape_cast %add3A_73 : vector<16xf32> to vector<1x16xf32>
        tpu.vector_store %arg8[%swap3A, %swap3A_74], %swap3A_77 {strides = array<i32>} : memref<32x1024xf32, #tpu.memory_space<vmem>>, vector<1x16xf32>,
        %get3A_78 = arith.index_cast %scan3A_48 : i32 to index
        %get3A_79 = arith.constant 16 : index
        %get3A_80 = tpu.vector_load %arg8[%get3A_78, %get3A_79] {strides = array<i32>} : memref<32x1024xf32, #tpu.memory_space<vmem>>, vector<1x16xf32>,
        %get3A_81 = vector.shape_cast %get3A_80 : vector<1x16xf32> to vector<16xf32>
        %mul3A_82 = arith.mulf %get3A_81, %get3A_55 : vector<16xf32>
        %get3A_83 = arith.index_cast %scan3A_48 : i32 to index
        %get3A_84 = arith.constant 16 : index
        %get3A_85 = tpu.vector_load %arg9[%get3A_83, %get3A_84] {strides = array<i32>} : memref<32x1024xf32, #tpu.memory_space<vmem>>, vector<1x16xf32>,
        %get3A_86 = vector.shape_cast %get3A_85 : vector<1x16xf32> to vector<16xf32>
        %mul3A_87 = arith.mulf %get3A_86, %get3A_62 : vector<16xf32>
        %add3A_88 = arith.addf %mul3A_82, %mul3A_87 : vector<16xf32>
        %swap3A_89 = arith.index_cast %scan3A_48 : i32 to index
        %swap3A_90 = arith.constant 16 : index
        %swap3A_91 = tpu.vector_load %arg8[%swap3A_89, %swap3A_90] {strides = array<i32>} : memref<32x1024xf32, #tpu.memory_space<vmem>>, vector<1x16xf32>,
        %swap3A_92 = vector.shape_cast %swap3A_91 : vector<1x16xf32> to vector<16xf32>
        %swap3A_93 = vector.shape_cast %add3A_88 : vector<16xf32> to vector<1x16xf32>
        tpu.vector_store %arg8[%swap3A_89, %swap3A_90], %swap3A_93 {strides = array<i32>} : memref<32x1024xf32, #tpu.memory_space<vmem>>, vector<1x16xf32>,
        %get3A_94 = arith.index_cast %scan3A_48 : i32 to index
        %get3A_95 = arith.constant 32 : index
        %get3A_96 = tpu.vector_load %arg8[%get3A_94, %get3A_95] {strides = array<i32>} : memref<32x1024xf32, #tpu.memory_space<vmem>>, vector<1x16xf32>,
        %get3A_97 = vector.shape_cast %get3A_96 : vector<1x16xf32> to vector<16xf32>
        %mul3A_98 = arith.mulf %get3A_97, %get3A_55 : vector<16xf32>
        %get3A_99 = arith.index_cast %scan3A_48 : i32 to index
        %get3A_100 = arith.constant 32 : index
        %get3A_101 = tpu.vector_load %arg9[%get3A_99, %get3A_100] {strides = array<i32>} : memref<32x1024xf32, #tpu.memory_space<vmem>>, vector<1x16xf32>,
        %get3A_102 = vector.shape_cast %get3A_101 : vector<1x16xf32> to vector<16xf32>
        %mul3A_103 = arith.mulf %get3A_102, %get3A_62 : vector<16xf32>
        %add3A_104 = arith.addf %mul3A_98, %mul3A_103 : vector<16xf32>
        %swap3A_105 = arith.index_cast %scan3A_48 : i32 to index
        %swap3A_106 = arith.constant 32 : index
        %swap3A_107 = tpu.vector_load %arg8[%swap3A_105, %swap3A_106] {strides = array<i32>} : memref<32x1024xf32, #tpu.memory_space<vmem>>, vector<1x16xf32>,
        %swap3A_108 = vector.shape_cast %swap3A_107 : vector<1x16xf32> to vector<16xf32>
        %swap3A_109 = vector.shape_cast %add3A_104 : vector<16xf32> to vector<1x16xf32>
        tpu.vector_store %arg8[%swap3A_105, %swap3A_106], %swap3A_109 {strides = array<i32>} : memref<32x1024xf32, #tpu.memory_space<vmem>>, vector<1x16xf32>,
        %get3A_110 = arith.index_cast %scan3A_48 : i32 to index
        %get3A_111 = arith.constant 48 : index
        %get3A_112 = tpu.vector_load %arg8[%get3A_110, %get3A_111] {strides = array<i32>} : memref<32x1024xf32, #tpu.memory_space<vmem>>, vector<1x16xf32>,
        %get3A_113 = vector.shape_cast %get3A_112 : vector<1x16xf32> to vector<16xf32>
        %mul3A_114 = arith.mulf %get3A_113, %get3A_55 : vector<16xf32>
        %get3A_115 = arith.index_cast %scan3A_48 : i32 to index
        %get3A_116 = arith.constant 48 : index
        %get3A_117 = tpu.vector_load %arg9[%get3A_115, %get3A_116] {strides = array<i32>} : memref<32x1024xf32, #tpu.memory_space<vmem>>, vector<1x16xf32>,
        %get3A_118 = vector.shape_cast %get3A_117 : vector<1x16xf32> to vector<16xf32>
        %mul3A_119 = arith.mulf %get3A_118, %get3A_62 : vector<16xf32>
        %add3A_120 = arith.addf %mul3A_114, %mul3A_119 : vector<16xf32>
        %swap3A_121 = arith.index_cast %scan3A_48 : i32 to index
        %swap3A_122 = arith.constant 48 : index
        %swap3A_123 = tpu.vector_load %arg8[%swap3A_121, %swap3A_122] {strides = array<i32>} : memref<32x1024xf32, #tpu.memory_space<vmem>>, vector<1x16xf32>,
        %swap3A_124 = vector.shape_cast %swap3A_123 : vector<1x16xf32> to vector<16xf32>
        %swap3A_125 = vector.shape_cast %add3A_120 : vector<16xf32> to vector<1x16xf32>
        tpu.vector_store %arg8[%swap3A_121, %swap3A_122], %swap3A_125 {strides = array<i32>} : memref<32x1024xf32, #tpu.memory_space<vmem>>, vector<1x16xf32>,
        %get3A_126 = arith.index_cast %scan3A_48 : i32 to index
        %get3A_127 = arith.constant 64 : index
        %get3A_128 = tpu.vector_load %arg8[%get3A_126, %get3A_127] {strides = array<i32>} : memref<32x1024xf32, #tpu.memory_space<vmem>>, vector<1x16xf32>,
        %get3A_129 = vector.shape_cast %get3A_128 : vector<1x16xf32> to vector<16xf32>
        %mul3A_130 = arith.mulf %get3A_129, %get3A_55 : vector<16xf32>
        %get3A_131 = arith.index_cast %scan3A_48 : i32 to index
        %get3A_132 = arith.constant 64 : index
        %get3A_133 = tpu.vector_load %arg9[%get3A_131, %get3A_132] {strides = array<i32>} : memref<32x1024xf32, #tpu.memory_space<vmem>>, vector<1x16xf32>,
        %get3A_134 = vector.shape_cast %get3A_133 : vector<1x16xf32> to vector<16xf32>
        %mul3A_135 = arith.mulf %get3A_134, %get3A_62 : vector<16xf32>
        %add3A_136 = arith.addf %mul3A_130, %mul3A_135 : vector<16xf32>
        %swap3A_137 = arith.index_cast %scan3A_48 : i32 to index
        %swap3A_138 = arith.constant 64 : index
        %swap3A_139 = tpu.vector_load %arg8[%swap3A_137, %swap3A_138] {strides = array<i32>} : memref<32x1024xf32, #tpu.memory_space<vmem>>, vector<1x16xf32>,
        %swap3A_140 = vector.shape_cast %swap3A_139 : vector<1x16xf32> to vector<16xf32>
        %swap3A_141 = vector.shape_cast %add3A_136 : vector<16xf32> to vector<1x16xf32>
        tpu.vector_store %arg8[%swap3A_137, %swap3A_138], %swap3A_141 {strides = array<i32>} : memref<32x1024xf32, #tpu.memory_space<vmem>>, vector<1x16xf32>,
        %get3A_142 = arith.index_cast %scan3A_48 : i32 to index
        %get3A_143 = arith.constant 80 : index
        %get3A_144 = tpu.vector_load %arg8[%get3A_142, %get3A_143] {strides = array<i32>} : memref<32x1024xf32, #tpu.memory_space<vmem>>, vector<1x16xf32>,
        %get3A_145 = vector.shape_cast %get3A_144 : vector<1x16xf32> to vector<16xf32>
        %mul3A_146 = arith.mulf %get3A_145, %get3A_55 : vector<16xf32>
        %get3A_147 = arith.index_cast %scan3A_48 : i32 to index
        %get3A_148 = arith.constant 80 : index
        %get3A_149 = tpu.vector_load %arg9[%get3A_147, %get3A_148] {strides = array<i32>} : memref<32x1024xf32, #tpu.memory_space<vmem>>, vector<1x16xf32>,
        %get3A_150 = vector.shape_cast %get3A_149 : vector<1x16xf32> to vector<16xf32>
        %mul3A_151 = arith.mulf %get3A_150, %get3A_62 : vector<16xf32>
        %add3A_152 = arith.addf %mul3A_146, %mul3A_151 : vector<16xf32>
        %swap3A_153 = arith.index_cast %scan3A_48 : i32 to index
        %swap3A_154 = arith.constant 80 : index
        %swap3A_155 = tpu.vector_load %arg8[%swap3A_153, %swap3A_154] {strides = array<i32>} : memref<32x1024xf32, #tpu.memory_space<vmem>>, vector<1x16xf32>,
        %swap3A_156 = vector.shape_cast %swap3A_155 : vector<1x16xf32> to vector<16xf32>
        %swap3A_157 = vector.shape_cast %add3A_152 : vector<16xf32> to vector<1x16xf32>
        tpu.vector_store %arg8[%swap3A_153, %swap3A_154], %swap3A_157 {strides = array<i32>} : memref<32x1024xf32, #tpu.memory_space<vmem>>, vector<1x16xf32>,
        %get3A_158 = arith.index_cast %scan3A_48 : i32 to index
        %get3A_159 = arith.constant 96 : index
        %get3A_160 = tpu.vector_load %arg8[%get3A_158, %get3A_159] {strides = array<i32>} : memref<32x1024xf32, #tpu.memory_space<vmem>>, vector<1x16xf32>,
        %get3A_161 = vector.shape_cast %get3A_160 : vector<1x16xf32> to vector<16xf32>
        %mul3A_162 = arith.mulf %get3A_161, %get3A_55 : vector<16xf32>
        %get3A_163 = arith.index_cast %scan3A_48 : i32 to index
        %get3A_164 = arith.constant 96 : index
        %get3A_165 = tpu.vector_load %arg9[%get3A_163, %get3A_164] {strides = array<i32>} : memref<32x1024xf32, #tpu.memory_space<vmem>>, vector<1x16xf32>,
        %get3A_166 = vector.shape_cast %get3A_165 : vector<1x16xf32> to vector<16xf32>
        %mul3A_167 = arith.mulf %get3A_166, %get3A_62 : vector<16xf32>
        %add3A_168 = arith.addf %mul3A_162, %mul3A_167 : vector<16xf32>
        %swap3A_169 = arith.index_cast %scan3A_48 : i32 to index
        %swap3A_170 = arith.constant 96 : index
        %swap3A_171 = tpu.vector_load %arg8[%swap3A_169, %swap3A_170] {strides = array<i32>} : memref<32x1024xf32, #tpu.memory_space<vmem>>, vector<1x16xf32>,
        %swap3A_172 = vector.shape_cast %swap3A_171 : vector<1x16xf32> to vector<16xf32>
        %swap3A_173 = vector.shape_cast %add3A_168 : vector<16xf32> to vector<1x16xf32>
        tpu.vector_store %arg8[%swap3A_169, %swap3A_170], %swap3A_173 {strides = array<i32>} : memref<32x1024xf32, #tpu.memory_space<vmem>>, vector<1x16xf32>,
        %get3A_174 = arith.index_cast %scan3A_48 : i32 to index
        %get3A_175 = arith.constant 112 : index
        %get3A_176 = tpu.vector_load %arg8[%get3A_174, %get3A_175] {strides = array<i32>} : memref<32x1024xf32, #tpu.memory_space<vmem>>, vector<1x16xf32>,
        %get3A_177 = vector.shape_cast %get3A_176 : vector<1x16xf32> to vector<16xf32>
        %mul3A_178 = arith.mulf %get3A_177, %get3A_55 : vector<16xf32>
        %get3A_179 = arith.index_cast %scan3A_48 : i32 to index
        %get3A_180 = arith.constant 112 : index
        %get3A_181 = tpu.vector_load %arg9[%get3A_179, %get3A_180] {strides = array<i32>} : memref<32x1024xf32, #tpu.memory_space<vmem>>, vector<1x16xf32>,
        %get3A_182 = vector.shape_cast %get3A_181 : vector<1x16xf32> to vector<16xf32>
        %mul3A_183 = arith.mulf %get3A_182, %get3A_62 : vector<16xf32>
        %add3A_184 = arith.addf %mul3A_178, %mul3A_183 : vector<16xf32>
        %swap3A_185 = arith.index_cast %scan3A_48 : i32 to index
        %swap3A_186 = arith.constant 112 : index
        %swap3A_187 = tpu.vector_load %arg8[%swap3A_185, %swap3A_186] {strides = array<i32>} : memref<32x1024xf32, #tpu.memory_space<vmem>>, vector<1x16xf32>,
        %swap3A_188 = vector.shape_cast %swap3A_187 : vector<1x16xf32> to vector<16xf32>
        %swap3A_189 = vector.shape_cast %add3A_184 : vector<16xf32> to vector<1x16xf32>
        tpu.vector_store %arg8[%swap3A_185, %swap3A_186], %swap3A_189 {strides = array<i32>} : memref<32x1024xf32, #tpu.memory_space<vmem>>, vector<1x16xf32>,
        %get3A_190 = arith.index_cast %scan3A_48 : i32 to index
        %get3A_191 = arith.constant 128 : index
        %get3A_192 = tpu.vector_load %arg8[%get3A_190, %get3A_191] {strides = array<i32>} : memref<32x1024xf32, #tpu.memory_space<vmem>>, vector<1x16xf32>,
        %get3A_193 = vector.shape_cast %get3A_192 : vector<1x16xf32> to vector<16xf32>
        %mul3A_194 = arith.mulf %get3A_193, %get3A_55 : vector<16xf32>
        %get3A_195 = arith.index_cast %scan3A_48 : i32 to index
        %get3A_196 = arith.constant 128 : index
        %get3A_197 = tpu.vector_load %arg9[%get3A_195, %get3A_196] {strides = array<i32>} : memref<32x1024xf32, #tpu.memory_space<vmem>>, vector<1x16xf32>,
        %get3A_198 = vector.shape_cast %get3A_197 : vector<1x16xf32> to vector<16xf32>
        %mul3A_199 = arith.mulf %get3A_198, %get3A_62 : vector<16xf32>
        %add3A_200 = arith.addf %mul3A_194, %mul3A_199 : vector<16xf32>
        %swap3A_201 = arith.index_cast %scan3A_48 : i32 to index
        %swap3A_202 = arith.constant 128 : index
        %swap3A_203 = tpu.vector_load %arg8[%swap3A_201, %swap3A_202] {strides = array<i32>} : memref<32x1024xf32, #tpu.memory_space<vmem>>, vector<1x16xf32>,
        %swap3A_204 = vector.shape_cast %swap3A_203 : vector<1x16xf32> to vector<16xf32>
        %swap3A_205 = vector.shape_cast %add3A_200 : vector<16xf32> to vector<1x16xf32>
        tpu.vector_store %arg8[%swap3A_201, %swap3A_202], %swap3A_205 {strides = array<i32>} : memref<32x1024xf32, #tpu.memory_space<vmem>>, vector<1x16xf32>,
        %get3A_206 = arith.index_cast %scan3A_48 : i32 to index
        %get3A_207 = arith.constant 144 : index
        %get3A_208 = tpu.vector_load %arg8[%get3A_206, %get3A_207] {strides = array<i32>} : memref<32x1024xf32, #tpu.memory_space<vmem>>, vector<1x16xf32>,
        %get3A_209 = vector.shape_cast %get3A_208 : vector<1x16xf32> to vector<16xf32>
        %mul3A_210 = arith.mulf %get3A_209, %get3A_55 : vector<16xf32>
        %get3A_211 = arith.index_cast %scan3A_48 : i32 to index
        %get3A_212 = arith.constant 144 : index
        %get3A_213 = tpu.vector_load %arg9[%get3A_211, %get3A_212] {strides = array<i32>} : memref<32x1024xf32, #tpu.memory_space<vmem>>, vector<1x16xf32>,
        %get3A_214 = vector.shape_cast %get3A_213 : vector<1x16xf32> to vector<16xf32>
        %mul3A_215 = arith.mulf %get3A_214, %get3A_62 : vector<16xf32>
        %add3A_216 = arith.addf %mul3A_210, %mul3A_215 : vector<16xf32>
        %swap3A_217 = arith.index_cast %scan3A_48 : i32 to index
        %swap3A_218 = arith.constant 144 : index
        %swap3A_219 = tpu.vector_load %arg8[%swap3A_217, %swap3A_218] {strides = array<i32>} : memref<32x1024xf32, #tpu.memory_space<vmem>>, vector<1x16xf32>,
        %swap3A_220 = vector.shape_cast %swap3A_219 : vector<1x16xf32> to vector<16xf32>
        %swap3A_221 = vector.shape_cast %add3A_216 : vector<16xf32> to vector<1x16xf32>
        tpu.vector_store %arg8[%swap3A_217, %swap3A_218], %swap3A_221 {strides = array<i32>} : memref<32x1024xf32, #tpu.memory_space<vmem>>, vector<1x16xf32>,
        %get3A_222 = arith.index_cast %scan3A_48 : i32 to index
        %get3A_223 = arith.constant 160 : index
        %get3A_224 = tpu.vector_load %arg8[%get3A_222, %get3A_223] {strides = array<i32>} : memref<32x1024xf32, #tpu.memory_space<vmem>>, vector<1x16xf32>,
        %get3A_225 = vector.shape_cast %get3A_224 : vector<1x16xf32> to vector<16xf32>
        %mul3A_226 = arith.mulf %get3A_225, %get3A_55 : vector<16xf32>
        %get3A_227 = arith.index_cast %scan3A_48 : i32 to index
        %get3A_228 = arith.constant 160 : index
        %get3A_229 = tpu.vector_load %arg9[%get3A_227, %get3A_228] {strides = array<i32>} : memref<32x1024xf32, #tpu.memory_space<vmem>>, vector<1x16xf32>,
        %get3A_230 = vector.shape_cast %get3A_229 : vector<1x16xf32> to vector<16xf32>
        %mul3A_231 = arith.mulf %get3A_230, %get3A_62 : vector<16xf32>
        %add3A_232 = arith.addf %mul3A_226, %mul3A_231 : vector<16xf32>
        %swap3A_233 = arith.index_cast %scan3A_48 : i32 to index
        %swap3A_234 = arith.constant 160 : index
        %swap3A_235 = tpu.vector_load %arg8[%swap3A_233, %swap3A_234] {strides = array<i32>} : memref<32x1024xf32, #tpu.memory_space<vmem>>, vector<1x16xf32>,
        %swap3A_236 = vector.shape_cast %swap3A_235 : vector<1x16xf32> to vector<16xf32>
        %swap3A_237 = vector.shape_cast %add3A_232 : vector<16xf32> to vector<1x16xf32>
        tpu.vector_store %arg8[%swap3A_233, %swap3A_234], %swap3A_237 {strides = array<i32>} : memref<32x1024xf32, #tpu.memory_space<vmem>>, vector<1x16xf32>,
        %get3A_238 = arith.index_cast %scan3A_48 : i32 to index
        %get3A_239 = arith.constant 176 : index
        %get3A_240 = tpu.vector_load %arg8[%get3A_238, %get3A_239] {strides = array<i32>} : memref<32x1024xf32, #tpu.memory_space<vmem>>, vector<1x16xf32>,
        %get3A_241 = vector.shape_cast %get3A_240 : vector<1x16xf32> to vector<16xf32>
        %mul3A_242 = arith.mulf %get3A_241, %get3A_55 : vector<16xf32>
        %get3A_243 = arith.index_cast %scan3A_48 : i32 to index
        %get3A_244 = arith.constant 176 : index
        %get3A_245 = tpu.vector_load %arg9[%get3A_243, %get3A_244] {strides = array<i32>} : memref<32x1024xf32, #tpu.memory_space<vmem>>, vector<1x16xf32>,
        %get3A_246 = vector.shape_cast %get3A_245 : vector<1x16xf32> to vector<16xf32>
        %mul3A_247 = arith.mulf %get3A_246, %get3A_62 : vector<16xf32>
        %add3A_248 = arith.addf %mul3A_242, %mul3A_247 : vector<16xf32>
        %swap3A_249 = arith.index_cast %scan3A_48 : i32 to index
        %swap3A_250 = arith.constant 176 : index
        %swap3A_251 = tpu.vector_load %arg8[%swap3A_249, %swap3A_250] {strides = array<i32>} : memref<32x1024xf32, #tpu.memory_space<vmem>>, vector<1x16xf32>,
        %swap3A_252 = vector.shape_cast %swap3A_251 : vector<1x16xf32> to vector<16xf32>
        %swap3A_253 = vector.shape_cast %add3A_248 : vector<16xf32> to vector<1x16xf32>
        tpu.vector_store %arg8[%swap3A_249, %swap3A_250], %swap3A_253 {strides = array<i32>} : memref<32x1024xf32, #tpu.memory_space<vmem>>, vector<1x16xf32>,
        %get3A_254 = arith.index_cast %scan3A_48 : i32 to index
        %get3A_255 = arith.constant 192 : index
        %get3A_256 = tpu.vector_load %arg8[%get3A_254, %get3A_255] {strides = array<i32>} : memref<32x1024xf32, #tpu.memory_space<vmem>>, vector<1x16xf32>,
        %get3A_257 = vector.shape_cast %get3A_256 : vector<1x16xf32> to vector<16xf32>
        %mul3A_258 = arith.mulf %get3A_257, %get3A_55 : vector<16xf32>
        %get3A_259 = arith.index_cast %scan3A_48 : i32 to index
        %get3A_260 = arith.constant 192 : index
        %get3A_261 = tpu.vector_load %arg9[%get3A_259, %get3A_260] {strides = array<i32>} : memref<32x1024xf32, #tpu.memory_space<vmem>>, vector<1x16xf32>,
        %get3A_262 = vector.shape_cast %get3A_261 : vector<1x16xf32> to vector<16xf32>
        %mul3A_263 = arith.mulf %get3A_262, %get3A_62 : vector<16xf32>
        %add3A_264 = arith.addf %mul3A_258, %mul3A_263 : vector<16xf32>
        %swap3A_265 = arith.index_cast %scan3A_48 : i32 to index
        %swap3A_266 = arith.constant 192 : index
        %swap3A_267 = tpu.vector_load %arg8[%swap3A_265, %swap3A_266] {strides = array<i32>} : memref<32x1024xf32, #tpu.memory_space<vmem>>, vector<1x16xf32>,
        %swap3A_268 = vector.shape_cast %swap3A_267 : vector<1x16xf32> to vector<16xf32>
        %swap3A_269 = vector.shape_cast %add3A_264 : vector<16xf32> to vector<1x16xf32>
        tpu.vector_store %arg8[%swap3A_265, %swap3A_266], %swap3A_269 {strides = array<i32>} : memref<32x1024xf32, #tpu.memory_space<vmem>>, vector<1x16xf32>,
        %get3A_270 = arith.index_cast %scan3A_48 : i32 to index
        %get3A_271 = arith.constant 208 : index
        %get3A_272 = tpu.vector_load %arg8[%get3A_270, %get3A_271] {strides = array<i32>} : memref<32x1024xf32, #tpu.memory_space<vmem>>, vector<1x16xf32>,
        %get3A_273 = vector.shape_cast %get3A_272 : vector<1x16xf32> to vector<16xf32>
        %mul3A_274 = arith.mulf %get3A_273, %get3A_55 : vector<16xf32>
        %get3A_275 = arith.index_cast %scan3A_48 : i32 to index
        %get3A_276 = arith.constant 208 : index
        %get3A_277 = tpu.vector_load %arg9[%get3A_275, %get3A_276] {strides = array<i32>} : memref<32x1024xf32, #tpu.memory_space<vmem>>, vector<1x16xf32>,
        %get3A_278 = vector.shape_cast %get3A_277 : vector<1x16xf32> to vector<16xf32>
        %mul3A_279 = arith.mulf %get3A_278, %get3A_62 : vector<16xf32>
        %add3A_280 = arith.addf %mul3A_274, %mul3A_279 : vector<16xf32>
        %swap3A_281 = arith.index_cast %scan3A_48 : i32 to index
        %swap3A_282 = arith.constant 208 : index
        %swap3A_283 = tpu.vector_load %arg8[%swap3A_281, %swap3A_282] {strides = array<i32>} : memref<32x1024xf32, #tpu.memory_space<vmem>>, vector<1x16xf32>,
        %swap3A_284 = vector.shape_cast %swap3A_283 : vector<1x16xf32> to vector<16xf32>
        %swap3A_285 = vector.shape_cast %add3A_280 : vector<16xf32> to vector<1x16xf32>
        tpu.vector_store %arg8[%swap3A_281, %swap3A_282], %swap3A_285 {strides = array<i32>} : memref<32x1024xf32, #tpu.memory_space<vmem>>, vector<1x16xf32>,
        %get3A_286 = arith.index_cast %scan3A_48 : i32 to index
        %get3A_287 = arith.constant 224 : index
        %get3A_288 = tpu.vector_load %arg8[%get3A_286, %get3A_287] {strides = array<i32>} : memref<32x1024xf32, #tpu.memory_space<vmem>>, vector<1x16xf32>,
        %get3A_289 = vector.shape_cast %get3A_288 : vector<1x16xf32> to vector<16xf32>
        %mul3A_290 = arith.mulf %get3A_289, %get3A_55 : vector<16xf32>
        %get3A_291 = arith.index_cast %scan3A_48 : i32 to index
        %get3A_292 = arith.constant 224 : index
        %get3A_293 = tpu.vector_load %arg9[%get3A_291, %get3A_292] {strides = array<i32>} : memref<32x1024xf32, #tpu.memory_space<vmem>>, vector<1x16xf32>,
        %get3A_294 = vector.shape_cast %get3A_293 : vector<1x16xf32> to vector<16xf32>
        %mul3A_295 = arith.mulf %get3A_294, %get3A_62 : vector<16xf32>
        %add3A_296 = arith.addf %mul3A_290, %mul3A_295 : vector<16xf32>
        %swap3A_297 = arith.index_cast %scan3A_48 : i32 to index
        %swap3A_298 = arith.constant 224 : index
        %swap3A_299 = tpu.vector_load %arg8[%swap3A_297, %swap3A_298] {strides = array<i32>} : memref<32x1024xf32, #tpu.memory_space<vmem>>, vector<1x16xf32>,
        %swap3A_300 = vector.shape_cast %swap3A_299 : vector<1x16xf32> to vector<16xf32>
        %swap3A_301 = vector.shape_cast %add3A_296 : vector<16xf32> to vector<1x16xf32>
        tpu.vector_store %arg8[%swap3A_297, %swap3A_298], %swap3A_301 {strides = array<i32>} : memref<32x1024xf32, #tpu.memory_space<vmem>>, vector<1x16xf32>,
        %get3A_302 = arith.index_cast %scan3A_48 : i32 to index
        %get3A_303 = arith.constant 240 : index
        %get3A_304 = tpu.vector_load %arg8[%get3A_302, %get3A_303] {strides = array<i32>} : memref<32x1024xf32, #tpu.memory_space<vmem>>, vector<1x16xf32>,
        %get3A_305 = vector.shape_cast %get3A_304 : vector<1x16xf32> to vector<16xf32>
        %mul3A_306 = arith.mulf %get3A_305, %get3A_55 : vector<16xf32>
        %get3A_307 = arith.index_cast %scan3A_48 : i32 to index
        %get3A_308 = arith.constant 240 : index
        %get3A_309 = tpu.vector_load %arg9[%get3A_307, %get3A_308] {strides = array<i32>} : memref<32x1024xf32, #tpu.memory_space<vmem>>, vector<1x16xf32>,
        %get3A_310 = vector.shape_cast %get3A_309 : vector<1x16xf32> to vector<16xf32>
        %mul3A_311 = arith.mulf %get3A_310, %get3A_62 : vector<16xf32>
        %add3A_312 = arith.addf %mul3A_306, %mul3A_311 : vector<16xf32>
        %swap3A_313 = arith.index_cast %scan3A_48 : i32 to index
        %swap3A_314 = arith.constant 240 : index
        %swap3A_315 = tpu.vector_load %arg8[%swap3A_313, %swap3A_314] {strides = array<i32>} : memref<32x1024xf32, #tpu.memory_space<vmem>>, vector<1x16xf32>,
        %swap3A_316 = vector.shape_cast %swap3A_315 : vector<1x16xf32> to vector<16xf32>
        %swap3A_317 = vector.shape_cast %add3A_312 : vector<16xf32> to vector<1x16xf32>
        tpu.vector_store %arg8[%swap3A_313, %swap3A_314], %swap3A_317 {strides = array<i32>} : memref<32x1024xf32, #tpu.memory_space<vmem>>, vector<1x16xf32>,
        %get3A_318 = arith.index_cast %scan3A_48 : i32 to index
        %get3A_319 = arith.constant 256 : index
        %get3A_320 = tpu.vector_load %arg8[%get3A_318, %get3A_319] {strides = array<i32>} : memref<32x1024xf32, #tpu.memory_space<vmem>>, vector<1x16xf32>,
        %get3A_321 = vector.shape_cast %get3A_320 : vector<1x16xf32> to vector<16xf32>
        %mul3A_322 = arith.mulf %get3A_321, %get3A_55 : vector<16xf32>
        %get3A_323 = arith.index_cast %scan3A_48 : i32 to index
        %get3A_324 = arith.constant 256 : index
        %get3A_325 = tpu.vector_load %arg9[%get3A_323, %get3A_324] {strides = array<i32>} : memref<32x1024xf32, #tpu.memory_space<vmem>>, vector<1x16xf32>,
        %get3A_326 = vector.shape_cast %get3A_325 : vector<1x16xf32> to vector<16xf32>
        %mul3A_327 = arith.mulf %get3A_326, %get3A_62 : vector<16xf32>
        %add3A_328 = arith.addf %mul3A_322, %mul3A_327 : vector<16xf32>
        %swap3A_329 = arith.index_cast %scan3A_48 : i32 to index
        %swap3A_330 = arith.constant 256 : index
        %swap3A_331 = tpu.vector_load %arg8[%swap3A_329, %swap3A_330] {strides = array<i32>} : memref<32x1024xf32, #tpu.memory_space<vmem>>, vector<1x16xf32>,
        %swap3A_332 = vector.shape_cast %swap3A_331 : vector<1x16xf32> to vector<16xf32>
        %swap3A_333 = vector.shape_cast %add3A_328 : vector<16xf32> to vector<1x16xf32>
        tpu.vector_store %arg8[%swap3A_329, %swap3A_330], %swap3A_333 {strides = array<i32>} : memref<32x1024xf32, #tpu.memory_space<vmem>>, vector<1x16xf32>,
        %get3A_334 = arith.index_cast %scan3A_48 : i32 to index
        %get3A_335 = arith.constant 272 : index
        %get3A_336 = tpu.vector_load %arg8[%get3A_334, %get3A_335] {strides = array<i32>} : memref<32x1024xf32, #tpu.memory_space<vmem>>, vector<1x16xf32>,
        %get3A_337 = vector.shape_cast %get3A_336 : vector<1x16xf32> to vector<16xf32>
        %mul3A_338 = arith.mulf %get3A_337, %get3A_55 : vector<16xf32>
        %get3A_339 = arith.index_cast %scan3A_48 : i32 to index
        %get3A_340 = arith.constant 272 : index
        %get3A_341 = tpu.vector_load %arg9[%get3A_339, %get3A_340] {strides = array<i32>} : memref<32x1024xf32, #tpu.memory_space<vmem>>, vector<1x16xf32>,
        %get3A_342 = vector.shape_cast %get3A_341 : vector<1x16xf32> to vector<16xf32>
        %mul3A_343 = arith.mulf %get3A_342, %get3A_62 : vector<16xf32>
        %add3A_344 = arith.addf %mul3A_338, %mul3A_343 : vector<16xf32>
        %swap3A_345 = arith.index_cast %scan3A_48 : i32 to index
        %swap3A_346 = arith.constant 272 : index
        %swap3A_347 = tpu.vector_load %arg8[%swap3A_345, %swap3A_346] {strides = array<i32>} : memref<32x1024xf32, #tpu.memory_space<vmem>>, vector<1x16xf32>,
        %swap3A_348 = vector.shape_cast %swap3A_347 : vector<1x16xf32> to vector<16xf32>
        %swap3A_349 = vector.shape_cast %add3A_344 : vector<16xf32> to vector<1x16xf32>
        tpu.vector_store %arg8[%swap3A_345, %swap3A_346], %swap3A_349 {strides = array<i32>} : memref<32x1024xf32, #tpu.memory_space<vmem>>, vector<1x16xf32>,
        %get3A_350 = arith.index_cast %scan3A_48 : i32 to index
        %get3A_351 = arith.constant 288 : index
        %get3A_352 = tpu.vector_load %arg8[%get3A_350, %get3A_351] {strides = array<i32>} : memref<32x1024xf32, #tpu.memory_space<vmem>>, vector<1x16xf32>,
        %get3A_353 = vector.shape_cast %get3A_352 : vector<1x16xf32> to vector<16xf32>
        %mul3A_354 = arith.mulf %get3A_353, %get3A_55 : vector<16xf32>
        %get3A_355 = arith.index_cast %scan3A_48 : i32 to index
        %get3A_356 = arith.constant 288 : index
        %get3A_357 = tpu.vector_load %arg9[%get3A_355, %get3A_356] {strides = array<i32>} : memref<32x1024xf32, #tpu.memory_space<vmem>>, vector<1x16xf32>,
        %get3A_358 = vector.shape_cast %get3A_357 : vector<1x16xf32> to vector<16xf32>
        %mul3A_359 = arith.mulf %get3A_358, %get3A_62 : vector<16xf32>
        %add3A_360 = arith.addf %mul3A_354, %mul3A_359 : vector<16xf32>
        %swap3A_361 = arith.index_cast %scan3A_48 : i32 to index
        %swap3A_362 = arith.constant 288 : index
        %swap3A_363 = tpu.vector_load %arg8[%swap3A_361, %swap3A_362] {strides = array<i32>} : memref<32x1024xf32, #tpu.memory_space<vmem>>, vector<1x16xf32>,
        %swap3A_364 = vector.shape_cast %swap3A_363 : vector<1x16xf32> to vector<16xf32>
        %swap3A_365 = vector.shape_cast %add3A_360 : vector<16xf32> to vector<1x16xf32>
        tpu.vector_store %arg8[%swap3A_361, %swap3A_362], %swap3A_365 {strides = array<i32>} : memref<32x1024xf32, #tpu.memory_space<vmem>>, vector<1x16xf32>,
        %get3A_366 = arith.index_cast %scan3A_48 : i32 to index
        %get3A_367 = arith.constant 304 : index
        %get3A_368 = tpu.vector_load %arg8[%get3A_366, %get3A_367] {strides = array<i32>} : memref<32x1024xf32, #tpu.memory_space<vmem>>, vector<1x16xf32>,
        %get3A_369 = vector.shape_cast %get3A_368 : vector<1x16xf32> to vector<16xf32>
        %mul3A_370 = arith.mulf %get3A_369, %get3A_55 : vector<16xf32>
        %get3A_371 = arith.index_cast %scan3A_48 : i32 to index
        %get3A_372 = arith.constant 304 : index
        %get3A_373 = tpu.vector_load %arg9[%get3A_371, %get3A_372] {strides = array<i32>} : memref<32x1024xf32, #tpu.memory_space<vmem>>, vector<1x16xf32>,
        %get3A_374 = vector.shape_cast %get3A_373 : vector<1x16xf32> to vector<16xf32>
        %mul3A_375 = arith.mulf %get3A_374, %get3A_62 : vector<16xf32>
        %add3A_376 = arith.addf %mul3A_370, %mul3A_375 : vector<16xf32>
        %swap3A_377 = arith.index_cast %scan3A_48 : i32 to index
        %swap3A_378 = arith.constant 304 : index
        %swap3A_379 = tpu.vector_load %arg8[%swap3A_377, %swap3A_378] {strides = array<i32>} : memref<32x1024xf32, #tpu.memory_space<vmem>>, vector<1x16xf32>,
        %swap3A_380 = vector.shape_cast %swap3A_379 : vector<1x16xf32> to vector<16xf32>
        %swap3A_381 = vector.shape_cast %add3A_376 : vector<16xf32> to vector<1x16xf32>
        tpu.vector_store %arg8[%swap3A_377, %swap3A_378], %swap3A_381 {strides = array<i32>} : memref<32x1024xf32, #tpu.memory_space<vmem>>, vector<1x16xf32>,
        %get3A_382 = arith.index_cast %scan3A_48 : i32 to index
        %get3A_383 = arith.constant 320 : index
        %get3A_384 = tpu.vector_load %arg8[%get3A_382, %get3A_383] {strides = array<i32>} : memref<32x1024xf32, #tpu.memory_space<vmem>>, vector<1x16xf32>,
        %get3A_385 = vector.shape_cast %get3A_384 : vector<1x16xf32> to vector<16xf32>
        %mul3A_386 = arith.mulf %get3A_385, %get3A_55 : vector<16xf32>
        %get3A_387 = arith.index_cast %scan3A_48 : i32 to index
        %get3A_388 = arith.constant 320 : index
        %get3A_389 = tpu.vector_load %arg9[%get3A_387, %get3A_388] {strides = array<i32>} : memref<32x1024xf32, #tpu.memory_space<vmem>>, vector<1x16xf32>,
        %get3A_390 = vector.shape_cast %get3A_389 : vector<1x16xf32> to vector<16xf32>
        %mul3A_391 = arith.mulf %get3A_390, %get3A_62 : vector<16xf32>
        %add3A_392 = arith.addf %mul3A_386, %mul3A_391 : vector<16xf32>
        %swap3A_393 = arith.index_cast %scan3A_48 : i32 to index
        %swap3A_394 = arith.constant 320 : index
        %swap3A_395 = tpu.vector_load %arg8[%swap3A_393, %swap3A_394] {strides = array<i32>} : memref<32x1024xf32, #tpu.memory_space<vmem>>, vector<1x16xf32>,
        %swap3A_396 = vector.shape_cast %swap3A_395 : vector<1x16xf32> to vector<16xf32>
        %swap3A_397 = vector.shape_cast %add3A_392 : vector<16xf32> to vector<1x16xf32>
        tpu.vector_store %arg8[%swap3A_393, %swap3A_394], %swap3A_397 {strides = array<i32>} : memref<32x1024xf32, #tpu.memory_space<vmem>>, vector<1x16xf32>,
        %get3A_398 = arith.index_cast %scan3A_48 : i32 to index
        %get3A_399 = arith.constant 336 : index
        %get3A_400 = tpu.vector_load %arg8[%get3A_398, %get3A_399] {strides = array<i32>} : memref<32x1024xf32, #tpu.memory_space<vmem>>, vector<1x16xf32>,
        %get3A_401 = vector.shape_cast %get3A_400 : vector<1x16xf32> to vector<16xf32>
        %mul3A_402 = arith.mulf %get3A_401, %get3A_55 : vector<16xf32>
        %get3A_403 = arith.index_cast %scan3A_48 : i32 to index
        %get3A_404 = arith.constant 336 : index
        %get3A_405 = tpu.vector_load %arg9[%get3A_403, %get3A_404] {strides = array<i32>} : memref<32x1024xf32, #tpu.memory_space<vmem>>, vector<1x16xf32>,
        %get3A_406 = vector.shape_cast %get3A_405 : vector<1x16xf32> to vector<16xf32>
        %mul3A_407 = arith.mulf %get3A_406, %get3A_62 : vector<16xf32>
        %add3A_408 = arith.addf %mul3A_402, %mul3A_407 : vector<16xf32>
        %swap3A_409 = arith.index_cast %scan3A_48 : i32 to index
        %swap3A_410 = arith.constant 336 : index
        %swap3A_411 = tpu.vector_load %arg8[%swap3A_409, %swap3A_410] {strides = array<i32>} : memref<32x1024xf32, #tpu.memory_space<vmem>>, vector<1x16xf32>,
        %swap3A_412 = vector.shape_cast %swap3A_411 : vector<1x16xf32> to vector<16xf32>
        %swap3A_413 = vector.shape_cast %add3A_408 : vector<16xf32> to vector<1x16xf32>
        tpu.vector_store %arg8[%swap3A_409, %swap3A_410], %swap3A_413 {strides = array<i32>} : memref<32x1024xf32, #tpu.memory_space<vmem>>, vector<1x16xf32>,
        %get3A_414 = arith.index_cast %scan3A_48 : i32 to index
        %get3A_415 = arith.constant 352 : index
        %get3A_416 = tpu.vector_load %arg8[%get3A_414, %get3A_415] {strides = array<i32>} : memref<32x1024xf32, #tpu.memory_space<vmem>>, vector<1x16xf32>,
        %get3A_417 = vector.shape_cast %get3A_416 : vector<1x16xf32> to vector<16xf32>
        %mul3A_418 = arith.mulf %get3A_417, %get3A_55 : vector<16xf32>
        %get3A_419 = arith.index_cast %scan3A_48 : i32 to index
        %get3A_420 = arith.constant 352 : index
        %get3A_421 = tpu.vector_load %arg9[%get3A_419, %get3A_420] {strides = array<i32>} : memref<32x1024xf32, #tpu.memory_space<vmem>>, vector<1x16xf32>,
        %get3A_422 = vector.shape_cast %get3A_421 : vector<1x16xf32> to vector<16xf32>
        %mul3A_423 = arith.mulf %get3A_422, %get3A_62 : vector<16xf32>
        %add3A_424 = arith.addf %mul3A_418, %mul3A_423 : vector<16xf32>
        %swap3A_425 = arith.index_cast %scan3A_48 : i32 to index
        %swap3A_426 = arith.constant 352 : index
        %swap3A_427 = tpu.vector_load %arg8[%swap3A_425, %swap3A_426] {strides = array<i32>} : memref<32x1024xf32, #tpu.memory_space<vmem>>, vector<1x16xf32>,
        %swap3A_428 = vector.shape_cast %swap3A_427 : vector<1x16xf32> to vector<16xf32>
        %swap3A_429 = vector.shape_cast %add3A_424 : vector<16xf32> to vector<1x16xf32>
        tpu.vector_store %arg8[%swap3A_425, %swap3A_426], %swap3A_429 {strides = array<i32>} : memref<32x1024xf32, #tpu.memory_space<vmem>>, vector<1x16xf32>,
        %get3A_430 = arith.index_cast %scan3A_48 : i32 to index
        %get3A_431 = arith.constant 368 : index
        %get3A_432 = tpu.vector_load %arg8[%get3A_430, %get3A_431] {strides = array<i32>} : memref<32x1024xf32, #tpu.memory_space<vmem>>, vector<1x16xf32>,
        %get3A_433 = vector.shape_cast %get3A_432 : vector<1x16xf32> to vector<16xf32>
        %mul3A_434 = arith.mulf %get3A_433, %get3A_55 : vector<16xf32>
        %get3A_435 = arith.index_cast %scan3A_48 : i32 to index
        %get3A_436 = arith.constant 368 : index
        %get3A_437 = tpu.vector_load %arg9[%get3A_435, %get3A_436] {strides = array<i32>} : memref<32x1024xf32, #tpu.memory_space<vmem>>, vector<1x16xf32>,
        %get3A_438 = vector.shape_cast %get3A_437 : vector<1x16xf32> to vector<16xf32>
        %mul3A_439 = arith.mulf %get3A_438, %get3A_62 : vector<16xf32>
        %add3A_440 = arith.addf %mul3A_434, %mul3A_439 : vector<16xf32>
        %swap3A_441 = arith.index_cast %scan3A_48 : i32 to index
        %swap3A_442 = arith.constant 368 : index
        %swap3A_443 = tpu.vector_load %arg8[%swap3A_441, %swap3A_442] {strides = array<i32>} : memref<32x1024xf32, #tpu.memory_space<vmem>>, vector<1x16xf32>,
        %swap3A_444 = vector.shape_cast %swap3A_443 : vector<1x16xf32> to vector<16xf32>
        %swap3A_445 = vector.shape_cast %add3A_440 : vector<16xf32> to vector<1x16xf32>
        tpu.vector_store %arg8[%swap3A_441, %swap3A_442], %swap3A_445 {strides = array<i32>} : memref<32x1024xf32, #tpu.memory_space<vmem>>, vector<1x16xf32>,
        %get3A_446 = arith.index_cast %scan3A_48 : i32 to index
        %get3A_447 = arith.constant 384 : index
        %get3A_448 = tpu.vector_load %arg8[%get3A_446, %get3A_447] {strides = array<i32>} : memref<32x1024xf32, #tpu.memory_space<vmem>>, vector<1x16xf32>,
        %get3A_449 = vector.shape_cast %get3A_448 : vector<1x16xf32> to vector<16xf32>
        %mul3A_450 = arith.mulf %get3A_449, %get3A_55 : vector<16xf32>
        %get3A_451 = arith.index_cast %scan3A_48 : i32 to index
        %get3A_452 = arith.constant 384 : index
        %get3A_453 = tpu.vector_load %arg9[%get3A_451, %get3A_452] {strides = array<i32>} : memref<32x1024xf32, #tpu.memory_space<vmem>>, vector<1x16xf32>,
        %get3A_454 = vector.shape_cast %get3A_453 : vector<1x16xf32> to vector<16xf32>
        %mul3A_455 = arith.mulf %get3A_454, %get3A_62 : vector<16xf32>
        %add3A_456 = arith.addf %mul3A_450, %mul3A_455 : vector<16xf32>
        %swap3A_457 = arith.index_cast %scan3A_48 : i32 to index
        %swap3A_458 = arith.constant 384 : index
        %swap3A_459 = tpu.vector_load %arg8[%swap3A_457, %swap3A_458] {strides = array<i32>} : memref<32x1024xf32, #tpu.memory_space<vmem>>, vector<1x16xf32>,
        %swap3A_460 = vector.shape_cast %swap3A_459 : vector<1x16xf32> to vector<16xf32>
        %swap3A_461 = vector.shape_cast %add3A_456 : vector<16xf32> to vector<1x16xf32>
        tpu.vector_store %arg8[%swap3A_457, %swap3A_458], %swap3A_461 {strides = array<i32>} : memref<32x1024xf32, #tpu.memory_space<vmem>>, vector<1x16xf32>,
        %get3A_462 = arith.index_cast %scan3A_48 : i32 to index
        %get3A_463 = arith.constant 400 : index
        %get3A_464 = tpu.vector_load %arg8[%get3A_462, %get3A_463] {strides = array<i32>} : memref<32x1024xf32, #tpu.memory_space<vmem>>, vector<1x16xf32>,
        %get3A_465 = vector.shape_cast %get3A_464 : vector<1x16xf32> to vector<16xf32>
        %mul3A_466 = arith.mulf %get3A_465, %get3A_55 : vector<16xf32>
        %get3A_467 = arith.index_cast %scan3A_48 : i32 to index
        %get3A_468 = arith.constant 400 : index
        %get3A_469 = tpu.vector_load %arg9[%get3A_467, %get3A_468] {strides = array<i32>} : memref<32x1024xf32, #tpu.memory_space<vmem>>, vector<1x16xf32>,
        %get3A_470 = vector.shape_cast %get3A_469 : vector<1x16xf32> to vector<16xf32>
        %mul3A_471 = arith.mulf %get3A_470, %get3A_62 : vector<16xf32>
        %add3A_472 = arith.addf %mul3A_466, %mul3A_471 : vector<16xf32>
        %swap3A_473 = arith.index_cast %scan3A_48 : i32 to index
        %swap3A_474 = arith.constant 400 : index
        %swap3A_475 = tpu.vector_load %arg8[%swap3A_473, %swap3A_474] {strides = array<i32>} : memref<32x1024xf32, #tpu.memory_space<vmem>>, vector<1x16xf32>,
        %swap3A_476 = vector.shape_cast %swap3A_475 : vector<1x16xf32> to vector<16xf32>
        %swap3A_477 = vector.shape_cast %add3A_472 : vector<16xf32> to vector<1x16xf32>
        tpu.vector_store %arg8[%swap3A_473, %swap3A_474], %swap3A_477 {strides = array<i32>} : memref<32x1024xf32, #tpu.memory_space<vmem>>, vector<1x16xf32>,
        %get3A_478 = arith.index_cast %scan3A_48 : i32 to index
        %get3A_479 = arith.constant 416 : index
        %get3A_480 = tpu.vector_load %arg8[%get3A_478, %get3A_479] {strides = array<i32>} : memref<32x1024xf32, #tpu.memory_space<vmem>>, vector<1x16xf32>,
        %get3A_481 = vector.shape_cast %get3A_480 : vector<1x16xf32> to vector<16xf32>
        %mul3A_482 = arith.mulf %get3A_481, %get3A_55 : vector<16xf32>
        %get3A_483 = arith.index_cast %scan3A_48 : i32 to index
        %get3A_484 = arith.constant 416 : index
        %get3A_485 = tpu.vector_load %arg9[%get3A_483, %get3A_484] {strides = array<i32>} : memref<32x1024xf32, #tpu.memory_space<vmem>>, vector<1x16xf32>,
        %get3A_486 = vector.shape_cast %get3A_485 : vector<1x16xf32> to vector<16xf32>
        %mul3A_487 = arith.mulf %get3A_486, %get3A_62 : vector<16xf32>
        %add3A_488 = arith.addf %mul3A_482, %mul3A_487 : vector<16xf32>
        %swap3A_489 = arith.index_cast %scan3A_48 : i32 to index
        %swap3A_490 = arith.constant 416 : index
        %swap3A_491 = tpu.vector_load %arg8[%swap3A_489, %swap3A_490] {strides = array<i32>} : memref<32x1024xf32, #tpu.memory_space<vmem>>, vector<1x16xf32>,
        %swap3A_492 = vector.shape_cast %swap3A_491 : vector<1x16xf32> to vector<16xf32>
        %swap3A_493 = vector.shape_cast %add3A_488 : vector<16xf32> to vector<1x16xf32>
        tpu.vector_store %arg8[%swap3A_489, %swap3A_490], %swap3A_493 {strides = array<i32>} : memref<32x1024xf32, #tpu.memory_space<vmem>>, vector<1x16xf32>,
        %get3A_494 = arith.index_cast %scan3A_48 : i32 to index
        %get3A_495 = arith.constant 432 : index
        %get3A_496 = tpu.vector_load %arg8[%get3A_494, %get3A_495] {strides = array<i32>} : memref<32x1024xf32, #tpu.memory_space<vmem>>, vector<1x16xf32>,
        %get3A_497 = vector.shape_cast %get3A_496 : vector<1x16xf32> to vector<16xf32>
        %mul3A_498 = arith.mulf %get3A_497, %get3A_55 : vector<16xf32>
        %get3A_499 = arith.index_cast %scan3A_48 : i32 to index
        %get3A_500 = arith.constant 432 : index
        %get3A_501 = tpu.vector_load %arg9[%get3A_499, %get3A_500] {strides = array<i32>} : memref<32x1024xf32, #tpu.memory_space<vmem>>, vector<1x16xf32>,
        %get3A_502 = vector.shape_cast %get3A_501 : vector<1x16xf32> to vector<16xf32>
        %mul3A_503 = arith.mulf %get3A_502, %get3A_62 : vector<16xf32>
        %add3A_504 = arith.addf %mul3A_498, %mul3A_503 : vector<16xf32>
        %swap3A_505 = arith.index_cast %scan3A_48 : i32 to index
        %swap3A_506 = arith.constant 432 : index
        %swap3A_507 = tpu.vector_load %arg8[%swap3A_505, %swap3A_506] {strides = array<i32>} : memref<32x1024xf32, #tpu.memory_space<vmem>>, vector<1x16xf32>,
        %swap3A_508 = vector.shape_cast %swap3A_507 : vector<1x16xf32> to vector<16xf32>
        %swap3A_509 = vector.shape_cast %add3A_504 : vector<16xf32> to vector<1x16xf32>
        tpu.vector_store %arg8[%swap3A_505, %swap3A_506], %swap3A_509 {strides = array<i32>} : memref<32x1024xf32, #tpu.memory_space<vmem>>, vector<1x16xf32>,
        %get3A_510 = arith.index_cast %scan3A_48 : i32 to index
        %get3A_511 = arith.constant 448 : index
        %get3A_512 = tpu.vector_load %arg8[%get3A_510, %get3A_511] {strides = array<i32>} : memref<32x1024xf32, #tpu.memory_space<vmem>>, vector<1x16xf32>,
        %get3A_513 = vector.shape_cast %get3A_512 : vector<1x16xf32> to vector<16xf32>
        %mul3A_514 = arith.mulf %get3A_513, %get3A_55 : vector<16xf32>
        %get3A_515 = arith.index_cast %scan3A_48 : i32 to index
        %get3A_516 = arith.constant 448 : index
        %get3A_517 = tpu.vector_load %arg9[%get3A_515, %get3A_516] {strides = array<i32>} : memref<32x1024xf32, #tpu.memory_space<vmem>>, vector<1x16xf32>,
        %get3A_518 = vector.shape_cast %get3A_517 : vector<1x16xf32> to vector<16xf32>
        %mul3A_519 = arith.mulf %get3A_518, %get3A_62 : vector<16xf32>
        %add3A_520 = arith.addf %mul3A_514, %mul3A_519 : vector<16xf32>
        %swap3A_521 = arith.index_cast %scan3A_48 : i32 to index
        %swap3A_522 = arith.constant 448 : index
        %swap3A_523 = tpu.vector_load %arg8[%swap3A_521, %swap3A_522] {strides = array<i32>} : memref<32x1024xf32, #tpu.memory_space<vmem>>, vector<1x16xf32>,
        %swap3A_524 = vector.shape_cast %swap3A_523 : vector<1x16xf32> to vector<16xf32>
        %swap3A_525 = vector.shape_cast %add3A_520 : vector<16xf32> to vector<1x16xf32>
        tpu.vector_store %arg8[%swap3A_521, %swap3A_522], %swap3A_525 {strides = array<i32>} : memref<32x1024xf32, #tpu.memory_space<vmem>>, vector<1x16xf32>,
        %get3A_526 = arith.index_cast %scan3A_48 : i32 to index
        %get3A_527 = arith.constant 464 : index
        %get3A_528 = tpu.vector_load %arg8[%get3A_526, %get3A_527] {strides = array<i32>} : memref<32x1024xf32, #tpu.memory_space<vmem>>, vector<1x16xf32>,
        %get3A_529 = vector.shape_cast %get3A_528 : vector<1x16xf32> to vector<16xf32>
        %mul3A_530 = arith.mulf %get3A_529, %get3A_55 : vector<16xf32>
        %get3A_531 = arith.index_cast %scan3A_48 : i32 to index
        %get3A_532 = arith.constant 464 : index
        %get3A_533 = tpu.vector_load %arg9[%get3A_531, %get3A_532] {strides = array<i32>} : memref<32x1024xf32, #tpu.memory_space<vmem>>, vector<1x16xf32>,
        %get3A_534 = vector.shape_cast %get3A_533 : vector<1x16xf32> to vector<16xf32>
        %mul3A_535 = arith.mulf %get3A_534, %get3A_62 : vector<16xf32>
        %add3A_536 = arith.addf %mul3A_530, %mul3A_535 : vector<16xf32>
        %swap3A_537 = arith.index_cast %scan3A_48 : i32 to index
        %swap3A_538 = arith.constant 464 : index
        %swap3A_539 = tpu.vector_load %arg8[%swap3A_537, %swap3A_538] {strides = array<i32>} : memref<32x1024xf32, #tpu.memory_space<vmem>>, vector<1x16xf32>,
        %swap3A_540 = vector.shape_cast %swap3A_539 : vector<1x16xf32> to vector<16xf32>
        %swap3A_541 = vector.shape_cast %add3A_536 : vector<16xf32> to vector<1x16xf32>
        tpu.vector_store %arg8[%swap3A_537, %swap3A_538], %swap3A_541 {strides = array<i32>} : memref<32x1024xf32, #tpu.memory_space<vmem>>, vector<1x16xf32>,
        %get3A_542 = arith.index_cast %scan3A_48 : i32 to index
        %get3A_543 = arith.constant 480 : index
        %get3A_544 = tpu.vector_load %arg8[%get3A_542, %get3A_543] {strides = array<i32>} : memref<32x1024xf32, #tpu.memory_space<vmem>>, vector<1x16xf32>,
        %get3A_545 = vector.shape_cast %get3A_544 : vector<1x16xf32> to vector<16xf32>
        %mul3A_546 = arith.mulf %get3A_545, %get3A_55 : vector<16xf32>
        %get3A_547 = arith.index_cast %scan3A_48 : i32 to index
        %get3A_548 = arith.constant 480 : index
        %get3A_549 = tpu.vector_load %arg9[%get3A_547, %get3A_548] {strides = array<i32>} : memref<32x1024xf32, #tpu.memory_space<vmem>>, vector<1x16xf32>,
        %get3A_550 = vector.shape_cast %get3A_549 : vector<1x16xf32> to vector<16xf32>
        %mul3A_551 = arith.mulf %get3A_550, %get3A_62 : vector<16xf32>
        %add3A_552 = arith.addf %mul3A_546, %mul3A_551 : vector<16xf32>
        %swap3A_553 = arith.index_cast %scan3A_48 : i32 to index
        %swap3A_554 = arith.constant 480 : index
        %swap3A_555 = tpu.vector_load %arg8[%swap3A_553, %swap3A_554] {strides = array<i32>} : memref<32x1024xf32, #tpu.memory_space<vmem>>, vector<1x16xf32>,
        %swap3A_556 = vector.shape_cast %swap3A_555 : vector<1x16xf32> to vector<16xf32>
        %swap3A_557 = vector.shape_cast %add3A_552 : vector<16xf32> to vector<1x16xf32>
        tpu.vector_store %arg8[%swap3A_553, %swap3A_554], %swap3A_557 {strides = array<i32>} : memref<32x1024xf32, #tpu.memory_space<vmem>>, vector<1x16xf32>,
        %get3A_558 = arith.index_cast %scan3A_48 : i32 to index
        %get3A_559 = arith.constant 496 : index
        %get3A_560 = tpu.vector_load %arg8[%get3A_558, %get3A_559] {strides = array<i32>} : memref<32x1024xf32, #tpu.memory_space<vmem>>, vector<1x16xf32>,
        %get3A_561 = vector.shape_cast %get3A_560 : vector<1x16xf32> to vector<16xf32>
        %mul3A_562 = arith.mulf %get3A_561, %get3A_55 : vector<16xf32>
        %get3A_563 = arith.index_cast %scan3A_48 : i32 to index
        %get3A_564 = arith.constant 496 : index
        %get3A_565 = tpu.vector_load %arg9[%get3A_563, %get3A_564] {strides = array<i32>} : memref<32x1024xf32, #tpu.memory_space<vmem>>, vector<1x16xf32>,
        %get3A_566 = vector.shape_cast %get3A_565 : vector<1x16xf32> to vector<16xf32>
        %mul3A_567 = arith.mulf %get3A_566, %get3A_62 : vector<16xf32>
        %add3A_568 = arith.addf %mul3A_562, %mul3A_567 : vector<16xf32>
        %swap3A_569 = arith.index_cast %scan3A_48 : i32 to index
        %swap3A_570 = arith.constant 496 : index
        %swap3A_571 = tpu.vector_load %arg8[%swap3A_569, %swap3A_570] {strides = array<i32>} : memref<32x1024xf32, #tpu.memory_space<vmem>>, vector<1x16xf32>,
        %swap3A_572 = vector.shape_cast %swap3A_571 : vector<1x16xf32> to vector<16xf32>
        %swap3A_573 = vector.shape_cast %add3A_568 : vector<16xf32> to vector<1x16xf32>
        tpu.vector_store %arg8[%swap3A_569, %swap3A_570], %swap3A_573 {strides = array<i32>} : memref<32x1024xf32, #tpu.memory_space<vmem>>, vector<1x16xf32>,
        %get3A_574 = arith.index_cast %scan3A_48 : i32 to index
        %get3A_575 = arith.constant 512 : index
        %get3A_576 = tpu.vector_load %arg8[%get3A_574, %get3A_575] {strides = array<i32>} : memref<32x1024xf32, #tpu.memory_space<vmem>>, vector<1x16xf32>,
        %get3A_577 = vector.shape_cast %get3A_576 : vector<1x16xf32> to vector<16xf32>
        %mul3A_578 = arith.mulf %get3A_577, %get3A_55 : vector<16xf32>
        %get3A_579 = arith.index_cast %scan3A_48 : i32 to index
        %get3A_580 = arith.constant 512 : index
        %get3A_581 = tpu.vector_load %arg9[%get3A_579, %get3A_580] {strides = array<i32>} : memref<32x1024xf32, #tpu.memory_space<vmem>>, vector<1x16xf32>,
        %get3A_582 = vector.shape_cast %get3A_581 : vector<1x16xf32> to vector<16xf32>
        %mul3A_583 = arith.mulf %get3A_582, %get3A_62 : vector<16xf32>
        %add3A_584 = arith.addf %mul3A_578, %mul3A_583 : vector<16xf32>
        %swap3A_585 = arith.index_cast %scan3A_48 : i32 to index
        %swap3A_586 = arith.constant 512 : index
        %swap3A_587 = tpu.vector_load %arg8[%swap3A_585, %swap3A_586] {strides = array<i32>} : memref<32x1024xf32, #tpu.memory_space<vmem>>, vector<1x16xf32>,
        %swap3A_588 = vector.shape_cast %swap3A_587 : vector<1x16xf32> to vector<16xf32>
        %swap3A_589 = vector.shape_cast %add3A_584 : vector<16xf32> to vector<1x16xf32>
        tpu.vector_store %arg8[%swap3A_585, %swap3A_586], %swap3A_589 {strides = array<i32>} : memref<32x1024xf32, #tpu.memory_space<vmem>>, vector<1x16xf32>,
        %get3A_590 = arith.index_cast %scan3A_48 : i32 to index
        %get3A_591 = arith.constant 528 : index
        %get3A_592 = tpu.vector_load %arg8[%get3A_590, %get3A_591] {strides = array<i32>} : memref<32x1024xf32, #tpu.memory_space<vmem>>, vector<1x16xf32>,
        %get3A_593 = vector.shape_cast %get3A_592 : vector<1x16xf32> to vector<16xf32>
        %mul3A_594 = arith.mulf %get3A_593, %get3A_55 : vector<16xf32>
        %get3A_595 = arith.index_cast %scan3A_48 : i32 to index
        %get3A_596 = arith.constant 528 : index
        %get3A_597 = tpu.vector_load %arg9[%get3A_595, %get3A_596] {strides = array<i32>} : memref<32x1024xf32, #tpu.memory_space<vmem>>, vector<1x16xf32>,
        %get3A_598 = vector.shape_cast %get3A_597 : vector<1x16xf32> to vector<16xf32>
        %mul3A_599 = arith.mulf %get3A_598, %get3A_62 : vector<16xf32>
        %add3A_600 = arith.addf %mul3A_594, %mul3A_599 : vector<16xf32>
        %swap3A_601 = arith.index_cast %scan3A_48 : i32 to index
        %swap3A_602 = arith.constant 528 : index
        %swap3A_603 = tpu.vector_load %arg8[%swap3A_601, %swap3A_602] {strides = array<i32>} : memref<32x1024xf32, #tpu.memory_space<vmem>>, vector<1x16xf32>,
        %swap3A_604 = vector.shape_cast %swap3A_603 : vector<1x16xf32> to vector<16xf32>
        %swap3A_605 = vector.shape_cast %add3A_600 : vector<16xf32> to vector<1x16xf32>
        tpu.vector_store %arg8[%swap3A_601, %swap3A_602], %swap3A_605 {strides = array<i32>} : memref<32x1024xf32, #tpu.memory_space<vmem>>, vector<1x16xf32>,
        %get3A_606 = arith.index_cast %scan3A_48 : i32 to index
        %get3A_607 = arith.constant 544 : index
        %get3A_608 = tpu.vector_load %arg8[%get3A_606, %get3A_607] {strides = array<i32>} : memref<32x1024xf32, #tpu.memory_space<vmem>>, vector<1x16xf32>,
        %get3A_609 = vector.shape_cast %get3A_608 : vector<1x16xf32> to vector<16xf32>
        %mul3A_610 = arith.mulf %get3A_609, %get3A_55 : vector<16xf32>
        %get3A_611 = arith.index_cast %scan3A_48 : i32 to index
        %get3A_612 = arith.constant 544 : index
        %get3A_613 = tpu.vector_load %arg9[%get3A_611, %get3A_612] {strides = array<i32>} : memref<32x1024xf32, #tpu.memory_space<vmem>>, vector<1x16xf32>,
        %get3A_614 = vector.shape_cast %get3A_613 : vector<1x16xf32> to vector<16xf32>
        %mul3A_615 = arith.mulf %get3A_614, %get3A_62 : vector<16xf32>
        %add3A_616 = arith.addf %mul3A_610, %mul3A_615 : vector<16xf32>
        %swap3A_617 = arith.index_cast %scan3A_48 : i32 to index
        %swap3A_618 = arith.constant 544 : index
        %swap3A_619 = tpu.vector_load %arg8[%swap3A_617, %swap3A_618] {strides = array<i32>} : memref<32x1024xf32, #tpu.memory_space<vmem>>, vector<1x16xf32>,
        %swap3A_620 = vector.shape_cast %swap3A_619 : vector<1x16xf32> to vector<16xf32>
        %swap3A_621 = vector.shape_cast %add3A_616 : vector<16xf32> to vector<1x16xf32>
        tpu.vector_store %arg8[%swap3A_617, %swap3A_618], %swap3A_621 {strides = array<i32>} : memref<32x1024xf32, #tpu.memory_space<vmem>>, vector<1x16xf32>,
        %get3A_622 = arith.index_cast %scan3A_48 : i32 to index
        %get3A_623 = arith.constant 560 : index
        %get3A_624 = tpu.vector_load %arg8[%get3A_622, %get3A_623] {strides = array<i32>} : memref<32x1024xf32, #tpu.memory_space<vmem>>, vector<1x16xf32>,
        %get3A_625 = vector.shape_cast %get3A_624 : vector<1x16xf32> to vector<16xf32>
        %mul3A_626 = arith.mulf %get3A_625, %get3A_55 : vector<16xf32>
        %get3A_627 = arith.index_cast %scan3A_48 : i32 to index
        %get3A_628 = arith.constant 560 : index
        %get3A_629 = tpu.vector_load %arg9[%get3A_627, %get3A_628] {strides = array<i32>} : memref<32x1024xf32, #tpu.memory_space<vmem>>, vector<1x16xf32>,
        %get3A_630 = vector.shape_cast %get3A_629 : vector<1x16xf32> to vector<16xf32>
        %mul3A_631 = arith.mulf %get3A_630, %get3A_62 : vector<16xf32>
        %add3A_632 = arith.addf %mul3A_626, %mul3A_631 : vector<16xf32>
        %swap3A_633 = arith.index_cast %scan3A_48 : i32 to index
        %swap3A_634 = arith.constant 560 : index
        %swap3A_635 = tpu.vector_load %arg8[%swap3A_633, %swap3A_634] {strides = array<i32>} : memref<32x1024xf32, #tpu.memory_space<vmem>>, vector<1x16xf32>,
        %swap3A_636 = vector.shape_cast %swap3A_635 : vector<1x16xf32> to vector<16xf32>
        %swap3A_637 = vector.shape_cast %add3A_632 : vector<16xf32> to vector<1x16xf32>
        tpu.vector_store %arg8[%swap3A_633, %swap3A_634], %swap3A_637 {strides = array<i32>} : memref<32x1024xf32, #tpu.memory_space<vmem>>, vector<1x16xf32>,
        %get3A_638 = arith.index_cast %scan3A_48 : i32 to index
        %get3A_639 = arith.constant 576 : index
        %get3A_640 = tpu.vector_load %arg8[%get3A_638, %get3A_639] {strides = array<i32>} : memref<32x1024xf32, #tpu.memory_space<vmem>>, vector<1x16xf32>,
        %get3A_641 = vector.shape_cast %get3A_640 : vector<1x16xf32> to vector<16xf32>
        %mul3A_642 = arith.mulf %get3A_641, %get3A_55 : vector<16xf32>
        %get3A_643 = arith.index_cast %scan3A_48 : i32 to index
        %get3A_644 = arith.constant 576 : index
        %get3A_645 = tpu.vector_load %arg9[%get3A_643, %get3A_644] {strides = array<i32>} : memref<32x1024xf32, #tpu.memory_space<vmem>>, vector<1x16xf32>,
        %get3A_646 = vector.shape_cast %get3A_645 : vector<1x16xf32> to vector<16xf32>
        %mul3A_647 = arith.mulf %get3A_646, %get3A_62 : vector<16xf32>
        %add3A_648 = arith.addf %mul3A_642, %mul3A_647 : vector<16xf32>
        %swap3A_649 = arith.index_cast %scan3A_48 : i32 to index
        %swap3A_650 = arith.constant 576 : index
        %swap3A_651 = tpu.vector_load %arg8[%swap3A_649, %swap3A_650] {strides = array<i32>} : memref<32x1024xf32, #tpu.memory_space<vmem>>, vector<1x16xf32>,
        %swap3A_652 = vector.shape_cast %swap3A_651 : vector<1x16xf32> to vector<16xf32>
        %swap3A_653 = vector.shape_cast %add3A_648 : vector<16xf32> to vector<1x16xf32>
        tpu.vector_store %arg8[%swap3A_649, %swap3A_650], %swap3A_653 {strides = array<i32>} : memref<32x1024xf32, #tpu.memory_space<vmem>>, vector<1x16xf32>,
        %get3A_654 = arith.index_cast %scan3A_48 : i32 to index
        %get3A_655 = arith.constant 592 : index
        %get3A_656 = tpu.vector_load %arg8[%get3A_654, %get3A_655] {strides = array<i32>} : memref<32x1024xf32, #tpu.memory_space<vmem>>, vector<1x16xf32>,
        %get3A_657 = vector.shape_cast %get3A_656 : vector<1x16xf32> to vector<16xf32>
        %mul3A_658 = arith.mulf %get3A_657, %get3A_55 : vector<16xf32>
        %get3A_659 = arith.index_cast %scan3A_48 : i32 to index
        %get3A_660 = arith.constant 592 : index
        %get3A_661 = tpu.vector_load %arg9[%get3A_659, %get3A_660] {strides = array<i32>} : memref<32x1024xf32, #tpu.memory_space<vmem>>, vector<1x16xf32>,
        %get3A_662 = vector.shape_cast %get3A_661 : vector<1x16xf32> to vector<16xf32>
        %mul3A_663 = arith.mulf %get3A_662, %get3A_62 : vector<16xf32>
        %add3A_664 = arith.addf %mul3A_658, %mul3A_663 : vector<16xf32>
        %swap3A_665 = arith.index_cast %scan3A_48 : i32 to index
        %swap3A_666 = arith.constant 592 : index
        %swap3A_667 = tpu.vector_load %arg8[%swap3A_665, %swap3A_666] {strides = array<i32>} : memref<32x1024xf32, #tpu.memory_space<vmem>>, vector<1x16xf32>,
        %swap3A_668 = vector.shape_cast %swap3A_667 : vector<1x16xf32> to vector<16xf32>
        %swap3A_669 = vector.shape_cast %add3A_664 : vector<16xf32> to vector<1x16xf32>
        tpu.vector_store %arg8[%swap3A_665, %swap3A_666], %swap3A_669 {strides = array<i32>} : memref<32x1024xf32, #tpu.memory_space<vmem>>, vector<1x16xf32>,
        %get3A_670 = arith.index_cast %scan3A_48 : i32 to index
        %get3A_671 = arith.constant 608 : index
        %get3A_672 = tpu.vector_load %arg8[%get3A_670, %get3A_671] {strides = array<i32>} : memref<32x1024xf32, #tpu.memory_space<vmem>>, vector<1x16xf32>,
        %get3A_673 = vector.shape_cast %get3A_672 : vector<1x16xf32> to vector<16xf32>
        %mul3A_674 = arith.mulf %get3A_673, %get3A_55 : vector<16xf32>
        %get3A_675 = arith.index_cast %scan3A_48 : i32 to index
        %get3A_676 = arith.constant 608 : index
        %get3A_677 = tpu.vector_load %arg9[%get3A_675, %get3A_676] {strides = array<i32>} : memref<32x1024xf32, #tpu.memory_space<vmem>>, vector<1x16xf32>,
        %get3A_678 = vector.shape_cast %get3A_677 : vector<1x16xf32> to vector<16xf32>
        %mul3A_679 = arith.mulf %get3A_678, %get3A_62 : vector<16xf32>
        %add3A_680 = arith.addf %mul3A_674, %mul3A_679 : vector<16xf32>
        %swap3A_681 = arith.index_cast %scan3A_48 : i32 to index
        %swap3A_682 = arith.constant 608 : index
        %swap3A_683 = tpu.vector_load %arg8[%swap3A_681, %swap3A_682] {strides = array<i32>} : memref<32x1024xf32, #tpu.memory_space<vmem>>, vector<1x16xf32>,
        %swap3A_684 = vector.shape_cast %swap3A_683 : vector<1x16xf32> to vector<16xf32>
        %swap3A_685 = vector.shape_cast %add3A_680 : vector<16xf32> to vector<1x16xf32>
        tpu.vector_store %arg8[%swap3A_681, %swap3A_682], %swap3A_685 {strides = array<i32>} : memref<32x1024xf32, #tpu.memory_space<vmem>>, vector<1x16xf32>,
        %get3A_686 = arith.index_cast %scan3A_48 : i32 to index
        %get3A_687 = arith.constant 624 : index
        %get3A_688 = tpu.vector_load %arg8[%get3A_686, %get3A_687] {strides = array<i32>} : memref<32x1024xf32, #tpu.memory_space<vmem>>, vector<1x16xf32>,
        %get3A_689 = vector.shape_cast %get3A_688 : vector<1x16xf32> to vector<16xf32>
        %mul3A_690 = arith.mulf %get3A_689, %get3A_55 : vector<16xf32>
        %get3A_691 = arith.index_cast %scan3A_48 : i32 to index
        %get3A_692 = arith.constant 624 : index
        %get3A_693 = tpu.vector_load %arg9[%get3A_691, %get3A_692] {strides = array<i32>} : memref<32x1024xf32, #tpu.memory_space<vmem>>, vector<1x16xf32>,
        %get3A_694 = vector.shape_cast %get3A_693 : vector<1x16xf32> to vector<16xf32>
        %mul3A_695 = arith.mulf %get3A_694, %get3A_62 : vector<16xf32>
        %add3A_696 = arith.addf %mul3A_690, %mul3A_695 : vector<16xf32>
        %swap3A_697 = arith.index_cast %scan3A_48 : i32 to index
        %swap3A_698 = arith.constant 624 : index
        %swap3A_699 = tpu.vector_load %arg8[%swap3A_697, %swap3A_698] {strides = array<i32>} : memref<32x1024xf32, #tpu.memory_space<vmem>>, vector<1x16xf32>,
        %swap3A_700 = vector.shape_cast %swap3A_699 : vector<1x16xf32> to vector<16xf32>
        %swap3A_701 = vector.shape_cast %add3A_696 : vector<16xf32> to vector<1x16xf32>
        tpu.vector_store %arg8[%swap3A_697, %swap3A_698], %swap3A_701 {strides = array<i32>} : memref<32x1024xf32, #tpu.memory_space<vmem>>, vector<1x16xf32>,
        %get3A_702 = arith.index_cast %scan3A_48 : i32 to index
        %get3A_703 = arith.constant 640 : index
        %get3A_704 = tpu.vector_load %arg8[%get3A_702, %get3A_703] {strides = array<i32>} : memref<32x1024xf32, #tpu.memory_space<vmem>>, vector<1x16xf32>,
        %get3A_705 = vector.shape_cast %get3A_704 : vector<1x16xf32> to vector<16xf32>
        %mul3A_706 = arith.mulf %get3A_705, %get3A_55 : vector<16xf32>
        %get3A_707 = arith.index_cast %scan3A_48 : i32 to index
        %get3A_708 = arith.constant 640 : index
        %get3A_709 = tpu.vector_load %arg9[%get3A_707, %get3A_708] {strides = array<i32>} : memref<32x1024xf32, #tpu.memory_space<vmem>>, vector<1x16xf32>,
        %get3A_710 = vector.shape_cast %get3A_709 : vector<1x16xf32> to vector<16xf32>
        %mul3A_711 = arith.mulf %get3A_710, %get3A_62 : vector<16xf32>
        %add3A_712 = arith.addf %mul3A_706, %mul3A_711 : vector<16xf32>
        %swap3A_713 = arith.index_cast %scan3A_48 : i32 to index
        %swap3A_714 = arith.constant 640 : index
        %swap3A_715 = tpu.vector_load %arg8[%swap3A_713, %swap3A_714] {strides = array<i32>} : memref<32x1024xf32, #tpu.memory_space<vmem>>, vector<1x16xf32>,
        %swap3A_716 = vector.shape_cast %swap3A_715 : vector<1x16xf32> to vector<16xf32>
        %swap3A_717 = vector.shape_cast %add3A_712 : vector<16xf32> to vector<1x16xf32>
        tpu.vector_store %arg8[%swap3A_713, %swap3A_714], %swap3A_717 {strides = array<i32>} : memref<32x1024xf32, #tpu.memory_space<vmem>>, vector<1x16xf32>,
        %get3A_718 = arith.index_cast %scan3A_48 : i32 to index
        %get3A_719 = arith.constant 656 : index
        %get3A_720 = tpu.vector_load %arg8[%get3A_718, %get3A_719] {strides = array<i32>} : memref<32x1024xf32, #tpu.memory_space<vmem>>, vector<1x16xf32>,
        %get3A_721 = vector.shape_cast %get3A_720 : vector<1x16xf32> to vector<16xf32>
        %mul3A_722 = arith.mulf %get3A_721, %get3A_55 : vector<16xf32>
        %get3A_723 = arith.index_cast %scan3A_48 : i32 to index
        %get3A_724 = arith.constant 656 : index
        %get3A_725 = tpu.vector_load %arg9[%get3A_723, %get3A_724] {strides = array<i32>} : memref<32x1024xf32, #tpu.memory_space<vmem>>, vector<1x16xf32>,
        %get3A_726 = vector.shape_cast %get3A_725 : vector<1x16xf32> to vector<16xf32>
        %mul3A_727 = arith.mulf %get3A_726, %get3A_62 : vector<16xf32>
        %add3A_728 = arith.addf %mul3A_722, %mul3A_727 : vector<16xf32>
        %swap3A_729 = arith.index_cast %scan3A_48 : i32 to index
        %swap3A_730 = arith.constant 656 : index
        %swap3A_731 = tpu.vector_load %arg8[%swap3A_729, %swap3A_730] {strides = array<i32>} : memref<32x1024xf32, #tpu.memory_space<vmem>>, vector<1x16xf32>,
        %swap3A_732 = vector.shape_cast %swap3A_731 : vector<1x16xf32> to vector<16xf32>
        %swap3A_733 = vector.shape_cast %add3A_728 : vector<16xf32> to vector<1x16xf32>
        tpu.vector_store %arg8[%swap3A_729, %swap3A_730], %swap3A_733 {strides = array<i32>} : memref<32x1024xf32, #tpu.memory_space<vmem>>, vector<1x16xf32>,
        %get3A_734 = arith.index_cast %scan3A_48 : i32 to index
        %get3A_735 = arith.constant 672 : index
        %get3A_736 = tpu.vector_load %arg8[%get3A_734, %get3A_735] {strides = array<i32>} : memref<32x1024xf32, #tpu.memory_space<vmem>>, vector<1x16xf32>,
        %get3A_737 = vector.shape_cast %get3A_736 : vector<1x16xf32> to vector<16xf32>
        %mul3A_738 = arith.mulf %get3A_737, %get3A_55 : vector<16xf32>
        %get3A_739 = arith.index_cast %scan3A_48 : i32 to index
        %get3A_740 = arith.constant 672 : index
        %get3A_741 = tpu.vector_load %arg9[%get3A_739, %get3A_740] {strides = array<i32>} : memref<32x1024xf32, #tpu.memory_space<vmem>>, vector<1x16xf32>,
        %get3A_742 = vector.shape_cast %get3A_741 : vector<1x16xf32> to vector<16xf32>
        %mul3A_743 = arith.mulf %get3A_742, %get3A_62 : vector<16xf32>
        %add3A_744 = arith.addf %mul3A_738, %mul3A_743 : vector<16xf32>
        %swap3A_745 = arith.index_cast %scan3A_48 : i32 to index
        %swap3A_746 = arith.constant 672 : index
        %swap3A_747 = tpu.vector_load %arg8[%swap3A_745, %swap3A_746] {strides = array<i32>} : memref<32x1024xf32, #tpu.memory_space<vmem>>, vector<1x16xf32>,
        %swap3A_748 = vector.shape_cast %swap3A_747 : vector<1x16xf32> to vector<16xf32>
        %swap3A_749 = vector.shape_cast %add3A_744 : vector<16xf32> to vector<1x16xf32>
        tpu.vector_store %arg8[%swap3A_745, %swap3A_746], %swap3A_749 {strides = array<i32>} : memref<32x1024xf32, #tpu.memory_space<vmem>>, vector<1x16xf32>,
        %get3A_750 = arith.index_cast %scan3A_48 : i32 to index
        %get3A_751 = arith.constant 688 : index
        %get3A_752 = tpu.vector_load %arg8[%get3A_750, %get3A_751] {strides = array<i32>} : memref<32x1024xf32, #tpu.memory_space<vmem>>, vector<1x16xf32>,
        %get3A_753 = vector.shape_cast %get3A_752 : vector<1x16xf32> to vector<16xf32>
        %mul3A_754 = arith.mulf %get3A_753, %get3A_55 : vector<16xf32>
        %get3A_755 = arith.index_cast %scan3A_48 : i32 to index
        %get3A_756 = arith.constant 688 : index
        %get3A_757 = tpu.vector_load %arg9[%get3A_755, %get3A_756] {strides = array<i32>} : memref<32x1024xf32, #tpu.memory_space<vmem>>, vector<1x16xf32>,
        %get3A_758 = vector.shape_cast %get3A_757 : vector<1x16xf32> to vector<16xf32>
        %mul3A_759 = arith.mulf %get3A_758, %get3A_62 : vector<16xf32>
        %add3A_760 = arith.addf %mul3A_754, %mul3A_759 : vector<16xf32>
        %swap3A_761 = arith.index_cast %scan3A_48 : i32 to index
        %swap3A_762 = arith.constant 688 : index
        %swap3A_763 = tpu.vector_load %arg8[%swap3A_761, %swap3A_762] {strides = array<i32>} : memref<32x1024xf32, #tpu.memory_space<vmem>>, vector<1x16xf32>,
        %swap3A_764 = vector.shape_cast %swap3A_763 : vector<1x16xf32> to vector<16xf32>
        %swap3A_765 = vector.shape_cast %add3A_760 : vector<16xf32> to vector<1x16xf32>
        tpu.vector_store %arg8[%swap3A_761, %swap3A_762], %swap3A_765 {strides = array<i32>} : memref<32x1024xf32, #tpu.memory_space<vmem>>, vector<1x16xf32>,
        %get3A_766 = arith.index_cast %scan3A_48 : i32 to index
        %get3A_767 = arith.constant 704 : index
        %get3A_768 = tpu.vector_load %arg8[%get3A_766, %get3A_767] {strides = array<i32>} : memref<32x1024xf32, #tpu.memory_space<vmem>>, vector<1x16xf32>,
        %get3A_769 = vector.shape_cast %get3A_768 : vector<1x16xf32> to vector<16xf32>
        %mul3A_770 = arith.mulf %get3A_769, %get3A_55 : vector<16xf32>
        %get3A_771 = arith.index_cast %scan3A_48 : i32 to index
        %get3A_772 = arith.constant 704 : index
        %get3A_773 = tpu.vector_load %arg9[%get3A_771, %get3A_772] {strides = array<i32>} : memref<32x1024xf32, #tpu.memory_space<vmem>>, vector<1x16xf32>,
        %get3A_774 = vector.shape_cast %get3A_773 : vector<1x16xf32> to vector<16xf32>
        %mul3A_775 = arith.mulf %get3A_774, %get3A_62 : vector<16xf32>
        %add3A_776 = arith.addf %mul3A_770, %mul3A_775 : vector<16xf32>
        %swap3A_777 = arith.index_cast %scan3A_48 : i32 to index
        %swap3A_778 = arith.constant 704 : index
        %swap3A_779 = tpu.vector_load %arg8[%swap3A_777, %swap3A_778] {strides = array<i32>} : memref<32x1024xf32, #tpu.memory_space<vmem>>, vector<1x16xf32>,
        %swap3A_780 = vector.shape_cast %swap3A_779 : vector<1x16xf32> to vector<16xf32>
        %swap3A_781 = vector.shape_cast %add3A_776 : vector<16xf32> to vector<1x16xf32>
        tpu.vector_store %arg8[%swap3A_777, %swap3A_778], %swap3A_781 {strides = array<i32>} : memref<32x1024xf32, #tpu.memory_space<vmem>>, vector<1x16xf32>,
        %get3A_782 = arith.index_cast %scan3A_48 : i32 to index
        %get3A_783 = arith.constant 720 : index
        %get3A_784 = tpu.vector_load %arg8[%get3A_782, %get3A_783] {strides = array<i32>} : memref<32x1024xf32, #tpu.memory_space<vmem>>, vector<1x16xf32>,
        %get3A_785 = vector.shape_cast %get3A_784 : vector<1x16xf32> to vector<16xf32>
        %mul3A_786 = arith.mulf %get3A_785, %get3A_55 : vector<16xf32>
        %get3A_787 = arith.index_cast %scan3A_48 : i32 to index
        %get3A_788 = arith.constant 720 : index
        %get3A_789 = tpu.vector_load %arg9[%get3A_787, %get3A_788] {strides = array<i32>} : memref<32x1024xf32, #tpu.memory_space<vmem>>, vector<1x16xf32>,
        %get3A_790 = vector.shape_cast %get3A_789 : vector<1x16xf32> to vector<16xf32>
        %mul3A_791 = arith.mulf %get3A_790, %get3A_62 : vector<16xf32>
        %add3A_792 = arith.addf %mul3A_786, %mul3A_791 : vector<16xf32>
        %swap3A_793 = arith.index_cast %scan3A_48 : i32 to index
        %swap3A_794 = arith.constant 720 : index
        %swap3A_795 = tpu.vector_load %arg8[%swap3A_793, %swap3A_794] {strides = array<i32>} : memref<32x1024xf32, #tpu.memory_space<vmem>>, vector<1x16xf32>,
        %swap3A_796 = vector.shape_cast %swap3A_795 : vector<1x16xf32> to vector<16xf32>
        %swap3A_797 = vector.shape_cast %add3A_792 : vector<16xf32> to vector<1x16xf32>
        tpu.vector_store %arg8[%swap3A_793, %swap3A_794], %swap3A_797 {strides = array<i32>} : memref<32x1024xf32, #tpu.memory_space<vmem>>, vector<1x16xf32>,
        %get3A_798 = arith.index_cast %scan3A_48 : i32 to index
        %get3A_799 = arith.constant 736 : index
        %get3A_800 = tpu.vector_load %arg8[%get3A_798, %get3A_799] {strides = array<i32>} : memref<32x1024xf32, #tpu.memory_space<vmem>>, vector<1x16xf32>,
        %get3A_801 = vector.shape_cast %get3A_800 : vector<1x16xf32> to vector<16xf32>
        %mul3A_802 = arith.mulf %get3A_801, %get3A_55 : vector<16xf32>
        %get3A_803 = arith.index_cast %scan3A_48 : i32 to index
        %get3A_804 = arith.constant 736 : index
        %get3A_805 = tpu.vector_load %arg9[%get3A_803, %get3A_804] {strides = array<i32>} : memref<32x1024xf32, #tpu.memory_space<vmem>>, vector<1x16xf32>,
        %get3A_806 = vector.shape_cast %get3A_805 : vector<1x16xf32> to vector<16xf32>
        %mul3A_807 = arith.mulf %get3A_806, %get3A_62 : vector<16xf32>
        %add3A_808 = arith.addf %mul3A_802, %mul3A_807 : vector<16xf32>
        %swap3A_809 = arith.index_cast %scan3A_48 : i32 to index
        %swap3A_810 = arith.constant 736 : index
        %swap3A_811 = tpu.vector_load %arg8[%swap3A_809, %swap3A_810] {strides = array<i32>} : memref<32x1024xf32, #tpu.memory_space<vmem>>, vector<1x16xf32>,
        %swap3A_812 = vector.shape_cast %swap3A_811 : vector<1x16xf32> to vector<16xf32>
        %swap3A_813 = vector.shape_cast %add3A_808 : vector<16xf32> to vector<1x16xf32>
        tpu.vector_store %arg8[%swap3A_809, %swap3A_810], %swap3A_813 {strides = array<i32>} : memref<32x1024xf32, #tpu.memory_space<vmem>>, vector<1x16xf32>,
        %get3A_814 = arith.index_cast %scan3A_48 : i32 to index
        %get3A_815 = arith.constant 752 : index
        %get3A_816 = tpu.vector_load %arg8[%get3A_814, %get3A_815] {strides = array<i32>} : memref<32x1024xf32, #tpu.memory_space<vmem>>, vector<1x16xf32>,
        %get3A_817 = vector.shape_cast %get3A_816 : vector<1x16xf32> to vector<16xf32>
        %mul3A_818 = arith.mulf %get3A_817, %get3A_55 : vector<16xf32>
        %get3A_819 = arith.index_cast %scan3A_48 : i32 to index
        %get3A_820 = arith.constant 752 : index
        %get3A_821 = tpu.vector_load %arg9[%get3A_819, %get3A_820] {strides = array<i32>} : memref<32x1024xf32, #tpu.memory_space<vmem>>, vector<1x16xf32>,
        %get3A_822 = vector.shape_cast %get3A_821 : vector<1x16xf32> to vector<16xf32>
        %mul3A_823 = arith.mulf %get3A_822, %get3A_62 : vector<16xf32>
        %add3A_824 = arith.addf %mul3A_818, %mul3A_823 : vector<16xf32>
        %swap3A_825 = arith.index_cast %scan3A_48 : i32 to index
        %swap3A_826 = arith.constant 752 : index
        %swap3A_827 = tpu.vector_load %arg8[%swap3A_825, %swap3A_826] {strides = array<i32>} : memref<32x1024xf32, #tpu.memory_space<vmem>>, vector<1x16xf32>,
        %swap3A_828 = vector.shape_cast %swap3A_827 : vector<1x16xf32> to vector<16xf32>
        %swap3A_829 = vector.shape_cast %add3A_824 : vector<16xf32> to vector<1x16xf32>
        tpu.vector_store %arg8[%swap3A_825, %swap3A_826], %swap3A_829 {strides = array<i32>} : memref<32x1024xf32, #tpu.memory_space<vmem>>, vector<1x16xf32>,
        %get3A_830 = arith.index_cast %scan3A_48 : i32 to index
        %get3A_831 = arith.constant 768 : index
        %get3A_832 = tpu.vector_load %arg8[%get3A_830, %get3A_831] {strides = array<i32>} : memref<32x1024xf32, #tpu.memory_space<vmem>>, vector<1x16xf32>,
        %get3A_833 = vector.shape_cast %get3A_832 : vector<1x16xf32> to vector<16xf32>
        %mul3A_834 = arith.mulf %get3A_833, %get3A_55 : vector<16xf32>
        %get3A_835 = arith.index_cast %scan3A_48 : i32 to index
        %get3A_836 = arith.constant 768 : index
        %get3A_837 = tpu.vector_load %arg9[%get3A_835, %get3A_836] {strides = array<i32>} : memref<32x1024xf32, #tpu.memory_space<vmem>>, vector<1x16xf32>,
        %get3A_838 = vector.shape_cast %get3A_837 : vector<1x16xf32> to vector<16xf32>
        %mul3A_839 = arith.mulf %get3A_838, %get3A_62 : vector<16xf32>
        %add3A_840 = arith.addf %mul3A_834, %mul3A_839 : vector<16xf32>
        %swap3A_841 = arith.index_cast %scan3A_48 : i32 to index
        %swap3A_842 = arith.constant 768 : index
        %swap3A_843 = tpu.vector_load %arg8[%swap3A_841, %swap3A_842] {strides = array<i32>} : memref<32x1024xf32, #tpu.memory_space<vmem>>, vector<1x16xf32>,
        %swap3A_844 = vector.shape_cast %swap3A_843 : vector<1x16xf32> to vector<16xf32>
        %swap3A_845 = vector.shape_cast %add3A_840 : vector<16xf32> to vector<1x16xf32>
        tpu.vector_store %arg8[%swap3A_841, %swap3A_842], %swap3A_845 {strides = array<i32>} : memref<32x1024xf32, #tpu.memory_space<vmem>>, vector<1x16xf32>,
        %get3A_846 = arith.index_cast %scan3A_48 : i32 to index
        %get3A_847 = arith.constant 784 : index
        %get3A_848 = tpu.vector_load %arg8[%get3A_846, %get3A_847] {strides = array<i32>} : memref<32x1024xf32, #tpu.memory_space<vmem>>, vector<1x16xf32>,
        %get3A_849 = vector.shape_cast %get3A_848 : vector<1x16xf32> to vector<16xf32>
        %mul3A_850 = arith.mulf %get3A_849, %get3A_55 : vector<16xf32>
        %get3A_851 = arith.index_cast %scan3A_48 : i32 to index
        %get3A_852 = arith.constant 784 : index
        %get3A_853 = tpu.vector_load %arg9[%get3A_851, %get3A_852] {strides = array<i32>} : memref<32x1024xf32, #tpu.memory_space<vmem>>, vector<1x16xf32>,
        %get3A_854 = vector.shape_cast %get3A_853 : vector<1x16xf32> to vector<16xf32>
        %mul3A_855 = arith.mulf %get3A_854, %get3A_62 : vector<16xf32>
        %add3A_856 = arith.addf %mul3A_850, %mul3A_855 : vector<16xf32>
        %swap3A_857 = arith.index_cast %scan3A_48 : i32 to index
        %swap3A_858 = arith.constant 784 : index
        %swap3A_859 = tpu.vector_load %arg8[%swap3A_857, %swap3A_858] {strides = array<i32>} : memref<32x1024xf32, #tpu.memory_space<vmem>>, vector<1x16xf32>,
        %swap3A_860 = vector.shape_cast %swap3A_859 : vector<1x16xf32> to vector<16xf32>
        %swap3A_861 = vector.shape_cast %add3A_856 : vector<16xf32> to vector<1x16xf32>
        tpu.vector_store %arg8[%swap3A_857, %swap3A_858], %swap3A_861 {strides = array<i32>} : memref<32x1024xf32, #tpu.memory_space<vmem>>, vector<1x16xf32>,
        %get3A_862 = arith.index_cast %scan3A_48 : i32 to index
        %get3A_863 = arith.constant 800 : index
        %get3A_864 = tpu.vector_load %arg8[%get3A_862, %get3A_863] {strides = array<i32>} : memref<32x1024xf32, #tpu.memory_space<vmem>>, vector<1x16xf32>,
        %get3A_865 = vector.shape_cast %get3A_864 : vector<1x16xf32> to vector<16xf32>
        %mul3A_866 = arith.mulf %get3A_865, %get3A_55 : vector<16xf32>
        %get3A_867 = arith.index_cast %scan3A_48 : i32 to index
        %get3A_868 = arith.constant 800 : index
        %get3A_869 = tpu.vector_load %arg9[%get3A_867, %get3A_868] {strides = array<i32>} : memref<32x1024xf32, #tpu.memory_space<vmem>>, vector<1x16xf32>,
        %get3A_870 = vector.shape_cast %get3A_869 : vector<1x16xf32> to vector<16xf32>
        %mul3A_871 = arith.mulf %get3A_870, %get3A_62 : vector<16xf32>
        %add3A_872 = arith.addf %mul3A_866, %mul3A_871 : vector<16xf32>
        %swap3A_873 = arith.index_cast %scan3A_48 : i32 to index
        %swap3A_874 = arith.constant 800 : index
        %swap3A_875 = tpu.vector_load %arg8[%swap3A_873, %swap3A_874] {strides = array<i32>} : memref<32x1024xf32, #tpu.memory_space<vmem>>, vector<1x16xf32>,
        %swap3A_876 = vector.shape_cast %swap3A_875 : vector<1x16xf32> to vector<16xf32>
        %swap3A_877 = vector.shape_cast %add3A_872 : vector<16xf32> to vector<1x16xf32>
        tpu.vector_store %arg8[%swap3A_873, %swap3A_874], %swap3A_877 {strides = array<i32>} : memref<32x1024xf32, #tpu.memory_space<vmem>>, vector<1x16xf32>,
        %get3A_878 = arith.index_cast %scan3A_48 : i32 to index
        %get3A_879 = arith.constant 816 : index
        %get3A_880 = tpu.vector_load %arg8[%get3A_878, %get3A_879] {strides = array<i32>} : memref<32x1024xf32, #tpu.memory_space<vmem>>, vector<1x16xf32>,
        %get3A_881 = vector.shape_cast %get3A_880 : vector<1x16xf32> to vector<16xf32>
        %mul3A_882 = arith.mulf %get3A_881, %get3A_55 : vector<16xf32>
        %get3A_883 = arith.index_cast %scan3A_48 : i32 to index
        %get3A_884 = arith.constant 816 : index
        %get3A_885 = tpu.vector_load %arg9[%get3A_883, %get3A_884] {strides = array<i32>} : memref<32x1024xf32, #tpu.memory_space<vmem>>, vector<1x16xf32>,
        %get3A_886 = vector.shape_cast %get3A_885 : vector<1x16xf32> to vector<16xf32>
        %mul3A_887 = arith.mulf %get3A_886, %get3A_62 : vector<16xf32>
        %add3A_888 = arith.addf %mul3A_882, %mul3A_887 : vector<16xf32>
        %swap3A_889 = arith.index_cast %scan3A_48 : i32 to index
        %swap3A_890 = arith.constant 816 : index
        %swap3A_891 = tpu.vector_load %arg8[%swap3A_889, %swap3A_890] {strides = array<i32>} : memref<32x1024xf32, #tpu.memory_space<vmem>>, vector<1x16xf32>,
        %swap3A_892 = vector.shape_cast %swap3A_891 : vector<1x16xf32> to vector<16xf32>
        %swap3A_893 = vector.shape_cast %add3A_888 : vector<16xf32> to vector<1x16xf32>
        tpu.vector_store %arg8[%swap3A_889, %swap3A_890], %swap3A_893 {strides = array<i32>} : memref<32x1024xf32, #tpu.memory_space<vmem>>, vector<1x16xf32>,
        %get3A_894 = arith.index_cast %scan3A_48 : i32 to index
        %get3A_895 = arith.constant 832 : index
        %get3A_896 = tpu.vector_load %arg8[%get3A_894, %get3A_895] {strides = array<i32>} : memref<32x1024xf32, #tpu.memory_space<vmem>>, vector<1x16xf32>,
        %get3A_897 = vector.shape_cast %get3A_896 : vector<1x16xf32> to vector<16xf32>
        %mul3A_898 = arith.mulf %get3A_897, %get3A_55 : vector<16xf32>
        %get3A_899 = arith.index_cast %scan3A_48 : i32 to index
        %get3A_900 = arith.constant 832 : index
        %get3A_901 = tpu.vector_load %arg9[%get3A_899, %get3A_900] {strides = array<i32>} : memref<32x1024xf32, #tpu.memory_space<vmem>>, vector<1x16xf32>,
        %get3A_902 = vector.shape_cast %get3A_901 : vector<1x16xf32> to vector<16xf32>
        %mul3A_903 = arith.mulf %get3A_902, %get3A_62 : vector<16xf32>
        %add3A_904 = arith.addf %mul3A_898, %mul3A_903 : vector<16xf32>
        %swap3A_905 = arith.index_cast %scan3A_48 : i32 to index
        %swap3A_906 = arith.constant 832 : index
        %swap3A_907 = tpu.vector_load %arg8[%swap3A_905, %swap3A_906] {strides = array<i32>} : memref<32x1024xf32, #tpu.memory_space<vmem>>, vector<1x16xf32>,
        %swap3A_908 = vector.shape_cast %swap3A_907 : vector<1x16xf32> to vector<16xf32>
        %swap3A_909 = vector.shape_cast %add3A_904 : vector<16xf32> to vector<1x16xf32>
        tpu.vector_store %arg8[%swap3A_905, %swap3A_906], %swap3A_909 {strides = array<i32>} : memref<32x1024xf32, #tpu.memory_space<vmem>>, vector<1x16xf32>,
        %get3A_910 = arith.index_cast %scan3A_48 : i32 to index
        %get3A_911 = arith.constant 848 : index
        %get3A_912 = tpu.vector_load %arg8[%get3A_910, %get3A_911] {strides = array<i32>} : memref<32x1024xf32, #tpu.memory_space<vmem>>, vector<1x16xf32>,
        %get3A_913 = vector.shape_cast %get3A_912 : vector<1x16xf32> to vector<16xf32>
        %mul3A_914 = arith.mulf %get3A_913, %get3A_55 : vector<16xf32>
        %get3A_915 = arith.index_cast %scan3A_48 : i32 to index
        %get3A_916 = arith.constant 848 : index
        %get3A_917 = tpu.vector_load %arg9[%get3A_915, %get3A_916] {strides = array<i32>} : memref<32x1024xf32, #tpu.memory_space<vmem>>, vector<1x16xf32>,
        %get3A_918 = vector.shape_cast %get3A_917 : vector<1x16xf32> to vector<16xf32>
        %mul3A_919 = arith.mulf %get3A_918, %get3A_62 : vector<16xf32>
        %add3A_920 = arith.addf %mul3A_914, %mul3A_919 : vector<16xf32>
        %swap3A_921 = arith.index_cast %scan3A_48 : i32 to index
        %swap3A_922 = arith.constant 848 : index
        %swap3A_923 = tpu.vector_load %arg8[%swap3A_921, %swap3A_922] {strides = array<i32>} : memref<32x1024xf32, #tpu.memory_space<vmem>>, vector<1x16xf32>,
        %swap3A_924 = vector.shape_cast %swap3A_923 : vector<1x16xf32> to vector<16xf32>
        %swap3A_925 = vector.shape_cast %add3A_920 : vector<16xf32> to vector<1x16xf32>
        tpu.vector_store %arg8[%swap3A_921, %swap3A_922], %swap3A_925 {strides = array<i32>} : memref<32x1024xf32, #tpu.memory_space<vmem>>, vector<1x16xf32>,
        %get3A_926 = arith.index_cast %scan3A_48 : i32 to index
        %get3A_927 = arith.constant 864 : index
        %get3A_928 = tpu.vector_load %arg8[%get3A_926, %get3A_927] {strides = array<i32>} : memref<32x1024xf32, #tpu.memory_space<vmem>>, vector<1x16xf32>,
        %get3A_929 = vector.shape_cast %get3A_928 : vector<1x16xf32> to vector<16xf32>
        %mul3A_930 = arith.mulf %get3A_929, %get3A_55 : vector<16xf32>
        %get3A_931 = arith.index_cast %scan3A_48 : i32 to index
        %get3A_932 = arith.constant 864 : index
        %get3A_933 = tpu.vector_load %arg9[%get3A_931, %get3A_932] {strides = array<i32>} : memref<32x1024xf32, #tpu.memory_space<vmem>>, vector<1x16xf32>,
        %get3A_934 = vector.shape_cast %get3A_933 : vector<1x16xf32> to vector<16xf32>
        %mul3A_935 = arith.mulf %get3A_934, %get3A_62 : vector<16xf32>
        %add3A_936 = arith.addf %mul3A_930, %mul3A_935 : vector<16xf32>
        %swap3A_937 = arith.index_cast %scan3A_48 : i32 to index
        %swap3A_938 = arith.constant 864 : index
        %swap3A_939 = tpu.vector_load %arg8[%swap3A_937, %swap3A_938] {strides = array<i32>} : memref<32x1024xf32, #tpu.memory_space<vmem>>, vector<1x16xf32>,
        %swap3A_940 = vector.shape_cast %swap3A_939 : vector<1x16xf32> to vector<16xf32>
        %swap3A_941 = vector.shape_cast %add3A_936 : vector<16xf32> to vector<1x16xf32>
        tpu.vector_store %arg8[%swap3A_937, %swap3A_938], %swap3A_941 {strides = array<i32>} : memref<32x1024xf32, #tpu.memory_space<vmem>>, vector<1x16xf32>,
        %get3A_942 = arith.index_cast %scan3A_48 : i32 to index
        %get3A_943 = arith.constant 880 : index
        %get3A_944 = tpu.vector_load %arg8[%get3A_942, %get3A_943] {strides = array<i32>} : memref<32x1024xf32, #tpu.memory_space<vmem>>, vector<1x16xf32>,
        %get3A_945 = vector.shape_cast %get3A_944 : vector<1x16xf32> to vector<16xf32>
        %mul3A_946 = arith.mulf %get3A_945, %get3A_55 : vector<16xf32>
        %get3A_947 = arith.index_cast %scan3A_48 : i32 to index
        %get3A_948 = arith.constant 880 : index
        %get3A_949 = tpu.vector_load %arg9[%get3A_947, %get3A_948] {strides = array<i32>} : memref<32x1024xf32, #tpu.memory_space<vmem>>, vector<1x16xf32>,
        %get3A_950 = vector.shape_cast %get3A_949 : vector<1x16xf32> to vector<16xf32>
        %mul3A_951 = arith.mulf %get3A_950, %get3A_62 : vector<16xf32>
        %add3A_952 = arith.addf %mul3A_946, %mul3A_951 : vector<16xf32>
        %swap3A_953 = arith.index_cast %scan3A_48 : i32 to index
        %swap3A_954 = arith.constant 880 : index
        %swap3A_955 = tpu.vector_load %arg8[%swap3A_953, %swap3A_954] {strides = array<i32>} : memref<32x1024xf32, #tpu.memory_space<vmem>>, vector<1x16xf32>,
        %swap3A_956 = vector.shape_cast %swap3A_955 : vector<1x16xf32> to vector<16xf32>
        %swap3A_957 = vector.shape_cast %add3A_952 : vector<16xf32> to vector<1x16xf32>
        tpu.vector_store %arg8[%swap3A_953, %swap3A_954], %swap3A_957 {strides = array<i32>} : memref<32x1024xf32, #tpu.memory_space<vmem>>, vector<1x16xf32>,
        %get3A_958 = arith.index_cast %scan3A_48 : i32 to index
        %get3A_959 = arith.constant 896 : index
        %get3A_960 = tpu.vector_load %arg8[%get3A_958, %get3A_959] {strides = array<i32>} : memref<32x1024xf32, #tpu.memory_space<vmem>>, vector<1x16xf32>,
        %get3A_961 = vector.shape_cast %get3A_960 : vector<1x16xf32> to vector<16xf32>
        %mul3A_962 = arith.mulf %get3A_961, %get3A_55 : vector<16xf32>
        %get3A_963 = arith.index_cast %scan3A_48 : i32 to index
        %get3A_964 = arith.constant 896 : index
        %get3A_965 = tpu.vector_load %arg9[%get3A_963, %get3A_964] {strides = array<i32>} : memref<32x1024xf32, #tpu.memory_space<vmem>>, vector<1x16xf32>,
        %get3A_966 = vector.shape_cast %get3A_965 : vector<1x16xf32> to vector<16xf32>
        %mul3A_967 = arith.mulf %get3A_966, %get3A_62 : vector<16xf32>
        %add3A_968 = arith.addf %mul3A_962, %mul3A_967 : vector<16xf32>
        %swap3A_969 = arith.index_cast %scan3A_48 : i32 to index
        %swap3A_970 = arith.constant 896 : index
        %swap3A_971 = tpu.vector_load %arg8[%swap3A_969, %swap3A_970] {strides = array<i32>} : memref<32x1024xf32, #tpu.memory_space<vmem>>, vector<1x16xf32>,
        %swap3A_972 = vector.shape_cast %swap3A_971 : vector<1x16xf32> to vector<16xf32>
        %swap3A_973 = vector.shape_cast %add3A_968 : vector<16xf32> to vector<1x16xf32>
        tpu.vector_store %arg8[%swap3A_969, %swap3A_970], %swap3A_973 {strides = array<i32>} : memref<32x1024xf32, #tpu.memory_space<vmem>>, vector<1x16xf32>,
        %get3A_974 = arith.index_cast %scan3A_48 : i32 to index
        %get3A_975 = arith.constant 912 : index
        %get3A_976 = tpu.vector_load %arg8[%get3A_974, %get3A_975] {strides = array<i32>} : memref<32x1024xf32, #tpu.memory_space<vmem>>, vector<1x16xf32>,
        %get3A_977 = vector.shape_cast %get3A_976 : vector<1x16xf32> to vector<16xf32>
        %mul3A_978 = arith.mulf %get3A_977, %get3A_55 : vector<16xf32>
        %get3A_979 = arith.index_cast %scan3A_48 : i32 to index
        %get3A_980 = arith.constant 912 : index
        %get3A_981 = tpu.vector_load %arg9[%get3A_979, %get3A_980] {strides = array<i32>} : memref<32x1024xf32, #tpu.memory_space<vmem>>, vector<1x16xf32>,
        %get3A_982 = vector.shape_cast %get3A_981 : vector<1x16xf32> to vector<16xf32>
        %mul3A_983 = arith.mulf %get3A_982, %get3A_62 : vector<16xf32>
        %add3A_984 = arith.addf %mul3A_978, %mul3A_983 : vector<16xf32>
        %swap3A_985 = arith.index_cast %scan3A_48 : i32 to index
        %swap3A_986 = arith.constant 912 : index
        %swap3A_987 = tpu.vector_load %arg8[%swap3A_985, %swap3A_986] {strides = array<i32>} : memref<32x1024xf32, #tpu.memory_space<vmem>>, vector<1x16xf32>,
        %swap3A_988 = vector.shape_cast %swap3A_987 : vector<1x16xf32> to vector<16xf32>
        %swap3A_989 = vector.shape_cast %add3A_984 : vector<16xf32> to vector<1x16xf32>
        tpu.vector_store %arg8[%swap3A_985, %swap3A_986], %swap3A_989 {strides = array<i32>} : memref<32x1024xf32, #tpu.memory_space<vmem>>, vector<1x16xf32>,
        %get3A_990 = arith.index_cast %scan3A_48 : i32 to index
        %get3A_991 = arith.constant 928 : index
        %get3A_992 = tpu.vector_load %arg8[%get3A_990, %get3A_991] {strides = array<i32>} : memref<32x1024xf32, #tpu.memory_space<vmem>>, vector<1x16xf32>,
        %get3A_993 = vector.shape_cast %get3A_992 : vector<1x16xf32> to vector<16xf32>
        %mul3A_994 = arith.mulf %get3A_993, %get3A_55 : vector<16xf32>
        %get3A_995 = arith.index_cast %scan3A_48 : i32 to index
        %get3A_996 = arith.constant 928 : index
        %get3A_997 = tpu.vector_load %arg9[%get3A_995, %get3A_996] {strides = array<i32>} : memref<32x1024xf32, #tpu.memory_space<vmem>>, vector<1x16xf32>,
        %get3A_998 = vector.shape_cast %get3A_997 : vector<1x16xf32> to vector<16xf32>
        %mul3A_999 = arith.mulf %get3A_998, %get3A_62 : vector<16xf32>
        %add3A_1000 = arith.addf %mul3A_994, %mul3A_999 : vector<16xf32>
        %swap3A_1001 = arith.index_cast %scan3A_48 : i32 to index
        %swap3A_1002 = arith.constant 928 : index
        %swap3A_1003 = tpu.vector_load %arg8[%swap3A_1001, %swap3A_1002] {strides = array<i32>} : memref<32x1024xf32, #tpu.memory_space<vmem>>, vector<1x16xf32>,
        %swap3A_1004 = vector.shape_cast %swap3A_1003 : vector<1x16xf32> to vector<16xf32>
        %swap3A_1005 = vector.shape_cast %add3A_1000 : vector<16xf32> to vector<1x16xf32>
        tpu.vector_store %arg8[%swap3A_1001, %swap3A_1002], %swap3A_1005 {strides = array<i32>} : memref<32x1024xf32, #tpu.memory_space<vmem>>, vector<1x16xf32>,
        %get3A_1006 = arith.index_cast %scan3A_48 : i32 to index
        %get3A_1007 = arith.constant 944 : index
        %get3A_1008 = tpu.vector_load %arg8[%get3A_1006, %get3A_1007] {strides = array<i32>} : memref<32x1024xf32, #tpu.memory_space<vmem>>, vector<1x16xf32>,
        %get3A_1009 = vector.shape_cast %get3A_1008 : vector<1x16xf32> to vector<16xf32>
        %mul3A_1010 = arith.mulf %get3A_1009, %get3A_55 : vector<16xf32>
        %get3A_1011 = arith.index_cast %scan3A_48 : i32 to index
        %get3A_1012 = arith.constant 944 : index
        %get3A_1013 = tpu.vector_load %arg9[%get3A_1011, %get3A_1012] {strides = array<i32>} : memref<32x1024xf32, #tpu.memory_space<vmem>>, vector<1x16xf32>,
        %get3A_1014 = vector.shape_cast %get3A_1013 : vector<1x16xf32> to vector<16xf32>
        %mul3A_1015 = arith.mulf %get3A_1014, %get3A_62 : vector<16xf32>
        %add3A_1016 = arith.addf %mul3A_1010, %mul3A_1015 : vector<16xf32>
        %swap3A_1017 = arith.index_cast %scan3A_48 : i32 to index
        %swap3A_1018 = arith.constant 944 : index
        %swap3A_1019 = tpu.vector_load %arg8[%swap3A_1017, %swap3A_1018] {strides = array<i32>} : memref<32x1024xf32, #tpu.memory_space<vmem>>, vector<1x16xf32>,
        %swap3A_1020 = vector.shape_cast %swap3A_1019 : vector<1x16xf32> to vector<16xf32>
        %swap3A_1021 = vector.shape_cast %add3A_1016 : vector<16xf32> to vector<1x16xf32>
        tpu.vector_store %arg8[%swap3A_1017, %swap3A_1018], %swap3A_1021 {strides = array<i32>} : memref<32x1024xf32, #tpu.memory_space<vmem>>, vector<1x16xf32>,
        %get3A_1022 = arith.index_cast %scan3A_48 : i32 to index
        %get3A_1023 = arith.constant 960 : index
        %get3A_1024 = tpu.vector_load %arg8[%get3A_1022, %get3A_1023] {strides = array<i32>} : memref<32x1024xf32, #tpu.memory_space<vmem>>, vector<1x16xf32>,
        %get3A_1025 = vector.shape_cast %get3A_1024 : vector<1x16xf32> to vector<16xf32>
        %mul3A_1026 = arith.mulf %get3A_1025, %get3A_55 : vector<16xf32>
        %get3A_1027 = arith.index_cast %scan3A_48 : i32 to index
        %get3A_1028 = arith.constant 960 : index
        %get3A_1029 = tpu.vector_load %arg9[%get3A_1027, %get3A_1028] {strides = array<i32>} : memref<32x1024xf32, #tpu.memory_space<vmem>>, vector<1x16xf32>,
        %get3A_1030 = vector.shape_cast %get3A_1029 : vector<1x16xf32> to vector<16xf32>
        %mul3A_1031 = arith.mulf %get3A_1030, %get3A_62 : vector<16xf32>
        %add3A_1032 = arith.addf %mul3A_1026, %mul3A_1031 : vector<16xf32>
        %swap3A_1033 = arith.index_cast %scan3A_48 : i32 to index
        %swap3A_1034 = arith.constant 960 : index
        %swap3A_1035 = tpu.vector_load %arg8[%swap3A_1033, %swap3A_1034] {strides = array<i32>} : memref<32x1024xf32, #tpu.memory_space<vmem>>, vector<1x16xf32>,
        %swap3A_1036 = vector.shape_cast %swap3A_1035 : vector<1x16xf32> to vector<16xf32>
        %swap3A_1037 = vector.shape_cast %add3A_1032 : vector<16xf32> to vector<1x16xf32>
        tpu.vector_store %arg8[%swap3A_1033, %swap3A_1034], %swap3A_1037 {strides = array<i32>} : memref<32x1024xf32, #tpu.memory_space<vmem>>, vector<1x16xf32>,
        %get3A_1038 = arith.index_cast %scan3A_48 : i32 to index
        %get3A_1039 = arith.constant 976 : index
        %get3A_1040 = tpu.vector_load %arg8[%get3A_1038, %get3A_1039] {strides = array<i32>} : memref<32x1024xf32, #tpu.memory_space<vmem>>, vector<1x16xf32>,
        %get3A_1041 = vector.shape_cast %get3A_1040 : vector<1x16xf32> to vector<16xf32>
        %mul3A_1042 = arith.mulf %get3A_1041, %get3A_55 : vector<16xf32>
        %get3A_1043 = arith.index_cast %scan3A_48 : i32 to index
        %get3A_1044 = arith.constant 976 : index
        %get3A_1045 = tpu.vector_load %arg9[%get3A_1043, %get3A_1044] {strides = array<i32>} : memref<32x1024xf32, #tpu.memory_space<vmem>>, vector<1x16xf32>,
        %get3A_1046 = vector.shape_cast %get3A_1045 : vector<1x16xf32> to vector<16xf32>
        %mul3A_1047 = arith.mulf %get3A_1046, %get3A_62 : vector<16xf32>
        %add3A_1048 = arith.addf %mul3A_1042, %mul3A_1047 : vector<16xf32>
        %swap3A_1049 = arith.index_cast %scan3A_48 : i32 to index
        %swap3A_1050 = arith.constant 976 : index
        %swap3A_1051 = tpu.vector_load %arg8[%swap3A_1049, %swap3A_1050] {strides = array<i32>} : memref<32x1024xf32, #tpu.memory_space<vmem>>, vector<1x16xf32>,
        %swap3A_1052 = vector.shape_cast %swap3A_1051 : vector<1x16xf32> to vector<16xf32>
        %swap3A_1053 = vector.shape_cast %add3A_1048 : vector<16xf32> to vector<1x16xf32>
        tpu.vector_store %arg8[%swap3A_1049, %swap3A_1050], %swap3A_1053 {strides = array<i32>} : memref<32x1024xf32, #tpu.memory_space<vmem>>, vector<1x16xf32>,
        %get3A_1054 = arith.index_cast %scan3A_48 : i32 to index
        %get3A_1055 = arith.constant 992 : index
        %get3A_1056 = tpu.vector_load %arg8[%get3A_1054, %get3A_1055] {strides = array<i32>} : memref<32x1024xf32, #tpu.memory_space<vmem>>, vector<1x16xf32>,
        %get3A_1057 = vector.shape_cast %get3A_1056 : vector<1x16xf32> to vector<16xf32>
        %mul3A_1058 = arith.mulf %get3A_1057, %get3A_55 : vector<16xf32>
        %get3A_1059 = arith.index_cast %scan3A_48 : i32 to index
        %get3A_1060 = arith.constant 992 : index
        %get3A_1061 = tpu.vector_load %arg9[%get3A_1059, %get3A_1060] {strides = array<i32>} : memref<32x1024xf32, #tpu.memory_space<vmem>>, vector<1x16xf32>,
        %get3A_1062 = vector.shape_cast %get3A_1061 : vector<1x16xf32> to vector<16xf32>
        %mul3A_1063 = arith.mulf %get3A_1062, %get3A_62 : vector<16xf32>
        %add3A_1064 = arith.addf %mul3A_1058, %mul3A_1063 : vector<16xf32>
        %swap3A_1065 = arith.index_cast %scan3A_48 : i32 to index
        %swap3A_1066 = arith.constant 992 : index
        %swap3A_1067 = tpu.vector_load %arg8[%swap3A_1065, %swap3A_1066] {strides = array<i32>} : memref<32x1024xf32, #tpu.memory_space<vmem>>, vector<1x16xf32>,
        %swap3A_1068 = vector.shape_cast %swap3A_1067 : vector<1x16xf32> to vector<16xf32>
        %swap3A_1069 = vector.shape_cast %add3A_1064 : vector<16xf32> to vector<1x16xf32>
        tpu.vector_store %arg8[%swap3A_1065, %swap3A_1066], %swap3A_1069 {strides = array<i32>} : memref<32x1024xf32, #tpu.memory_space<vmem>>, vector<1x16xf32>,
        %get3A_1070 = arith.index_cast %scan3A_48 : i32 to index
        %get3A_1071 = arith.constant 1008 : index
        %get3A_1072 = tpu.vector_load %arg8[%get3A_1070, %get3A_1071] {strides = array<i32>} : memref<32x1024xf32, #tpu.memory_space<vmem>>, vector<1x16xf32>,
        %get3A_1073 = vector.shape_cast %get3A_1072 : vector<1x16xf32> to vector<16xf32>
        %mul3A_1074 = arith.mulf %get3A_1073, %get3A_55 : vector<16xf32>
        %get3A_1075 = arith.index_cast %scan3A_48 : i32 to index
        %get3A_1076 = arith.constant 1008 : index
        %get3A_1077 = tpu.vector_load %arg9[%get3A_1075, %get3A_1076] {strides = array<i32>} : memref<32x1024xf32, #tpu.memory_space<vmem>>, vector<1x16xf32>,
        %get3A_1078 = vector.shape_cast %get3A_1077 : vector<1x16xf32> to vector<16xf32>
        %mul3A_1079 = arith.mulf %get3A_1078, %get3A_62 : vector<16xf32>
        %add3A_1080 = arith.addf %mul3A_1074, %mul3A_1079 : vector<16xf32>
        %swap3A_1081 = arith.index_cast %scan3A_48 : i32 to index
        %swap3A_1082 = arith.constant 1008 : index
        %swap3A_1083 = tpu.vector_load %arg8[%swap3A_1081, %swap3A_1082] {strides = array<i32>} : memref<32x1024xf32, #tpu.memory_space<vmem>>, vector<1x16xf32>,
        %swap3A_1084 = vector.shape_cast %swap3A_1083 : vector<1x16xf32> to vector<16xf32>
        %swap3A_1085 = vector.shape_cast %add3A_1080 : vector<16xf32> to vector<1x16xf32>
        tpu.vector_store %arg8[%swap3A_1081, %swap3A_1082], %swap3A_1085 {strides = array<i32>} : memref<32x1024xf32, #tpu.memory_space<vmem>>, vector<1x16xf32>,
        %scan3A_1086 = arith.constant 0 : i32
        scf.yield %scan3A_1086 : i32
      }
      %scan3A_46 = arith.constant 32 : i32
      "tpu.region"() ({
        %run_scoped3A = tpu.sem_alloc : memref<!tpu.dma_semaphore, #tpu.memory_space<semaphore_mem>>
        %dma_start3A_48 = arith.constant 0 : i32
        %dma_start3A_49 = tpu.memref_slice %arg5[%add3A_13, %dma_start3A_48] : memref<2048x1024xf32, #tpu.memory_space<hbm>> -> memref<32x1024xf32, #tpu.memory_space<hbm>>
        %dma_start3A_50 = arith.constant 0 : i32
        %dma_start3A_51 = tpu.memref_slice %arg5[%add3A_13, %dma_start3A_50] : memref<2048x1024xf32, #tpu.memory_space<hbm>> -> memref<32x1024xf32, #tpu.memory_space<hbm>>
        tpu.enqueue_dma source(%arg8 : memref<32x1024xf32, #tpu.memory_space<vmem>>) target(%dma_start3A_51 : memref<32x1024xf32, #tpu.memory_space<hbm>>) target_semaphore(%run_scoped3A : memref<!tpu.dma_semaphore, #tpu.memory_space<semaphore_mem>>)
        %dma_wait3A_52 = arith.constant 0 : i32
        %dma_wait3A_53 = tpu.memref_slice %arg5[%add3A_13, %dma_wait3A_52] : memref<2048x1024xf32, #tpu.memory_space<hbm>> -> memref<32x1024xf32, #tpu.memory_space<hbm>>
        %dma_wait3A_54 = arith.constant 0 : i32
        %dma_wait3A_55 = tpu.memref_slice %arg5[%add3A_13, %dma_wait3A_54] : memref<2048x1024xf32, #tpu.memory_space<hbm>> -> memref<32x1024xf32, #tpu.memory_space<hbm>>
        tpu.wait_dma2 semaphore(%run_scoped3A : memref<!tpu.dma_semaphore, #tpu.memory_space<semaphore_mem>>) src(%arg8 : memref<32x1024xf32, #tpu.memory_space<vmem>>) dst(%dma_wait3A_55 : memref<32x1024xf32, #tpu.memory_space<hbm>>)
        tpu.yield
      }) : () -> ()
      %scan3A_47 = arith.constant 0 : i32
      scf.yield %scan3A_47 : i32
    }
    %scan3A_8 = arith.constant 2 : i32
    return
  }
}

#map = affine_map<(d0, d1) -> (0, 0)>
#map1 = affine_map<(d0, d1) -> (0, 0, 0)>
module attributes {stable_mosaic.version = 14 : i64} {
  func.func @k(%arg0: i32, %arg1: i32, %arg2: memref<2048x1024xf32, #tpu.memory_space<hbm>>, %arg3: memref<32x2x64xi32, #tpu.memory_space<hbm>>, %arg4: memref<6144x1024xf32, #tpu.memory_space<hbm>>, %arg5: memref<2x64xi32, #tpu.memory_space<vmem>>, %arg6: memref<64x1024xf32, #tpu.memory_space<vmem>>, %arg7: memref<!tpu.dma_semaphore, #tpu.memory_space<semaphore_mem>>, %arg8: memref<!tpu.dma_semaphore, #tpu.memory_space<semaphore_mem>>, %arg9: memref<!tpu.dma_semaphore, #tpu.memory_space<semaphore_mem>>, %arg10: memref<!tpu.dma_semaphore, #tpu.memory_space<semaphore_mem>>) attributes {dimension_semantics = [#tpu.dimension_semantics<core_parallel>, #tpu.dimension_semantics<subcore_parallel>], iteration_bounds = array<i64: 2, 16>, scalar_prefetch = 0 : i64, scratch_operands = 6 : i64, tpu.core_type = #tpu.core_type<sc_vector_subcore>, window_params = [{transform_indices = #map}, {transform_indices = #map1}, {transform_indices = #map}]} {
    %mul3A = arith.constant 2 : i32
    %mul3A_0 = arith.muli %arg1, %mul3A : i32
    %add3A = arith.addi %mul3A_0, %arg0 : i32
    %mul3A_1 = arith.constant 64 : i32
    %mul3A_2 = arith.muli %add3A, %mul3A_1 : i32
    %dma_start3A = arith.constant 0 : i32
    %dma_start3A_3 = arith.constant 0 : i32
    %dma_start3A_4 = tpu.memref_slice %arg3[%add3A, %dma_start3A, %dma_start3A_3] : memref<32x2x64xi32, #tpu.memory_space<hbm>> -> memref<1x2x64xi32, #tpu.memory_space<hbm>>
    %dma_start3A_5 = tpu.memref_squeeze %dma_start3A_4 : memref<1x2x64xi32, #tpu.memory_space<hbm>> -> memref<2x64xi32, #tpu.memory_space<hbm>>
    %dma_start3A_6 = arith.constant 0 : i32
    %dma_start3A_7 = arith.constant 0 : i32
    %dma_start3A_8 = tpu.memref_slice %arg3[%add3A, %dma_start3A_6, %dma_start3A_7] : memref<32x2x64xi32, #tpu.memory_space<hbm>> -> memref<1x2x64xi32, #tpu.memory_space<hbm>>
    %dma_start3A_9 = tpu.memref_squeeze %dma_start3A_8 : memref<1x2x64xi32, #tpu.memory_space<hbm>> -> memref<2x64xi32, #tpu.memory_space<hbm>>
    tpu.enqueue_dma source(%dma_start3A_9 : memref<2x64xi32, #tpu.memory_space<hbm>>) target(%arg5 : memref<2x64xi32, #tpu.memory_space<vmem>>) target_semaphore(%arg9 : memref<!tpu.dma_semaphore, #tpu.memory_space<semaphore_mem>>)
    %dma_start3A_10 = arith.constant 0 : i32
    %dma_start3A_11 = tpu.memref_slice %arg2[%mul3A_2, %dma_start3A_10] : memref<2048x1024xf32, #tpu.memory_space<hbm>> -> memref<64x1024xf32, #tpu.memory_space<hbm>>
    %dma_start3A_12 = arith.constant 0 : i32
    %dma_start3A_13 = tpu.memref_slice %arg2[%mul3A_2, %dma_start3A_12] : memref<2048x1024xf32, #tpu.memory_space<hbm>> -> memref<64x1024xf32, #tpu.memory_space<hbm>>
    tpu.enqueue_dma source(%dma_start3A_13 : memref<64x1024xf32, #tpu.memory_space<hbm>>) target(%arg6 : memref<64x1024xf32, #tpu.memory_space<vmem>>) target_semaphore(%arg10 : memref<!tpu.dma_semaphore, #tpu.memory_space<semaphore_mem>>)
    %dma_wait3A = arith.constant 0 : i32
    %dma_wait3A_14 = arith.constant 0 : i32
    %dma_wait3A_15 = tpu.memref_slice %arg3[%add3A, %dma_wait3A, %dma_wait3A_14] : memref<32x2x64xi32, #tpu.memory_space<hbm>> -> memref<1x2x64xi32, #tpu.memory_space<hbm>>
    %dma_wait3A_16 = tpu.memref_squeeze %dma_wait3A_15 : memref<1x2x64xi32, #tpu.memory_space<hbm>> -> memref<2x64xi32, #tpu.memory_space<hbm>>
    %dma_wait3A_17 = arith.constant 0 : i32
    %dma_wait3A_18 = arith.constant 0 : i32
    %dma_wait3A_19 = tpu.memref_slice %arg3[%add3A, %dma_wait3A_17, %dma_wait3A_18] : memref<32x2x64xi32, #tpu.memory_space<hbm>> -> memref<1x2x64xi32, #tpu.memory_space<hbm>>
    %dma_wait3A_20 = tpu.memref_squeeze %dma_wait3A_19 : memref<1x2x64xi32, #tpu.memory_space<hbm>> -> memref<2x64xi32, #tpu.memory_space<hbm>>
    tpu.wait_dma2 semaphore(%arg9 : memref<!tpu.dma_semaphore, #tpu.memory_space<semaphore_mem>>) src(%dma_wait3A_20 : memref<2x64xi32, #tpu.memory_space<hbm>>) dst(%arg5 : memref<2x64xi32, #tpu.memory_space<vmem>>)
    %dma_wait3A_21 = arith.constant 0 : i32
    %dma_wait3A_22 = tpu.memref_slice %arg2[%mul3A_2, %dma_wait3A_21] : memref<2048x1024xf32, #tpu.memory_space<hbm>> -> memref<64x1024xf32, #tpu.memory_space<hbm>>
    %dma_wait3A_23 = arith.constant 0 : i32
    %dma_wait3A_24 = tpu.memref_slice %arg2[%mul3A_2, %dma_wait3A_23] : memref<2048x1024xf32, #tpu.memory_space<hbm>> -> memref<64x1024xf32, #tpu.memory_space<hbm>>
    tpu.wait_dma2 semaphore(%arg10 : memref<!tpu.dma_semaphore, #tpu.memory_space<semaphore_mem>>) src(%dma_wait3A_24 : memref<64x1024xf32, #tpu.memory_space<hbm>>) dst(%arg6 : memref<64x1024xf32, #tpu.memory_space<vmem>>)
    %dma_start3A_25 = arith.constant 0 : i32
    %dma_start3A_26 = arith.constant 0 : i32
    %dma_start3A_27 = tpu.memref_slice %arg5[%dma_start3A_25, %dma_start3A_26] : memref<2x64xi32, #tpu.memory_space<vmem>> -> memref<1x64xi32, #tpu.memory_space<vmem>>
    %dma_start3A_28 = tpu.memref_squeeze %dma_start3A_27 : memref<1x64xi32, #tpu.memory_space<vmem>> -> memref<64xi32, #tpu.memory_space<vmem>>
    %dma_start3A_29 = arith.constant 0 : i32
    %dma_start3A_30 = arith.constant 0 : i32
    %dma_start3A_31 = tpu.memref_slice %arg4[%dma_start3A_29, %dma_start3A_30] : memref<6144x1024xf32, #tpu.memory_space<hbm>> -> memref<6144x1024xf32, #tpu.memory_space<hbm>>
    tpu.enqueue_indirect_dma source(%arg6 : memref<64x1024xf32, #tpu.memory_space<vmem>>) target(%dma_start3A_31 : memref<6144x1024xf32, #tpu.memory_space<hbm>>) offsets(%dma_start3A_28 : memref<64xi32, #tpu.memory_space<vmem>>) semaphore(%arg7 : memref<!tpu.dma_semaphore, #tpu.memory_space<semaphore_mem>>)
    %dma_start3A_32 = arith.constant 1 : i32
    %dma_start3A_33 = arith.constant 0 : i32
    %dma_start3A_34 = tpu.memref_slice %arg5[%dma_start3A_32, %dma_start3A_33] : memref<2x64xi32, #tpu.memory_space<vmem>> -> memref<1x64xi32, #tpu.memory_space<vmem>>
    %dma_start3A_35 = tpu.memref_squeeze %dma_start3A_34 : memref<1x64xi32, #tpu.memory_space<vmem>> -> memref<64xi32, #tpu.memory_space<vmem>>
    %dma_start3A_36 = arith.constant 0 : i32
    %dma_start3A_37 = arith.constant 0 : i32
    %dma_start3A_38 = tpu.memref_slice %arg4[%dma_start3A_36, %dma_start3A_37] : memref<6144x1024xf32, #tpu.memory_space<hbm>> -> memref<6144x1024xf32, #tpu.memory_space<hbm>>
    tpu.enqueue_indirect_dma source(%arg6 : memref<64x1024xf32, #tpu.memory_space<vmem>>) target(%dma_start3A_38 : memref<6144x1024xf32, #tpu.memory_space<hbm>>) offsets(%dma_start3A_35 : memref<64xi32, #tpu.memory_space<vmem>>) semaphore(%arg8 : memref<!tpu.dma_semaphore, #tpu.memory_space<semaphore_mem>>)
    %dma_wait3A_39 = arith.constant 0 : i32
    %dma_wait3A_40 = arith.constant 0 : i32
    %dma_wait3A_41 = tpu.memref_slice %arg5[%dma_wait3A_39, %dma_wait3A_40] : memref<2x64xi32, #tpu.memory_space<vmem>> -> memref<1x64xi32, #tpu.memory_space<vmem>>
    %dma_wait3A_42 = tpu.memref_squeeze %dma_wait3A_41 : memref<1x64xi32, #tpu.memory_space<vmem>> -> memref<64xi32, #tpu.memory_space<vmem>>
    %dma_wait3A_43 = arith.constant 0 : i32
    %dma_wait3A_44 = arith.constant 0 : i32
    %dma_wait3A_45 = tpu.memref_slice %arg4[%dma_wait3A_43, %dma_wait3A_44] : memref<6144x1024xf32, #tpu.memory_space<hbm>> -> memref<6144x1024xf32, #tpu.memory_space<hbm>>
    tpu.wait_indirect_dma semaphore(%arg7 : memref<!tpu.dma_semaphore, #tpu.memory_space<semaphore_mem>>) src(%arg6 : memref<64x1024xf32, #tpu.memory_space<vmem>>) dst(%dma_wait3A_45 : memref<6144x1024xf32, #tpu.memory_space<hbm>>)
    %dma_wait3A_46 = arith.constant 1 : i32
    %dma_wait3A_47 = arith.constant 0 : i32
    %dma_wait3A_48 = tpu.memref_slice %arg5[%dma_wait3A_46, %dma_wait3A_47] : memref<2x64xi32, #tpu.memory_space<vmem>> -> memref<1x64xi32, #tpu.memory_space<vmem>>
    %dma_wait3A_49 = tpu.memref_squeeze %dma_wait3A_48 : memref<1x64xi32, #tpu.memory_space<vmem>> -> memref<64xi32, #tpu.memory_space<vmem>>
    %dma_wait3A_50 = arith.constant 0 : i32
    %dma_wait3A_51 = arith.constant 0 : i32
    %dma_wait3A_52 = tpu.memref_slice %arg4[%dma_wait3A_50, %dma_wait3A_51] : memref<6144x1024xf32, #tpu.memory_space<hbm>> -> memref<6144x1024xf32, #tpu.memory_space<hbm>>
    tpu.wait_indirect_dma semaphore(%arg8 : memref<!tpu.dma_semaphore, #tpu.memory_space<semaphore_mem>>) src(%arg6 : memref<64x1024xf32, #tpu.memory_space<vmem>>) dst(%dma_wait3A_52 : memref<6144x1024xf32, #tpu.memory_space<hbm>>)
    return
  }
}

module attributes {stable_mosaic.version = 14 : i64} {
  func.func @_ffn_body(%arg0: i32, %arg1: memref<8x128xi32, #tpu.memory_space<smem>>, %arg2: memref<256x1024xf32, #tpu.memory_space<vmem>>, %arg3: memref<8x2048x1024xf32, #tpu.memory_space<any>>, %arg4: memref<8x1024x1024xf32, #tpu.memory_space<any>>, %arg5: memref<256x1024xf32, #tpu.memory_space<vmem>>, %arg6: memref<2x2048x1024xf32, #tpu.memory_space<vmem>>, %arg7: memref<2x1024x1024xf32, #tpu.memory_space<vmem>>, %arg8: memref<2x!tpu.dma_semaphore, #tpu.memory_space<semaphore_mem>>, %arg9: memref<2x!tpu.dma_semaphore, #tpu.memory_space<semaphore_mem>>) attributes {dimension_semantics = [#tpu.dimension_semantics<arbitrary>], iteration_bounds = array<i64: 24>, scalar_prefetch = 1 : i64, scratch_operands = 4 : i64, tpu.core_type = #tpu.core_type<tc>, window_params = [{transform_indices = @transform_0, window_bounds = array<i64: 256, 1024>}, {}, {}, {transform_indices = @transform_3, window_bounds = array<i64: 256, 1024>}]} {
    %get3A = arith.constant 0 : index
    %get3A_0 = arith.index_cast %arg0 : i32 to index
    %get3A_1 = memref.load %arg1[%get3A, %get3A_0] : memref<8x128xi32, #tpu.memory_space<smem>>
    %get3A_2 = arith.constant 1 : index
    %get3A_3 = arith.index_cast %arg0 : i32 to index
    %get3A_4 = memref.load %arg1[%get3A_2, %get3A_3] : memref<8x128xi32, #tpu.memory_space<smem>>
    %get3A_5 = arith.constant 2 : index
    %get3A_6 = arith.index_cast %arg0 : i32 to index
    %get3A_7 = memref.load %arg1[%get3A_5, %get3A_6] : memref<8x128xi32, #tpu.memory_space<smem>>
    %get3A_8 = arith.constant 3 : index
    %get3A_9 = arith.index_cast %arg0 : i32 to index
    %get3A_10 = memref.load %arg1[%get3A_8, %get3A_9] : memref<8x128xi32, #tpu.memory_space<smem>>
    %get3A_11 = arith.constant 4 : index
    %get3A_12 = arith.index_cast %arg0 : i32 to index
    %get3A_13 = memref.load %arg1[%get3A_11, %get3A_12] : memref<8x128xi32, #tpu.memory_space<smem>>
    %eq3A = arith.constant 0 : i32
    %eq3A_14 = arith.cmpi eq, %arg0, %eq3A : i32
    %convert_element_type3A = arith.extui %eq3A_14 : i1 to i32
    %cond3A = arith.constant 0 : i32
    %cond3A_15 = arith.cmpi ne, %convert_element_type3A, %cond3A : i32
    scf.if %cond3A_15 {
      %dma_start3A = tpu.memref_slice %arg8[%get3A_4] : memref<2x!tpu.dma_semaphore, #tpu.memory_space<semaphore_mem>> -> memref<1x!tpu.dma_semaphore, #tpu.memory_space<semaphore_mem>>
      %dma_start3A_52 = tpu.memref_squeeze %dma_start3A : memref<1x!tpu.dma_semaphore, #tpu.memory_space<semaphore_mem>> -> memref<!tpu.dma_semaphore, #tpu.memory_space<semaphore_mem>>
      %dma_start3A_53 = arith.constant 0 : i32
      %dma_start3A_54 = arith.constant 0 : i32
      %dma_start3A_55 = tpu.memref_slice %arg6[%get3A_4, %dma_start3A_53, %dma_start3A_54] : memref<2x2048x1024xf32, #tpu.memory_space<vmem>> -> memref<1x2048x1024xf32, #tpu.memory_space<vmem>>
      %dma_start3A_56 = tpu.memref_squeeze %dma_start3A_55 : memref<1x2048x1024xf32, #tpu.memory_space<vmem>> -> memref<2048x1024xf32, #tpu.memory_space<vmem>>
      %dma_start3A_57 = arith.constant 0 : i32
      %dma_start3A_58 = arith.constant 0 : i32
      %dma_start3A_59 = tpu.memref_slice %arg3[%get3A_1, %dma_start3A_57, %dma_start3A_58] : memref<8x2048x1024xf32, #tpu.memory_space<any>> -> memref<1x2048x1024xf32, #tpu.memory_space<any>>
      %dma_start3A_60 = tpu.memref_squeeze %dma_start3A_59 : memref<1x2048x1024xf32, #tpu.memory_space<any>> -> memref<2048x1024xf32, #tpu.memory_space<any>>
      tpu.enqueue_dma source(%dma_start3A_60 : memref<2048x1024xf32, #tpu.memory_space<any>>) target(%dma_start3A_56 : memref<2048x1024xf32, #tpu.memory_space<vmem>>) target_semaphore(%dma_start3A_52 : memref<!tpu.dma_semaphore, #tpu.memory_space<semaphore_mem>>)
      %dma_start3A_61 = tpu.memref_slice %arg9[%get3A_4] : memref<2x!tpu.dma_semaphore, #tpu.memory_space<semaphore_mem>> -> memref<1x!tpu.dma_semaphore, #tpu.memory_space<semaphore_mem>>
      %dma_start3A_62 = tpu.memref_squeeze %dma_start3A_61 : memref<1x!tpu.dma_semaphore, #tpu.memory_space<semaphore_mem>> -> memref<!tpu.dma_semaphore, #tpu.memory_space<semaphore_mem>>
      %dma_start3A_63 = arith.constant 0 : i32
      %dma_start3A_64 = arith.constant 0 : i32
      %dma_start3A_65 = tpu.memref_slice %arg7[%get3A_4, %dma_start3A_63, %dma_start3A_64] : memref<2x1024x1024xf32, #tpu.memory_space<vmem>> -> memref<1x1024x1024xf32, #tpu.memory_space<vmem>>
      %dma_start3A_66 = tpu.memref_squeeze %dma_start3A_65 : memref<1x1024x1024xf32, #tpu.memory_space<vmem>> -> memref<1024x1024xf32, #tpu.memory_space<vmem>>
      %dma_start3A_67 = arith.constant 0 : i32
      %dma_start3A_68 = arith.constant 0 : i32
      %dma_start3A_69 = tpu.memref_slice %arg4[%get3A_1, %dma_start3A_67, %dma_start3A_68] : memref<8x1024x1024xf32, #tpu.memory_space<any>> -> memref<1x1024x1024xf32, #tpu.memory_space<any>>
      %dma_start3A_70 = tpu.memref_squeeze %dma_start3A_69 : memref<1x1024x1024xf32, #tpu.memory_space<any>> -> memref<1024x1024xf32, #tpu.memory_space<any>>
      tpu.enqueue_dma source(%dma_start3A_70 : memref<1024x1024xf32, #tpu.memory_space<any>>) target(%dma_start3A_66 : memref<1024x1024xf32, #tpu.memory_space<vmem>>) target_semaphore(%dma_start3A_62 : memref<!tpu.dma_semaphore, #tpu.memory_space<semaphore_mem>>)
    } else {
    }
    %eq3A_16 = arith.constant 1 : i32
    %eq3A_17 = arith.cmpi eq, %get3A_7, %eq3A_16 : i32
    %convert_element_type3A_18 = arith.extui %eq3A_17 : i1 to i32
    %cond3A_19 = arith.constant 0 : i32
    %cond3A_20 = arith.cmpi ne, %convert_element_type3A_18, %cond3A_19 : i32
    scf.if %cond3A_20 {
      %dma_wait3A = tpu.memref_slice %arg8[%get3A_4] : memref<2x!tpu.dma_semaphore, #tpu.memory_space<semaphore_mem>> -> memref<1x!tpu.dma_semaphore, #tpu.memory_space<semaphore_mem>>
      %dma_wait3A_52 = tpu.memref_squeeze %dma_wait3A : memref<1x!tpu.dma_semaphore, #tpu.memory_space<semaphore_mem>> -> memref<!tpu.dma_semaphore, #tpu.memory_space<semaphore_mem>>
      %dma_wait3A_53 = arith.constant 0 : i32
      %dma_wait3A_54 = arith.constant 0 : i32
      %dma_wait3A_55 = tpu.memref_slice %arg6[%get3A_4, %dma_wait3A_53, %dma_wait3A_54] : memref<2x2048x1024xf32, #tpu.memory_space<vmem>> -> memref<1x2048x1024xf32, #tpu.memory_space<vmem>>
      %dma_wait3A_56 = tpu.memref_squeeze %dma_wait3A_55 : memref<1x2048x1024xf32, #tpu.memory_space<vmem>> -> memref<2048x1024xf32, #tpu.memory_space<vmem>>
      %dma_wait3A_57 = arith.constant 0 : i32
      %dma_wait3A_58 = arith.constant 0 : i32
      %dma_wait3A_59 = tpu.memref_slice %arg3[%get3A_1, %dma_wait3A_57, %dma_wait3A_58] : memref<8x2048x1024xf32, #tpu.memory_space<any>> -> memref<1x2048x1024xf32, #tpu.memory_space<any>>
      %dma_wait3A_60 = tpu.memref_squeeze %dma_wait3A_59 : memref<1x2048x1024xf32, #tpu.memory_space<any>> -> memref<2048x1024xf32, #tpu.memory_space<any>>
      tpu.wait_dma2 semaphore(%dma_wait3A_52 : memref<!tpu.dma_semaphore, #tpu.memory_space<semaphore_mem>>) src(%dma_wait3A_60 : memref<2048x1024xf32, #tpu.memory_space<any>>) dst(%dma_wait3A_56 : memref<2048x1024xf32, #tpu.memory_space<vmem>>)
      %dma_wait3A_61 = tpu.memref_slice %arg9[%get3A_4] : memref<2x!tpu.dma_semaphore, #tpu.memory_space<semaphore_mem>> -> memref<1x!tpu.dma_semaphore, #tpu.memory_space<semaphore_mem>>
      %dma_wait3A_62 = tpu.memref_squeeze %dma_wait3A_61 : memref<1x!tpu.dma_semaphore, #tpu.memory_space<semaphore_mem>> -> memref<!tpu.dma_semaphore, #tpu.memory_space<semaphore_mem>>
      %dma_wait3A_63 = arith.constant 0 : i32
      %dma_wait3A_64 = arith.constant 0 : i32
      %dma_wait3A_65 = tpu.memref_slice %arg7[%get3A_4, %dma_wait3A_63, %dma_wait3A_64] : memref<2x1024x1024xf32, #tpu.memory_space<vmem>> -> memref<1x1024x1024xf32, #tpu.memory_space<vmem>>
      %dma_wait3A_66 = tpu.memref_squeeze %dma_wait3A_65 : memref<1x1024x1024xf32, #tpu.memory_space<vmem>> -> memref<1024x1024xf32, #tpu.memory_space<vmem>>
      %dma_wait3A_67 = arith.constant 0 : i32
      %dma_wait3A_68 = arith.constant 0 : i32
      %dma_wait3A_69 = tpu.memref_slice %arg4[%get3A_1, %dma_wait3A_67, %dma_wait3A_68] : memref<8x1024x1024xf32, #tpu.memory_space<any>> -> memref<1x1024x1024xf32, #tpu.memory_space<any>>
      %dma_wait3A_70 = tpu.memref_squeeze %dma_wait3A_69 : memref<1x1024x1024xf32, #tpu.memory_space<any>> -> memref<1024x1024xf32, #tpu.memory_space<any>>
      tpu.wait_dma2 semaphore(%dma_wait3A_62 : memref<!tpu.dma_semaphore, #tpu.memory_space<semaphore_mem>>) src(%dma_wait3A_70 : memref<1024x1024xf32, #tpu.memory_space<any>>) dst(%dma_wait3A_66 : memref<1024x1024xf32, #tpu.memory_space<vmem>>)
    } else {
    }
    %eq3A_21 = arith.constant 1 : i32
    %eq3A_22 = arith.cmpi eq, %get3A_7, %eq3A_21 : i32
    %eq3A_23 = arith.constant 1 : i32
    %eq3A_24 = arith.cmpi eq, %get3A_13, %eq3A_23 : i32
    %and3A = arith.andi %eq3A_22, %eq3A_24 : i1
    %convert_element_type3A_25 = arith.extui %and3A : i1 to i32
    %cond3A_26 = arith.constant 0 : i32
    %cond3A_27 = arith.cmpi ne, %convert_element_type3A_25, %cond3A_26 : i32
    scf.if %cond3A_27 {
      %sub3A = arith.constant 1 : i32
      %sub3A_52 = arith.subi %sub3A, %get3A_4 : i32
      %dma_start3A = tpu.memref_slice %arg8[%sub3A_52] : memref<2x!tpu.dma_semaphore, #tpu.memory_space<semaphore_mem>> -> memref<1x!tpu.dma_semaphore, #tpu.memory_space<semaphore_mem>>
      %dma_start3A_53 = tpu.memref_squeeze %dma_start3A : memref<1x!tpu.dma_semaphore, #tpu.memory_space<semaphore_mem>> -> memref<!tpu.dma_semaphore, #tpu.memory_space<semaphore_mem>>
      %dma_start3A_54 = arith.constant 0 : i32
      %dma_start3A_55 = arith.constant 0 : i32
      %dma_start3A_56 = tpu.memref_slice %arg6[%sub3A_52, %dma_start3A_54, %dma_start3A_55] : memref<2x2048x1024xf32, #tpu.memory_space<vmem>> -> memref<1x2048x1024xf32, #tpu.memory_space<vmem>>
      %dma_start3A_57 = tpu.memref_squeeze %dma_start3A_56 : memref<1x2048x1024xf32, #tpu.memory_space<vmem>> -> memref<2048x1024xf32, #tpu.memory_space<vmem>>
      %dma_start3A_58 = arith.constant 0 : i32
      %dma_start3A_59 = arith.constant 0 : i32
      %dma_start3A_60 = tpu.memref_slice %arg3[%get3A_10, %dma_start3A_58, %dma_start3A_59] : memref<8x2048x1024xf32, #tpu.memory_space<any>> -> memref<1x2048x1024xf32, #tpu.memory_space<any>>
      %dma_start3A_61 = tpu.memref_squeeze %dma_start3A_60 : memref<1x2048x1024xf32, #tpu.memory_space<any>> -> memref<2048x1024xf32, #tpu.memory_space<any>>
      tpu.enqueue_dma source(%dma_start3A_61 : memref<2048x1024xf32, #tpu.memory_space<any>>) target(%dma_start3A_57 : memref<2048x1024xf32, #tpu.memory_space<vmem>>) target_semaphore(%dma_start3A_53 : memref<!tpu.dma_semaphore, #tpu.memory_space<semaphore_mem>>)
      %sub3A_62 = arith.constant 1 : i32
      %sub3A_63 = arith.subi %sub3A_62, %get3A_4 : i32
      %dma_start3A_64 = tpu.memref_slice %arg9[%sub3A_63] : memref<2x!tpu.dma_semaphore, #tpu.memory_space<semaphore_mem>> -> memref<1x!tpu.dma_semaphore, #tpu.memory_space<semaphore_mem>>
      %dma_start3A_65 = tpu.memref_squeeze %dma_start3A_64 : memref<1x!tpu.dma_semaphore, #tpu.memory_space<semaphore_mem>> -> memref<!tpu.dma_semaphore, #tpu.memory_space<semaphore_mem>>
      %dma_start3A_66 = arith.constant 0 : i32
      %dma_start3A_67 = arith.constant 0 : i32
      %dma_start3A_68 = tpu.memref_slice %arg7[%sub3A_63, %dma_start3A_66, %dma_start3A_67] : memref<2x1024x1024xf32, #tpu.memory_space<vmem>> -> memref<1x1024x1024xf32, #tpu.memory_space<vmem>>
      %dma_start3A_69 = tpu.memref_squeeze %dma_start3A_68 : memref<1x1024x1024xf32, #tpu.memory_space<vmem>> -> memref<1024x1024xf32, #tpu.memory_space<vmem>>
      %dma_start3A_70 = arith.constant 0 : i32
      %dma_start3A_71 = arith.constant 0 : i32
      %dma_start3A_72 = tpu.memref_slice %arg4[%get3A_10, %dma_start3A_70, %dma_start3A_71] : memref<8x1024x1024xf32, #tpu.memory_space<any>> -> memref<1x1024x1024xf32, #tpu.memory_space<any>>
      %dma_start3A_73 = tpu.memref_squeeze %dma_start3A_72 : memref<1x1024x1024xf32, #tpu.memory_space<any>> -> memref<1024x1024xf32, #tpu.memory_space<any>>
      tpu.enqueue_dma source(%dma_start3A_73 : memref<1024x1024xf32, #tpu.memory_space<any>>) target(%dma_start3A_69 : memref<1024x1024xf32, #tpu.memory_space<vmem>>) target_semaphore(%dma_start3A_65 : memref<!tpu.dma_semaphore, #tpu.memory_space<semaphore_mem>>)
    } else {
    }
    %get3A_28 = arith.constant 0 : index
    %get3A_29 = arith.constant 0 : index
    %get3A_30 = vector.load %arg2[%get3A_28, %get3A_29] : memref<256x1024xf32, #tpu.memory_space<vmem>>, vector<256x1024xf32>
    %get3A_31 = arith.index_cast %get3A_4 : i32 to index
    %get3A_32 = arith.constant 0 : index
    %get3A_33 = arith.constant 0 : index
    %get3A_34 = vector.load %arg6[%get3A_31, %get3A_32, %get3A_33] : memref<2x2048x1024xf32, #tpu.memory_space<vmem>>, vector<1x2048x1024xf32>
    %squeeze3A = vector.shape_cast %get3A_34 : vector<1x2048x1024xf32> to vector<2048x1024xf32>
    %dot_general3A = arith.constant dense<0.000000e+00> : vector<256x2048xf32>
    %dot_general3A_35 = tpu.matmul %get3A_30, %squeeze3A, %dot_general3A {dimension_numbers = #tpu.dot_dimension_numbers<[1], [1], [0], [0], [0, 0, 1, 0], [], []>, transpose_lhs_hint = false} : vector<256x1024xf32>, vector<2048x1024xf32>, vector<256x2048xf32> -> vector<256x2048xf32>
    %slice3A = vector.extract_strided_slice %dot_general3A_35 {offsets = [0, 0], sizes = [256, 1024], strides = [1, 1]} : vector<256x2048xf32> to vector<256x1024xf32>
    %slice3A_36 = vector.extract_strided_slice %dot_general3A_35 {offsets = [0, 1024], sizes = [256, 1024], strides = [1, 1]} : vector<256x2048xf32> to vector<256x1024xf32>
    %logistic3A = arith.negf %slice3A_36 : vector<256x1024xf32>
    %logistic3A_37 = math.exp %logistic3A : vector<256x1024xf32>
    %logistic3A_38 = arith.constant 1.000000e+00 : f32
    %logistic3A_39 = vector.broadcast %logistic3A_38 : f32 to vector<256x1024xf32>
    %logistic3A_40 = arith.addf %logistic3A_39, %logistic3A_37 : vector<256x1024xf32>
    %logistic3A_41 = arith.divf %logistic3A_39, %logistic3A_40 : vector<256x1024xf32>
    %mul3A = arith.mulf %slice3A_36, %logistic3A_41 : vector<256x1024xf32>
    %mul3A_42 = arith.mulf %mul3A, %slice3A : vector<256x1024xf32>
    %get3A_43 = arith.index_cast %get3A_4 : i32 to index
    %get3A_44 = arith.constant 0 : index
    %get3A_45 = arith.constant 0 : index
    %get3A_46 = vector.load %arg7[%get3A_43, %get3A_44, %get3A_45] : memref<2x1024x1024xf32, #tpu.memory_space<vmem>>, vector<1x1024x1024xf32>
    %squeeze3A_47 = vector.shape_cast %get3A_46 : vector<1x1024x1024xf32> to vector<1024x1024xf32>
    %dot_general3A_48 = arith.constant dense<0.000000e+00> : vector<256x1024xf32>
    %dot_general3A_49 = tpu.matmul %mul3A_42, %squeeze3A_47, %dot_general3A_48 {dimension_numbers = #tpu.dot_dimension_numbers<[1], [1], [0], [0], [0, 0, 1, 0], [], []>, transpose_lhs_hint = false} : vector<256x1024xf32>, vector<1024x1024xf32>, vector<256x1024xf32> -> vector<256x1024xf32>
    %swap3A = arith.constant 0 : index
    %swap3A_50 = arith.constant 0 : index
    %swap3A_51 = vector.load %arg5[%swap3A, %swap3A_50] : memref<256x1024xf32, #tpu.memory_space<vmem>>, vector<256x1024xf32>
    tpu.vector_store %arg5[%swap3A, %swap3A_50], %dot_general3A_49 {strides = array<i32>} : memref<256x1024xf32, #tpu.memory_space<vmem>>, vector<256x1024xf32>,
    return
  }
  func.func @transform_0(%arg0: i32, %arg1: memref<8x128xi32, #tpu.memory_space<smem>>) -> (i32, i32) {
    %c0_i32 = arith.constant 0 : i32
    %c0_i32_0 = arith.constant 0 : i32
    return %arg0, %c0_i32 : i32, i32
  }
  func.func @transform_3(%arg0: i32, %arg1: memref<8x128xi32, #tpu.memory_space<smem>>) -> (i32, i32) {
    %c0_i32 = arith.constant 0 : i32
    %c0_i32_0 = arith.constant 0 : i32
    return %arg0, %c0_i32 : i32, i32
  }
}

module attributes {stable_mosaic.version = 14 : i64} {
  func.func @_routing_body(%arg0: memref<2048x8xf32, #tpu.memory_space<vmem>>, %arg1: memref<2048x8xi32, #tpu.memory_space<vmem>>, %arg2: memref<2048x32xf32, #tpu.memory_space<vmem>>, %arg3: memref<8x128xi32, #tpu.memory_space<vmem>>) attributes {dimension_semantics = [], scalar_prefetch = 0 : i64, scratch_operands = 0 : i64, tpu.core_type = #tpu.core_type<tc>} {
    %get3A = arith.constant 0 : index
    %get3A_0 = arith.constant 0 : index
    %get3A_1 = vector.load %arg0[%get3A, %get3A_0] : memref<2048x8xf32, #tpu.memory_space<vmem>>, vector<2048x8xf32>
    %reduce_max3A = arith.constant dense<0xFF800000> : vector<2048xf32>
    %reduce_max3A_2 = vector.multi_reduction <maximumf>, %get3A_1, %reduce_max3A [1] : vector<2048x8xf32> to vector<2048xf32>
    %broadcast_in_dim3A = vector.shape_cast %reduce_max3A_2 : vector<2048xf32> to vector<2048x1xf32>
    %sub3A = vector.broadcast %broadcast_in_dim3A : vector<2048x1xf32> to vector<2048x8xf32>
    %sub3A_3 = arith.subf %get3A_1, %sub3A : vector<2048x8xf32>
    %exp3A = math.exp %sub3A_3 : vector<2048x8xf32>
    %reduce_sum3A = arith.constant dense<0.000000e+00> : vector<2048xf32>
    %reduce_sum3A_4 = vector.multi_reduction <add>, %exp3A, %reduce_sum3A [1] : vector<2048x8xf32> to vector<2048xf32>
    %broadcast_in_dim3A_5 = vector.shape_cast %reduce_sum3A_4 : vector<2048xf32> to vector<2048x1xf32>
    %div3A = vector.broadcast %broadcast_in_dim3A_5 : vector<2048x1xf32> to vector<2048x8xf32>
    %div3A_6 = arith.divf %exp3A, %div3A : vector<2048x8xf32>
    %iota3A = tpu.iota {dimensions = array<i32: 1>} : vector<2048x8xi32>
    %reduce_max3A_7 = arith.constant dense<0xFF800000> : vector<2048xf32>
    %reduce_max3A_8 = vector.multi_reduction <maximumf>, %div3A_6, %reduce_max3A_7 [1] : vector<2048x8xf32> to vector<2048xf32>
    %broadcast_in_dim3A_9 = vector.shape_cast %reduce_max3A_8 : vector<2048xf32> to vector<2048x1xf32>
    %eq3A = vector.broadcast %broadcast_in_dim3A_9 : vector<2048x1xf32> to vector<2048x8xf32>
    %eq3A_10 = arith.cmpf oeq, %div3A_6, %eq3A : vector<2048x8xf32>
    %jit3A = arith.constant 8 : i32
    %broadcast_in_dim3A_11 = vector.broadcast %jit3A : i32 to vector<2048x8xi32>
    %select_n3A = arith.select %eq3A_10, %iota3A, %broadcast_in_dim3A_11 : vector<2048x8xi1>, vector<2048x8xi32>
    %reduce_min3A = arith.constant dense<2147483647> : vector<2048xi32>
    %reduce_min3A_12 = vector.multi_reduction <minsi>, %select_n3A, %reduce_min3A [1] : vector<2048x8xi32> to vector<2048xi32>
    %broadcast_in_dim3A_13 = vector.shape_cast %reduce_min3A_12 : vector<2048xi32> to vector<2048x1xi32>
    %eq3A_14 = vector.broadcast %broadcast_in_dim3A_13 : vector<2048x1xi32> to vector<2048x8xi32>
    %eq3A_15 = arith.cmpi eq, %iota3A, %eq3A_14 : vector<2048x8xi32>
    %convert_element_type3A = arith.extui %eq3A_15 : vector<2048x8xi1> to vector<2048x8xi32>
    %convert_element_type3A_16 = arith.sitofp %convert_element_type3A : vector<2048x8xi32> to vector<2048x8xf32>
    %eq3A_17 = vector.broadcast %broadcast_in_dim3A_13 : vector<2048x1xi32> to vector<2048x8xi32>
    %eq3A_18 = arith.cmpi eq, %iota3A, %eq3A_17 : vector<2048x8xi32>
    %jit3A_19 = arith.constant 0xFF800000 : f32
    %broadcast_in_dim3A_20 = vector.broadcast %jit3A_19 : f32 to vector<2048x8xf32>
    %select_n3A_21 = arith.select %eq3A_18, %broadcast_in_dim3A_20, %div3A_6 : vector<2048x8xi1>, vector<2048x8xf32>
    %reduce_max3A_22 = arith.constant dense<0xFF800000> : vector<2048xf32>
    %reduce_max3A_23 = vector.multi_reduction <maximumf>, %select_n3A_21, %reduce_max3A_22 [1] : vector<2048x8xf32> to vector<2048xf32>
    %broadcast_in_dim3A_24 = vector.shape_cast %reduce_max3A_23 : vector<2048xf32> to vector<2048x1xf32>
    %eq3A_25 = vector.broadcast %broadcast_in_dim3A_24 : vector<2048x1xf32> to vector<2048x8xf32>
    %eq3A_26 = arith.cmpf oeq, %select_n3A_21, %eq3A_25 : vector<2048x8xf32>
    %jit3A_27 = arith.constant 8 : i32
    %broadcast_in_dim3A_28 = vector.broadcast %jit3A_27 : i32 to vector<2048x8xi32>
    %select_n3A_29 = arith.select %eq3A_26, %iota3A, %broadcast_in_dim3A_28 : vector<2048x8xi1>, vector<2048x8xi32>
    %reduce_min3A_30 = arith.constant dense<2147483647> : vector<2048xi32>
    %reduce_min3A_31 = vector.multi_reduction <minsi>, %select_n3A_29, %reduce_min3A_30 [1] : vector<2048x8xi32> to vector<2048xi32>
    %broadcast_in_dim3A_32 = vector.shape_cast %reduce_min3A_31 : vector<2048xi32> to vector<2048x1xi32>
    %eq3A_33 = vector.broadcast %broadcast_in_dim3A_32 : vector<2048x1xi32> to vector<2048x8xi32>
    %eq3A_34 = arith.cmpi eq, %iota3A, %eq3A_33 : vector<2048x8xi32>
    %convert_element_type3A_35 = arith.extui %eq3A_34 : vector<2048x8xi1> to vector<2048x8xi32>
    %convert_element_type3A_36 = arith.sitofp %convert_element_type3A_35 : vector<2048x8xi32> to vector<2048x8xf32>
    %add3A = arith.addf %broadcast_in_dim3A_9, %broadcast_in_dim3A_24 : vector<2048x1xf32>
    %iota3A_37 = tpu.iota {dimensions = array<i32: 1>} : vector<2048x32xi32>
    %lt3A = arith.constant 16 : i32
    %lt3A_38 = vector.broadcast %lt3A : i32 to vector<2048x32xi32>
    %lt3A_39 = arith.cmpi slt, %iota3A_37, %lt3A_38 : vector<2048x32xi32>
    %div3A_40 = arith.divf %broadcast_in_dim3A_9, %add3A : vector<2048x1xf32>
    %div3A_41 = arith.divf %broadcast_in_dim3A_24, %add3A : vector<2048x1xf32>
    %broadcast_in_dim3A_42 = vector.shape_cast %div3A_40 : vector<2048x1xf32> to vector<2048x1xf32>
    %broadcast_in_dim3A_43 = vector.broadcast %broadcast_in_dim3A_42 : vector<2048x1xf32> to vector<2048x32xf32>
    %broadcast_in_dim3A_44 = vector.shape_cast %div3A_41 : vector<2048x1xf32> to vector<2048x1xf32>
    %broadcast_in_dim3A_45 = vector.broadcast %broadcast_in_dim3A_44 : vector<2048x1xf32> to vector<2048x32xf32>
    %select_n3A_46 = arith.select %lt3A_39, %broadcast_in_dim3A_43, %broadcast_in_dim3A_45 : vector<2048x32xi1>, vector<2048x32xf32>
    %swap3A = arith.constant 0 : index
    %swap3A_47 = arith.constant 0 : index
    %swap3A_48 = vector.load %arg2[%swap3A, %swap3A_47] : memref<2048x32xf32, #tpu.memory_space<vmem>>, vector<2048x32xf32>
    tpu.vector_store %arg2[%swap3A, %swap3A_47], %select_n3A_46 {strides = array<i32>} : memref<2048x32xf32, #tpu.memory_space<vmem>>, vector<2048x32xf32>,
    %add3A_49 = arith.addf %convert_element_type3A_16, %convert_element_type3A_36 : vector<2048x8xf32>
    %iota3A_50 = tpu.iota {dimensions = array<i32: 0>} : vector<256x256xi32>
    %iota3A_51 = tpu.iota {dimensions = array<i32: 1>} : vector<256x256xi32>
    %lt3A_52 = arith.cmpi slt, %iota3A_51, %iota3A_50 : vector<256x256xi32>
    %convert_element_type3A_53 = arith.extui %lt3A_52 : vector<256x256xi1> to vector<256x256xi32>
    %convert_element_type3A_54 = arith.sitofp %convert_element_type3A_53 : vector<256x256xi32> to vector<256x256xf32>
    %broadcast_in_dim3A_55 = arith.constant 1.000000e+00 : f32
    %broadcast_in_dim3A_56 = vector.broadcast %broadcast_in_dim3A_55 : f32 to vector<1x256xf32>
    %broadcast_in_dim3A_57 = arith.constant 0.000000e+00 : f32
    %broadcast_in_dim3A_58 = vector.broadcast %broadcast_in_dim3A_57 : f32 to vector<1x8xf32>
    %slice3A = vector.extract_strided_slice %add3A_49 {offsets = [0, 0], sizes = [256, 8], strides = [1, 1]} : vector<2048x8xf32> to vector<256x8xf32>
    %dot_general3A = arith.constant dense<0.000000e+00> : vector<256x8xf32>
    %dot_general3A_59 = tpu.matmul %convert_element_type3A_54, %slice3A, %dot_general3A {dimension_numbers = #tpu.dot_dimension_numbers<[1], [0], [0], [1], [0, 0, 1, 1], [], []>, transpose_lhs_hint = false} : vector<256x256xf32>, vector<256x8xf32>, vector<256x8xf32> -> vector<256x8xf32>
    %add3A_60 = vector.broadcast %broadcast_in_dim3A_58 : vector<1x8xf32> to vector<256x8xf32>
    %add3A_61 = arith.addf %dot_general3A_59, %add3A_60 : vector<256x8xf32>
    %dot_general3A_62 = arith.constant dense<0.000000e+00> : vector<1x8xf32>
    %dot_general3A_63 = tpu.matmul %broadcast_in_dim3A_56, %slice3A, %dot_general3A_62 {dimension_numbers = #tpu.dot_dimension_numbers<[1], [0], [0], [1], [0, 0, 1, 1], [], []>, transpose_lhs_hint = false} : vector<1x256xf32>, vector<256x8xf32>, vector<1x8xf32> -> vector<1x8xf32>
    %add3A_64 = arith.addf %broadcast_in_dim3A_58, %dot_general3A_63 : vector<1x8xf32>
    %slice3A_65 = vector.extract_strided_slice %add3A_49 {offsets = [256, 0], sizes = [256, 8], strides = [1, 1]} : vector<2048x8xf32> to vector<256x8xf32>
    %dot_general3A_66 = arith.constant dense<0.000000e+00> : vector<256x8xf32>
    %dot_general3A_67 = tpu.matmul %convert_element_type3A_54, %slice3A_65, %dot_general3A_66 {dimension_numbers = #tpu.dot_dimension_numbers<[1], [0], [0], [1], [0, 0, 1, 1], [], []>, transpose_lhs_hint = false} : vector<256x256xf32>, vector<256x8xf32>, vector<256x8xf32> -> vector<256x8xf32>
    %add3A_68 = vector.broadcast %add3A_64 : vector<1x8xf32> to vector<256x8xf32>
    %add3A_69 = arith.addf %dot_general3A_67, %add3A_68 : vector<256x8xf32>
    %dot_general3A_70 = arith.constant dense<0.000000e+00> : vector<1x8xf32>
    %dot_general3A_71 = tpu.matmul %broadcast_in_dim3A_56, %slice3A_65, %dot_general3A_70 {dimension_numbers = #tpu.dot_dimension_numbers<[1], [0], [0], [1], [0, 0, 1, 1], [], []>, transpose_lhs_hint = false} : vector<1x256xf32>, vector<256x8xf32>, vector<1x8xf32> -> vector<1x8xf32>
    %add3A_72 = arith.addf %add3A_64, %dot_general3A_71 : vector<1x8xf32>
    %slice3A_73 = vector.extract_strided_slice %add3A_49 {offsets = [512, 0], sizes = [256, 8], strides = [1, 1]} : vector<2048x8xf32> to vector<256x8xf32>
    %dot_general3A_74 = arith.constant dense<0.000000e+00> : vector<256x8xf32>
    %dot_general3A_75 = tpu.matmul %convert_element_type3A_54, %slice3A_73, %dot_general3A_74 {dimension_numbers = #tpu.dot_dimension_numbers<[1], [0], [0], [1], [0, 0, 1, 1], [], []>, transpose_lhs_hint = false} : vector<256x256xf32>, vector<256x8xf32>, vector<256x8xf32> -> vector<256x8xf32>
    %add3A_76 = vector.broadcast %add3A_72 : vector<1x8xf32> to vector<256x8xf32>
    %add3A_77 = arith.addf %dot_general3A_75, %add3A_76 : vector<256x8xf32>
    %dot_general3A_78 = arith.constant dense<0.000000e+00> : vector<1x8xf32>
    %dot_general3A_79 = tpu.matmul %broadcast_in_dim3A_56, %slice3A_73, %dot_general3A_78 {dimension_numbers = #tpu.dot_dimension_numbers<[1], [0], [0], [1], [0, 0, 1, 1], [], []>, transpose_lhs_hint = false} : vector<1x256xf32>, vector<256x8xf32>, vector<1x8xf32> -> vector<1x8xf32>
    %add3A_80 = arith.addf %add3A_72, %dot_general3A_79 : vector<1x8xf32>
    %slice3A_81 = vector.extract_strided_slice %add3A_49 {offsets = [768, 0], sizes = [256, 8], strides = [1, 1]} : vector<2048x8xf32> to vector<256x8xf32>
    %dot_general3A_82 = arith.constant dense<0.000000e+00> : vector<256x8xf32>
    %dot_general3A_83 = tpu.matmul %convert_element_type3A_54, %slice3A_81, %dot_general3A_82 {dimension_numbers = #tpu.dot_dimension_numbers<[1], [0], [0], [1], [0, 0, 1, 1], [], []>, transpose_lhs_hint = false} : vector<256x256xf32>, vector<256x8xf32>, vector<256x8xf32> -> vector<256x8xf32>
    %add3A_84 = vector.broadcast %add3A_80 : vector<1x8xf32> to vector<256x8xf32>
    %add3A_85 = arith.addf %dot_general3A_83, %add3A_84 : vector<256x8xf32>
    %dot_general3A_86 = arith.constant dense<0.000000e+00> : vector<1x8xf32>
    %dot_general3A_87 = tpu.matmul %broadcast_in_dim3A_56, %slice3A_81, %dot_general3A_86 {dimension_numbers = #tpu.dot_dimension_numbers<[1], [0], [0], [1], [0, 0, 1, 1], [], []>, transpose_lhs_hint = false} : vector<1x256xf32>, vector<256x8xf32>, vector<1x8xf32> -> vector<1x8xf32>
    %add3A_88 = arith.addf %add3A_80, %dot_general3A_87 : vector<1x8xf32>
    %slice3A_89 = vector.extract_strided_slice %add3A_49 {offsets = [1024, 0], sizes = [256, 8], strides = [1, 1]} : vector<2048x8xf32> to vector<256x8xf32>
    %dot_general3A_90 = arith.constant dense<0.000000e+00> : vector<256x8xf32>
    %dot_general3A_91 = tpu.matmul %convert_element_type3A_54, %slice3A_89, %dot_general3A_90 {dimension_numbers = #tpu.dot_dimension_numbers<[1], [0], [0], [1], [0, 0, 1, 1], [], []>, transpose_lhs_hint = false} : vector<256x256xf32>, vector<256x8xf32>, vector<256x8xf32> -> vector<256x8xf32>
    %add3A_92 = vector.broadcast %add3A_88 : vector<1x8xf32> to vector<256x8xf32>
    %add3A_93 = arith.addf %dot_general3A_91, %add3A_92 : vector<256x8xf32>
    %dot_general3A_94 = arith.constant dense<0.000000e+00> : vector<1x8xf32>
    %dot_general3A_95 = tpu.matmul %broadcast_in_dim3A_56, %slice3A_89, %dot_general3A_94 {dimension_numbers = #tpu.dot_dimension_numbers<[1], [0], [0], [1], [0, 0, 1, 1], [], []>, transpose_lhs_hint = false} : vector<1x256xf32>, vector<256x8xf32>, vector<1x8xf32> -> vector<1x8xf32>
    %add3A_96 = arith.addf %add3A_88, %dot_general3A_95 : vector<1x8xf32>
    %slice3A_97 = vector.extract_strided_slice %add3A_49 {offsets = [1280, 0], sizes = [256, 8], strides = [1, 1]} : vector<2048x8xf32> to vector<256x8xf32>
    %dot_general3A_98 = arith.constant dense<0.000000e+00> : vector<256x8xf32>
    %dot_general3A_99 = tpu.matmul %convert_element_type3A_54, %slice3A_97, %dot_general3A_98 {dimension_numbers = #tpu.dot_dimension_numbers<[1], [0], [0], [1], [0, 0, 1, 1], [], []>, transpose_lhs_hint = false} : vector<256x256xf32>, vector<256x8xf32>, vector<256x8xf32> -> vector<256x8xf32>
    %add3A_100 = vector.broadcast %add3A_96 : vector<1x8xf32> to vector<256x8xf32>
    %add3A_101 = arith.addf %dot_general3A_99, %add3A_100 : vector<256x8xf32>
    %dot_general3A_102 = arith.constant dense<0.000000e+00> : vector<1x8xf32>
    %dot_general3A_103 = tpu.matmul %broadcast_in_dim3A_56, %slice3A_97, %dot_general3A_102 {dimension_numbers = #tpu.dot_dimension_numbers<[1], [0], [0], [1], [0, 0, 1, 1], [], []>, transpose_lhs_hint = false} : vector<1x256xf32>, vector<256x8xf32>, vector<1x8xf32> -> vector<1x8xf32>
    %add3A_104 = arith.addf %add3A_96, %dot_general3A_103 : vector<1x8xf32>
    %slice3A_105 = vector.extract_strided_slice %add3A_49 {offsets = [1536, 0], sizes = [256, 8], strides = [1, 1]} : vector<2048x8xf32> to vector<256x8xf32>
    %dot_general3A_106 = arith.constant dense<0.000000e+00> : vector<256x8xf32>
    %dot_general3A_107 = tpu.matmul %convert_element_type3A_54, %slice3A_105, %dot_general3A_106 {dimension_numbers = #tpu.dot_dimension_numbers<[1], [0], [0], [1], [0, 0, 1, 1], [], []>, transpose_lhs_hint = false} : vector<256x256xf32>, vector<256x8xf32>, vector<256x8xf32> -> vector<256x8xf32>
    %add3A_108 = vector.broadcast %add3A_104 : vector<1x8xf32> to vector<256x8xf32>
    %add3A_109 = arith.addf %dot_general3A_107, %add3A_108 : vector<256x8xf32>
    %dot_general3A_110 = arith.constant dense<0.000000e+00> : vector<1x8xf32>
    %dot_general3A_111 = tpu.matmul %broadcast_in_dim3A_56, %slice3A_105, %dot_general3A_110 {dimension_numbers = #tpu.dot_dimension_numbers<[1], [0], [0], [1], [0, 0, 1, 1], [], []>, transpose_lhs_hint = false} : vector<1x256xf32>, vector<256x8xf32>, vector<1x8xf32> -> vector<1x8xf32>
    %add3A_112 = arith.addf %add3A_104, %dot_general3A_111 : vector<1x8xf32>
    %slice3A_113 = vector.extract_strided_slice %add3A_49 {offsets = [1792, 0], sizes = [256, 8], strides = [1, 1]} : vector<2048x8xf32> to vector<256x8xf32>
    %dot_general3A_114 = arith.constant dense<0.000000e+00> : vector<256x8xf32>
    %dot_general3A_115 = tpu.matmul %convert_element_type3A_54, %slice3A_113, %dot_general3A_114 {dimension_numbers = #tpu.dot_dimension_numbers<[1], [0], [0], [1], [0, 0, 1, 1], [], []>, transpose_lhs_hint = false} : vector<256x256xf32>, vector<256x8xf32>, vector<256x8xf32> -> vector<256x8xf32>
    %add3A_116 = vector.broadcast %add3A_112 : vector<1x8xf32> to vector<256x8xf32>
    %add3A_117 = arith.addf %dot_general3A_115, %add3A_116 : vector<256x8xf32>
    %dot_general3A_118 = arith.constant dense<0.000000e+00> : vector<1x8xf32>
    %dot_general3A_119 = tpu.matmul %broadcast_in_dim3A_56, %slice3A_113, %dot_general3A_118 {dimension_numbers = #tpu.dot_dimension_numbers<[1], [0], [0], [1], [0, 0, 1, 1], [], []>, transpose_lhs_hint = false} : vector<1x256xf32>, vector<256x8xf32>, vector<1x8xf32> -> vector<1x8xf32>
    %add3A_120 = arith.addf %add3A_112, %dot_general3A_119 : vector<1x8xf32>
    %concatenate3A = tpu.concatenate %add3A_61, %add3A_69, %add3A_77, %add3A_85, %add3A_93, %add3A_101, %add3A_109, %add3A_117 in 0 : vector<256x8xf32>, vector<256x8xf32>, vector<256x8xf32>, vector<256x8xf32>, vector<256x8xf32>, vector<256x8xf32>, vector<256x8xf32>, vector<256x8xf32> -> vector<2048x8xf32>
    %add3A_121 = arith.constant 2.550000e+02 : f32
    %add3A_122 = vector.broadcast %add3A_121 : f32 to vector<1x8xf32>
    %add3A_123 = arith.addf %add3A_120, %add3A_122 : vector<1x8xf32>
    %div3A_124 = arith.constant 2.560000e+02 : f32
    %div3A_125 = vector.broadcast %div3A_124 : f32 to vector<1x8xf32>
    %div3A_126 = arith.divf %add3A_123, %div3A_125 : vector<1x8xf32>
    %floor3A = math.floor %div3A_126 : vector<1x8xf32>
    %mul3A = arith.constant 2.560000e+02 : f32
    %mul3A_127 = vector.broadcast %mul3A : f32 to vector<1x8xf32>
    %mul3A_128 = arith.mulf %floor3A, %mul3A_127 : vector<1x8xf32>
    %iota3A_129 = tpu.iota {dimensions = array<i32: 0>} : vector<8x8xi32>
    %iota3A_130 = tpu.iota {dimensions = array<i32: 1>} : vector<8x8xi32>
    %le3A = arith.cmpi sle, %iota3A_129, %iota3A_130 : vector<8x8xi32>
    %convert_element_type3A_131 = arith.extui %le3A : vector<8x8xi1> to vector<8x8xi32>
    %convert_element_type3A_132 = arith.sitofp %convert_element_type3A_131 : vector<8x8xi32> to vector<8x8xf32>
    %dot_general3A_133 = arith.constant dense<0.000000e+00> : vector<1x8xf32>
    %dot_general3A_134 = tpu.matmul %mul3A_128, %convert_element_type3A_132, %dot_general3A_133 {dimension_numbers = #tpu.dot_dimension_numbers<[1], [0], [0], [1], [0, 0, 1, 1], [], []>, transpose_lhs_hint = false} : vector<1x8xf32>, vector<8x8xf32>, vector<1x8xf32> -> vector<1x8xf32>
    %sub3A_135 = arith.subf %dot_general3A_134, %mul3A_128 : vector<1x8xf32>
    %mul3A_136 = vector.broadcast %sub3A_135 : vector<1x8xf32> to vector<2048x8xf32>
    %mul3A_137 = arith.mulf %mul3A_136, %convert_element_type3A_16 : vector<2048x8xf32>
    %reduce_sum3A_138 = arith.constant dense<0.000000e+00> : vector<2048xf32>
    %reduce_sum3A_139 = vector.multi_reduction <add>, %mul3A_137, %reduce_sum3A_138 [1] : vector<2048x8xf32> to vector<2048xf32>
    %broadcast_in_dim3A_140 = vector.shape_cast %reduce_sum3A_139 : vector<2048xf32> to vector<2048x1xf32>
    %mul3A_141 = vector.broadcast %sub3A_135 : vector<1x8xf32> to vector<2048x8xf32>
    %mul3A_142 = arith.mulf %mul3A_141, %convert_element_type3A_36 : vector<2048x8xf32>
    %reduce_sum3A_143 = arith.constant dense<0.000000e+00> : vector<2048xf32>
    %reduce_sum3A_144 = vector.multi_reduction <add>, %mul3A_142, %reduce_sum3A_143 [1] : vector<2048x8xf32> to vector<2048xf32>
    %broadcast_in_dim3A_145 = vector.shape_cast %reduce_sum3A_144 : vector<2048xf32> to vector<2048x1xf32>
    %mul3A_146 = arith.mulf %concatenate3A, %convert_element_type3A_16 : vector<2048x8xf32>
    %reduce_sum3A_147 = arith.constant dense<0.000000e+00> : vector<2048xf32>
    %reduce_sum3A_148 = vector.multi_reduction <add>, %mul3A_146, %reduce_sum3A_147 [1] : vector<2048x8xf32> to vector<2048xf32>
    %broadcast_in_dim3A_149 = vector.shape_cast %reduce_sum3A_148 : vector<2048xf32> to vector<2048x1xf32>
    %mul3A_150 = arith.mulf %concatenate3A, %convert_element_type3A_36 : vector<2048x8xf32>
    %reduce_sum3A_151 = arith.constant dense<0.000000e+00> : vector<2048xf32>
    %reduce_sum3A_152 = vector.multi_reduction <add>, %mul3A_150, %reduce_sum3A_151 [1] : vector<2048x8xf32> to vector<2048xf32>
    %broadcast_in_dim3A_153 = vector.shape_cast %reduce_sum3A_152 : vector<2048xf32> to vector<2048x1xf32>
    %add3A_154 = arith.addf %broadcast_in_dim3A_140, %broadcast_in_dim3A_149 : vector<2048x1xf32>
    %convert_element_type3A_155 = arith.fptosi %add3A_154 : vector<2048x1xf32> to vector<2048x1xi32>
    %add3A_156 = arith.addf %broadcast_in_dim3A_145, %broadcast_in_dim3A_153 : vector<2048x1xf32>
    %convert_element_type3A_157 = arith.fptosi %add3A_156 : vector<2048x1xf32> to vector<2048x1xi32>
    %eq3A_158 = arith.constant 0 : i32
    %eq3A_159 = vector.broadcast %eq3A_158 : i32 to vector<2048x8xi32>
    %eq3A_160 = arith.cmpi eq, %iota3A, %eq3A_159 : vector<2048x8xi32>
    %eq3A_161 = arith.constant 1 : i32
    %eq3A_162 = vector.broadcast %eq3A_161 : i32 to vector<2048x8xi32>
    %eq3A_163 = arith.cmpi eq, %iota3A, %eq3A_162 : vector<2048x8xi32>
    %jit3A_164 = arith.constant 0 : i32
    %broadcast_in_dim3A_165 = vector.shape_cast %convert_element_type3A_157 : vector<2048x1xi32> to vector<2048x1xi32>
    %broadcast_in_dim3A_166 = vector.broadcast %broadcast_in_dim3A_165 : vector<2048x1xi32> to vector<2048x8xi32>
    %broadcast_in_dim3A_167 = vector.broadcast %jit3A_164 : i32 to vector<2048x8xi32>
    %select_n3A_168 = arith.select %eq3A_163, %broadcast_in_dim3A_166, %broadcast_in_dim3A_167 : vector<2048x8xi1>, vector<2048x8xi32>
    %broadcast_in_dim3A_169 = vector.shape_cast %convert_element_type3A_155 : vector<2048x1xi32> to vector<2048x1xi32>
    %broadcast_in_dim3A_170 = vector.broadcast %broadcast_in_dim3A_169 : vector<2048x1xi32> to vector<2048x8xi32>
    %select_n3A_171 = arith.select %eq3A_160, %broadcast_in_dim3A_170, %select_n3A_168 : vector<2048x8xi1>, vector<2048x8xi32>
    %swap3A_172 = arith.constant 0 : index
    %swap3A_173 = arith.constant 0 : index
    %swap3A_174 = vector.load %arg1[%swap3A_172, %swap3A_173] : memref<2048x8xi32, #tpu.memory_space<vmem>>, vector<2048x8xi32>
    tpu.vector_store %arg1[%swap3A_172, %swap3A_173], %select_n3A_171 {strides = array<i32>} : memref<2048x8xi32, #tpu.memory_space<vmem>>, vector<2048x8xi32>,
    %iota3A_175 = tpu.iota {dimensions = array<i32: 1>} : vector<1x128xi32>
    %mul3A_176 = arith.constant 256 : i32
    %mul3A_177 = vector.broadcast %mul3A_176 : i32 to vector<1x128xi32>
    %mul3A_178 = arith.muli %iota3A_175, %mul3A_177 : vector<1x128xi32>
    %convert_element_type3A_179 = arith.sitofp %mul3A_178 : vector<1x128xi32> to vector<1x128xf32>
    %iota3A_180 = tpu.iota {dimensions = array<i32: 1>} : vector<1x8xi32>
    %broadcast_in_dim3A_181 = arith.constant -1.000000e+00 : f32
    %broadcast_in_dim3A_182 = vector.broadcast %broadcast_in_dim3A_181 : f32 to vector<1x128xf32>
    %eq3A_183 = arith.constant 0 : i32
    %eq3A_184 = vector.broadcast %eq3A_183 : i32 to vector<1x8xi32>
    %eq3A_185 = arith.cmpi eq, %iota3A_180, %eq3A_184 : vector<1x8xi32>
    %jit3A_186 = arith.constant 0.000000e+00 : f32
    %broadcast_in_dim3A_187 = vector.broadcast %jit3A_186 : f32 to vector<1x8xf32>
    %select_n3A_188 = arith.select %eq3A_185, %mul3A_128, %broadcast_in_dim3A_187 : vector<1x8xi1>, vector<1x8xf32>
    %reduce_sum3A_189 = arith.constant dense<0.000000e+00> : vector<1xf32>
    %reduce_sum3A_190 = vector.multi_reduction <add>, %select_n3A_188, %reduce_sum3A_189 [1] : vector<1x8xf32> to vector<1xf32>
    %broadcast_in_dim3A_191 = vector.shape_cast %reduce_sum3A_190 : vector<1xf32> to vector<1x1xf32>
    %eq3A_192 = arith.constant 0 : i32
    %eq3A_193 = vector.broadcast %eq3A_192 : i32 to vector<1x8xi32>
    %eq3A_194 = arith.cmpi eq, %iota3A_180, %eq3A_193 : vector<1x8xi32>
    %jit3A_195 = arith.constant 0.000000e+00 : f32
    %broadcast_in_dim3A_196 = vector.broadcast %jit3A_195 : f32 to vector<1x8xf32>
    %select_n3A_197 = arith.select %eq3A_194, %sub3A_135, %broadcast_in_dim3A_196 : vector<1x8xi1>, vector<1x8xf32>
    %reduce_sum3A_198 = arith.constant dense<0.000000e+00> : vector<1xf32>
    %reduce_sum3A_199 = vector.multi_reduction <add>, %select_n3A_197, %reduce_sum3A_198 [1] : vector<1x8xf32> to vector<1xf32>
    %broadcast_in_dim3A_200 = vector.shape_cast %reduce_sum3A_199 : vector<1xf32> to vector<1x1xf32>
    %gt3A = arith.constant 0.000000e+00 : f32
    %gt3A_201 = vector.broadcast %gt3A : f32 to vector<1x1xf32>
    %gt3A_202 = arith.cmpf ogt, %broadcast_in_dim3A_191, %gt3A_201 : vector<1x1xf32>
    %le3A_203 = vector.broadcast %broadcast_in_dim3A_200 : vector<1x1xf32> to vector<1x128xf32>
    %le3A_204 = arith.cmpf ole, %le3A_203, %convert_element_type3A_179 : vector<1x128xf32>
    %and3A = vector.broadcast %gt3A_202 : vector<1x1xi1> to vector<1x128xi1>
    %and3A_205 = arith.andi %and3A, %le3A_204 : vector<1x128xi1>
    %jit3A_206 = arith.constant 0.000000e+00 : f32
    %jit3A_207 = arith.constant -1.000000e+00 : f32
    %broadcast_in_dim3A_208 = vector.broadcast %jit3A_206 : f32 to vector<1x128xf32>
    %broadcast_in_dim3A_209 = vector.broadcast %jit3A_207 : f32 to vector<1x128xf32>
    %select_n3A_210 = arith.select %and3A_205, %broadcast_in_dim3A_208, %broadcast_in_dim3A_209 : vector<1x128xi1>, vector<1x128xf32>
    %max3A = arith.maximumf %broadcast_in_dim3A_182, %select_n3A_210 : vector<1x128xf32>
    %eq3A_211 = arith.constant 1 : i32
    %eq3A_212 = vector.broadcast %eq3A_211 : i32 to vector<1x8xi32>
    %eq3A_213 = arith.cmpi eq, %iota3A_180, %eq3A_212 : vector<1x8xi32>
    %jit3A_214 = arith.constant 0.000000e+00 : f32
    %broadcast_in_dim3A_215 = vector.broadcast %jit3A_214 : f32 to vector<1x8xf32>
    %select_n3A_216 = arith.select %eq3A_213, %mul3A_128, %broadcast_in_dim3A_215 : vector<1x8xi1>, vector<1x8xf32>
    %reduce_sum3A_217 = arith.constant dense<0.000000e+00> : vector<1xf32>
    %reduce_sum3A_218 = vector.multi_reduction <add>, %select_n3A_216, %reduce_sum3A_217 [1] : vector<1x8xf32> to vector<1xf32>
    %broadcast_in_dim3A_219 = vector.shape_cast %reduce_sum3A_218 : vector<1xf32> to vector<1x1xf32>
    %eq3A_220 = arith.constant 1 : i32
    %eq3A_221 = vector.broadcast %eq3A_220 : i32 to vector<1x8xi32>
    %eq3A_222 = arith.cmpi eq, %iota3A_180, %eq3A_221 : vector<1x8xi32>
    %jit3A_223 = arith.constant 0.000000e+00 : f32
    %broadcast_in_dim3A_224 = vector.broadcast %jit3A_223 : f32 to vector<1x8xf32>
    %select_n3A_225 = arith.select %eq3A_222, %sub3A_135, %broadcast_in_dim3A_224 : vector<1x8xi1>, vector<1x8xf32>
    %reduce_sum3A_226 = arith.constant dense<0.000000e+00> : vector<1xf32>
    %reduce_sum3A_227 = vector.multi_reduction <add>, %select_n3A_225, %reduce_sum3A_226 [1] : vector<1x8xf32> to vector<1xf32>
    %broadcast_in_dim3A_228 = vector.shape_cast %reduce_sum3A_227 : vector<1xf32> to vector<1x1xf32>
    %gt3A_229 = arith.constant 0.000000e+00 : f32
    %gt3A_230 = vector.broadcast %gt3A_229 : f32 to vector<1x1xf32>
    %gt3A_231 = arith.cmpf ogt, %broadcast_in_dim3A_219, %gt3A_230 : vector<1x1xf32>
    %le3A_232 = vector.broadcast %broadcast_in_dim3A_228 : vector<1x1xf32> to vector<1x128xf32>
    %le3A_233 = arith.cmpf ole, %le3A_232, %convert_element_type3A_179 : vector<1x128xf32>
    %and3A_234 = vector.broadcast %gt3A_231 : vector<1x1xi1> to vector<1x128xi1>
    %and3A_235 = arith.andi %and3A_234, %le3A_233 : vector<1x128xi1>
    %jit3A_236 = arith.constant 1.000000e+00 : f32
    %jit3A_237 = arith.constant -1.000000e+00 : f32
    %broadcast_in_dim3A_238 = vector.broadcast %jit3A_236 : f32 to vector<1x128xf32>
    %broadcast_in_dim3A_239 = vector.broadcast %jit3A_237 : f32 to vector<1x128xf32>
    %select_n3A_240 = arith.select %and3A_235, %broadcast_in_dim3A_238, %broadcast_in_dim3A_239 : vector<1x128xi1>, vector<1x128xf32>
    %max3A_241 = arith.maximumf %max3A, %select_n3A_240 : vector<1x128xf32>
    %eq3A_242 = arith.constant 2 : i32
    %eq3A_243 = vector.broadcast %eq3A_242 : i32 to vector<1x8xi32>
    %eq3A_244 = arith.cmpi eq, %iota3A_180, %eq3A_243 : vector<1x8xi32>
    %jit3A_245 = arith.constant 0.000000e+00 : f32
    %broadcast_in_dim3A_246 = vector.broadcast %jit3A_245 : f32 to vector<1x8xf32>
    %select_n3A_247 = arith.select %eq3A_244, %mul3A_128, %broadcast_in_dim3A_246 : vector<1x8xi1>, vector<1x8xf32>
    %reduce_sum3A_248 = arith.constant dense<0.000000e+00> : vector<1xf32>
    %reduce_sum3A_249 = vector.multi_reduction <add>, %select_n3A_247, %reduce_sum3A_248 [1] : vector<1x8xf32> to vector<1xf32>
    %broadcast_in_dim3A_250 = vector.shape_cast %reduce_sum3A_249 : vector<1xf32> to vector<1x1xf32>
    %eq3A_251 = arith.constant 2 : i32
    %eq3A_252 = vector.broadcast %eq3A_251 : i32 to vector<1x8xi32>
    %eq3A_253 = arith.cmpi eq, %iota3A_180, %eq3A_252 : vector<1x8xi32>
    %jit3A_254 = arith.constant 0.000000e+00 : f32
    %broadcast_in_dim3A_255 = vector.broadcast %jit3A_254 : f32 to vector<1x8xf32>
    %select_n3A_256 = arith.select %eq3A_253, %sub3A_135, %broadcast_in_dim3A_255 : vector<1x8xi1>, vector<1x8xf32>
    %reduce_sum3A_257 = arith.constant dense<0.000000e+00> : vector<1xf32>
    %reduce_sum3A_258 = vector.multi_reduction <add>, %select_n3A_256, %reduce_sum3A_257 [1] : vector<1x8xf32> to vector<1xf32>
    %broadcast_in_dim3A_259 = vector.shape_cast %reduce_sum3A_258 : vector<1xf32> to vector<1x1xf32>
    %gt3A_260 = arith.constant 0.000000e+00 : f32
    %gt3A_261 = vector.broadcast %gt3A_260 : f32 to vector<1x1xf32>
    %gt3A_262 = arith.cmpf ogt, %broadcast_in_dim3A_250, %gt3A_261 : vector<1x1xf32>
    %le3A_263 = vector.broadcast %broadcast_in_dim3A_259 : vector<1x1xf32> to vector<1x128xf32>
    %le3A_264 = arith.cmpf ole, %le3A_263, %convert_element_type3A_179 : vector<1x128xf32>
    %and3A_265 = vector.broadcast %gt3A_262 : vector<1x1xi1> to vector<1x128xi1>
    %and3A_266 = arith.andi %and3A_265, %le3A_264 : vector<1x128xi1>
    %jit3A_267 = arith.constant 2.000000e+00 : f32
    %jit3A_268 = arith.constant -1.000000e+00 : f32
    %broadcast_in_dim3A_269 = vector.broadcast %jit3A_267 : f32 to vector<1x128xf32>
    %broadcast_in_dim3A_270 = vector.broadcast %jit3A_268 : f32 to vector<1x128xf32>
    %select_n3A_271 = arith.select %and3A_266, %broadcast_in_dim3A_269, %broadcast_in_dim3A_270 : vector<1x128xi1>, vector<1x128xf32>
    %max3A_272 = arith.maximumf %max3A_241, %select_n3A_271 : vector<1x128xf32>
    %eq3A_273 = arith.constant 3 : i32
    %eq3A_274 = vector.broadcast %eq3A_273 : i32 to vector<1x8xi32>
    %eq3A_275 = arith.cmpi eq, %iota3A_180, %eq3A_274 : vector<1x8xi32>
    %jit3A_276 = arith.constant 0.000000e+00 : f32
    %broadcast_in_dim3A_277 = vector.broadcast %jit3A_276 : f32 to vector<1x8xf32>
    %select_n3A_278 = arith.select %eq3A_275, %mul3A_128, %broadcast_in_dim3A_277 : vector<1x8xi1>, vector<1x8xf32>
    %reduce_sum3A_279 = arith.constant dense<0.000000e+00> : vector<1xf32>
    %reduce_sum3A_280 = vector.multi_reduction <add>, %select_n3A_278, %reduce_sum3A_279 [1] : vector<1x8xf32> to vector<1xf32>
    %broadcast_in_dim3A_281 = vector.shape_cast %reduce_sum3A_280 : vector<1xf32> to vector<1x1xf32>
    %eq3A_282 = arith.constant 3 : i32
    %eq3A_283 = vector.broadcast %eq3A_282 : i32 to vector<1x8xi32>
    %eq3A_284 = arith.cmpi eq, %iota3A_180, %eq3A_283 : vector<1x8xi32>
    %jit3A_285 = arith.constant 0.000000e+00 : f32
    %broadcast_in_dim3A_286 = vector.broadcast %jit3A_285 : f32 to vector<1x8xf32>
    %select_n3A_287 = arith.select %eq3A_284, %sub3A_135, %broadcast_in_dim3A_286 : vector<1x8xi1>, vector<1x8xf32>
    %reduce_sum3A_288 = arith.constant dense<0.000000e+00> : vector<1xf32>
    %reduce_sum3A_289 = vector.multi_reduction <add>, %select_n3A_287, %reduce_sum3A_288 [1] : vector<1x8xf32> to vector<1xf32>
    %broadcast_in_dim3A_290 = vector.shape_cast %reduce_sum3A_289 : vector<1xf32> to vector<1x1xf32>
    %gt3A_291 = arith.constant 0.000000e+00 : f32
    %gt3A_292 = vector.broadcast %gt3A_291 : f32 to vector<1x1xf32>
    %gt3A_293 = arith.cmpf ogt, %broadcast_in_dim3A_281, %gt3A_292 : vector<1x1xf32>
    %le3A_294 = vector.broadcast %broadcast_in_dim3A_290 : vector<1x1xf32> to vector<1x128xf32>
    %le3A_295 = arith.cmpf ole, %le3A_294, %convert_element_type3A_179 : vector<1x128xf32>
    %and3A_296 = vector.broadcast %gt3A_293 : vector<1x1xi1> to vector<1x128xi1>
    %and3A_297 = arith.andi %and3A_296, %le3A_295 : vector<1x128xi1>
    %jit3A_298 = arith.constant 3.000000e+00 : f32
    %jit3A_299 = arith.constant -1.000000e+00 : f32
    %broadcast_in_dim3A_300 = vector.broadcast %jit3A_298 : f32 to vector<1x128xf32>
    %broadcast_in_dim3A_301 = vector.broadcast %jit3A_299 : f32 to vector<1x128xf32>
    %select_n3A_302 = arith.select %and3A_297, %broadcast_in_dim3A_300, %broadcast_in_dim3A_301 : vector<1x128xi1>, vector<1x128xf32>
    %max3A_303 = arith.maximumf %max3A_272, %select_n3A_302 : vector<1x128xf32>
    %eq3A_304 = arith.constant 4 : i32
    %eq3A_305 = vector.broadcast %eq3A_304 : i32 to vector<1x8xi32>
    %eq3A_306 = arith.cmpi eq, %iota3A_180, %eq3A_305 : vector<1x8xi32>
    %jit3A_307 = arith.constant 0.000000e+00 : f32
    %broadcast_in_dim3A_308 = vector.broadcast %jit3A_307 : f32 to vector<1x8xf32>
    %select_n3A_309 = arith.select %eq3A_306, %mul3A_128, %broadcast_in_dim3A_308 : vector<1x8xi1>, vector<1x8xf32>
    %reduce_sum3A_310 = arith.constant dense<0.000000e+00> : vector<1xf32>
    %reduce_sum3A_311 = vector.multi_reduction <add>, %select_n3A_309, %reduce_sum3A_310 [1] : vector<1x8xf32> to vector<1xf32>
    %broadcast_in_dim3A_312 = vector.shape_cast %reduce_sum3A_311 : vector<1xf32> to vector<1x1xf32>
    %eq3A_313 = arith.constant 4 : i32
    %eq3A_314 = vector.broadcast %eq3A_313 : i32 to vector<1x8xi32>
    %eq3A_315 = arith.cmpi eq, %iota3A_180, %eq3A_314 : vector<1x8xi32>
    %jit3A_316 = arith.constant 0.000000e+00 : f32
    %broadcast_in_dim3A_317 = vector.broadcast %jit3A_316 : f32 to vector<1x8xf32>
    %select_n3A_318 = arith.select %eq3A_315, %sub3A_135, %broadcast_in_dim3A_317 : vector<1x8xi1>, vector<1x8xf32>
    %reduce_sum3A_319 = arith.constant dense<0.000000e+00> : vector<1xf32>
    %reduce_sum3A_320 = vector.multi_reduction <add>, %select_n3A_318, %reduce_sum3A_319 [1] : vector<1x8xf32> to vector<1xf32>
    %broadcast_in_dim3A_321 = vector.shape_cast %reduce_sum3A_320 : vector<1xf32> to vector<1x1xf32>
    %gt3A_322 = arith.constant 0.000000e+00 : f32
    %gt3A_323 = vector.broadcast %gt3A_322 : f32 to vector<1x1xf32>
    %gt3A_324 = arith.cmpf ogt, %broadcast_in_dim3A_312, %gt3A_323 : vector<1x1xf32>
    %le3A_325 = vector.broadcast %broadcast_in_dim3A_321 : vector<1x1xf32> to vector<1x128xf32>
    %le3A_326 = arith.cmpf ole, %le3A_325, %convert_element_type3A_179 : vector<1x128xf32>
    %and3A_327 = vector.broadcast %gt3A_324 : vector<1x1xi1> to vector<1x128xi1>
    %and3A_328 = arith.andi %and3A_327, %le3A_326 : vector<1x128xi1>
    %jit3A_329 = arith.constant 4.000000e+00 : f32
    %jit3A_330 = arith.constant -1.000000e+00 : f32
    %broadcast_in_dim3A_331 = vector.broadcast %jit3A_329 : f32 to vector<1x128xf32>
    %broadcast_in_dim3A_332 = vector.broadcast %jit3A_330 : f32 to vector<1x128xf32>
    %select_n3A_333 = arith.select %and3A_328, %broadcast_in_dim3A_331, %broadcast_in_dim3A_332 : vector<1x128xi1>, vector<1x128xf32>
    %max3A_334 = arith.maximumf %max3A_303, %select_n3A_333 : vector<1x128xf32>
    %eq3A_335 = arith.constant 5 : i32
    %eq3A_336 = vector.broadcast %eq3A_335 : i32 to vector<1x8xi32>
    %eq3A_337 = arith.cmpi eq, %iota3A_180, %eq3A_336 : vector<1x8xi32>
    %jit3A_338 = arith.constant 0.000000e+00 : f32
    %broadcast_in_dim3A_339 = vector.broadcast %jit3A_338 : f32 to vector<1x8xf32>
    %select_n3A_340 = arith.select %eq3A_337, %mul3A_128, %broadcast_in_dim3A_339 : vector<1x8xi1>, vector<1x8xf32>
    %reduce_sum3A_341 = arith.constant dense<0.000000e+00> : vector<1xf32>
    %reduce_sum3A_342 = vector.multi_reduction <add>, %select_n3A_340, %reduce_sum3A_341 [1] : vector<1x8xf32> to vector<1xf32>
    %broadcast_in_dim3A_343 = vector.shape_cast %reduce_sum3A_342 : vector<1xf32> to vector<1x1xf32>
    %eq3A_344 = arith.constant 5 : i32
    %eq3A_345 = vector.broadcast %eq3A_344 : i32 to vector<1x8xi32>
    %eq3A_346 = arith.cmpi eq, %iota3A_180, %eq3A_345 : vector<1x8xi32>
    %jit3A_347 = arith.constant 0.000000e+00 : f32
    %broadcast_in_dim3A_348 = vector.broadcast %jit3A_347 : f32 to vector<1x8xf32>
    %select_n3A_349 = arith.select %eq3A_346, %sub3A_135, %broadcast_in_dim3A_348 : vector<1x8xi1>, vector<1x8xf32>
    %reduce_sum3A_350 = arith.constant dense<0.000000e+00> : vector<1xf32>
    %reduce_sum3A_351 = vector.multi_reduction <add>, %select_n3A_349, %reduce_sum3A_350 [1] : vector<1x8xf32> to vector<1xf32>
    %broadcast_in_dim3A_352 = vector.shape_cast %reduce_sum3A_351 : vector<1xf32> to vector<1x1xf32>
    %gt3A_353 = arith.constant 0.000000e+00 : f32
    %gt3A_354 = vector.broadcast %gt3A_353 : f32 to vector<1x1xf32>
    %gt3A_355 = arith.cmpf ogt, %broadcast_in_dim3A_343, %gt3A_354 : vector<1x1xf32>
    %le3A_356 = vector.broadcast %broadcast_in_dim3A_352 : vector<1x1xf32> to vector<1x128xf32>
    %le3A_357 = arith.cmpf ole, %le3A_356, %convert_element_type3A_179 : vector<1x128xf32>
    %and3A_358 = vector.broadcast %gt3A_355 : vector<1x1xi1> to vector<1x128xi1>
    %and3A_359 = arith.andi %and3A_358, %le3A_357 : vector<1x128xi1>
    %jit3A_360 = arith.constant 5.000000e+00 : f32
    %jit3A_361 = arith.constant -1.000000e+00 : f32
    %broadcast_in_dim3A_362 = vector.broadcast %jit3A_360 : f32 to vector<1x128xf32>
    %broadcast_in_dim3A_363 = vector.broadcast %jit3A_361 : f32 to vector<1x128xf32>
    %select_n3A_364 = arith.select %and3A_359, %broadcast_in_dim3A_362, %broadcast_in_dim3A_363 : vector<1x128xi1>, vector<1x128xf32>
    %max3A_365 = arith.maximumf %max3A_334, %select_n3A_364 : vector<1x128xf32>
    %eq3A_366 = arith.constant 6 : i32
    %eq3A_367 = vector.broadcast %eq3A_366 : i32 to vector<1x8xi32>
    %eq3A_368 = arith.cmpi eq, %iota3A_180, %eq3A_367 : vector<1x8xi32>
    %jit3A_369 = arith.constant 0.000000e+00 : f32
    %broadcast_in_dim3A_370 = vector.broadcast %jit3A_369 : f32 to vector<1x8xf32>
    %select_n3A_371 = arith.select %eq3A_368, %mul3A_128, %broadcast_in_dim3A_370 : vector<1x8xi1>, vector<1x8xf32>
    %reduce_sum3A_372 = arith.constant dense<0.000000e+00> : vector<1xf32>
    %reduce_sum3A_373 = vector.multi_reduction <add>, %select_n3A_371, %reduce_sum3A_372 [1] : vector<1x8xf32> to vector<1xf32>
    %broadcast_in_dim3A_374 = vector.shape_cast %reduce_sum3A_373 : vector<1xf32> to vector<1x1xf32>
    %eq3A_375 = arith.constant 6 : i32
    %eq3A_376 = vector.broadcast %eq3A_375 : i32 to vector<1x8xi32>
    %eq3A_377 = arith.cmpi eq, %iota3A_180, %eq3A_376 : vector<1x8xi32>
    %jit3A_378 = arith.constant 0.000000e+00 : f32
    %broadcast_in_dim3A_379 = vector.broadcast %jit3A_378 : f32 to vector<1x8xf32>
    %select_n3A_380 = arith.select %eq3A_377, %sub3A_135, %broadcast_in_dim3A_379 : vector<1x8xi1>, vector<1x8xf32>
    %reduce_sum3A_381 = arith.constant dense<0.000000e+00> : vector<1xf32>
    %reduce_sum3A_382 = vector.multi_reduction <add>, %select_n3A_380, %reduce_sum3A_381 [1] : vector<1x8xf32> to vector<1xf32>
    %broadcast_in_dim3A_383 = vector.shape_cast %reduce_sum3A_382 : vector<1xf32> to vector<1x1xf32>
    %gt3A_384 = arith.constant 0.000000e+00 : f32
    %gt3A_385 = vector.broadcast %gt3A_384 : f32 to vector<1x1xf32>
    %gt3A_386 = arith.cmpf ogt, %broadcast_in_dim3A_374, %gt3A_385 : vector<1x1xf32>
    %le3A_387 = vector.broadcast %broadcast_in_dim3A_383 : vector<1x1xf32> to vector<1x128xf32>
    %le3A_388 = arith.cmpf ole, %le3A_387, %convert_element_type3A_179 : vector<1x128xf32>
    %and3A_389 = vector.broadcast %gt3A_386 : vector<1x1xi1> to vector<1x128xi1>
    %and3A_390 = arith.andi %and3A_389, %le3A_388 : vector<1x128xi1>
    %jit3A_391 = arith.constant 6.000000e+00 : f32
    %jit3A_392 = arith.constant -1.000000e+00 : f32
    %broadcast_in_dim3A_393 = vector.broadcast %jit3A_391 : f32 to vector<1x128xf32>
    %broadcast_in_dim3A_394 = vector.broadcast %jit3A_392 : f32 to vector<1x128xf32>
    %select_n3A_395 = arith.select %and3A_390, %broadcast_in_dim3A_393, %broadcast_in_dim3A_394 : vector<1x128xi1>, vector<1x128xf32>
    %max3A_396 = arith.maximumf %max3A_365, %select_n3A_395 : vector<1x128xf32>
    %eq3A_397 = arith.constant 7 : i32
    %eq3A_398 = vector.broadcast %eq3A_397 : i32 to vector<1x8xi32>
    %eq3A_399 = arith.cmpi eq, %iota3A_180, %eq3A_398 : vector<1x8xi32>
    %jit3A_400 = arith.constant 0.000000e+00 : f32
    %broadcast_in_dim3A_401 = vector.broadcast %jit3A_400 : f32 to vector<1x8xf32>
    %select_n3A_402 = arith.select %eq3A_399, %mul3A_128, %broadcast_in_dim3A_401 : vector<1x8xi1>, vector<1x8xf32>
    %reduce_sum3A_403 = arith.constant dense<0.000000e+00> : vector<1xf32>
    %reduce_sum3A_404 = vector.multi_reduction <add>, %select_n3A_402, %reduce_sum3A_403 [1] : vector<1x8xf32> to vector<1xf32>
    %broadcast_in_dim3A_405 = vector.shape_cast %reduce_sum3A_404 : vector<1xf32> to vector<1x1xf32>
    %eq3A_406 = arith.constant 7 : i32
    %eq3A_407 = vector.broadcast %eq3A_406 : i32 to vector<1x8xi32>
    %eq3A_408 = arith.cmpi eq, %iota3A_180, %eq3A_407 : vector<1x8xi32>
    %jit3A_409 = arith.constant 0.000000e+00 : f32
    %broadcast_in_dim3A_410 = vector.broadcast %jit3A_409 : f32 to vector<1x8xf32>
    %select_n3A_411 = arith.select %eq3A_408, %sub3A_135, %broadcast_in_dim3A_410 : vector<1x8xi1>, vector<1x8xf32>
    %reduce_sum3A_412 = arith.constant dense<0.000000e+00> : vector<1xf32>
    %reduce_sum3A_413 = vector.multi_reduction <add>, %select_n3A_411, %reduce_sum3A_412 [1] : vector<1x8xf32> to vector<1xf32>
    %broadcast_in_dim3A_414 = vector.shape_cast %reduce_sum3A_413 : vector<1xf32> to vector<1x1xf32>
    %gt3A_415 = arith.constant 0.000000e+00 : f32
    %gt3A_416 = vector.broadcast %gt3A_415 : f32 to vector<1x1xf32>
    %gt3A_417 = arith.cmpf ogt, %broadcast_in_dim3A_405, %gt3A_416 : vector<1x1xf32>
    %le3A_418 = vector.broadcast %broadcast_in_dim3A_414 : vector<1x1xf32> to vector<1x128xf32>
    %le3A_419 = arith.cmpf ole, %le3A_418, %convert_element_type3A_179 : vector<1x128xf32>
    %and3A_420 = vector.broadcast %gt3A_417 : vector<1x1xi1> to vector<1x128xi1>
    %and3A_421 = arith.andi %and3A_420, %le3A_419 : vector<1x128xi1>
    %jit3A_422 = arith.constant 7.000000e+00 : f32
    %jit3A_423 = arith.constant -1.000000e+00 : f32
    %broadcast_in_dim3A_424 = vector.broadcast %jit3A_422 : f32 to vector<1x128xf32>
    %broadcast_in_dim3A_425 = vector.broadcast %jit3A_423 : f32 to vector<1x128xf32>
    %select_n3A_426 = arith.select %and3A_421, %broadcast_in_dim3A_424, %broadcast_in_dim3A_425 : vector<1x128xi1>, vector<1x128xf32>
    %max3A_427 = arith.maximumf %max3A_396, %select_n3A_426 : vector<1x128xf32>
    %broadcast_in_dim3A_428 = arith.constant 9.900000e+01 : f32
    %broadcast_in_dim3A_429 = vector.broadcast %broadcast_in_dim3A_428 : f32 to vector<1x128xf32>
    %eq3A_430 = arith.constant 0 : i32
    %eq3A_431 = vector.broadcast %eq3A_430 : i32 to vector<1x8xi32>
    %eq3A_432 = arith.cmpi eq, %iota3A_180, %eq3A_431 : vector<1x8xi32>
    %jit3A_433 = arith.constant 0.000000e+00 : f32
    %broadcast_in_dim3A_434 = vector.broadcast %jit3A_433 : f32 to vector<1x8xf32>
    %select_n3A_435 = arith.select %eq3A_432, %mul3A_128, %broadcast_in_dim3A_434 : vector<1x8xi1>, vector<1x8xf32>
    %reduce_sum3A_436 = arith.constant dense<0.000000e+00> : vector<1xf32>
    %reduce_sum3A_437 = vector.multi_reduction <add>, %select_n3A_435, %reduce_sum3A_436 [1] : vector<1x8xf32> to vector<1xf32>
    %broadcast_in_dim3A_438 = vector.shape_cast %reduce_sum3A_437 : vector<1xf32> to vector<1x1xf32>
    %gt3A_439 = arith.constant 0.000000e+00 : f32
    %gt3A_440 = vector.broadcast %gt3A_439 : f32 to vector<1x1xf32>
    %gt3A_441 = arith.cmpf ogt, %broadcast_in_dim3A_438, %gt3A_440 : vector<1x1xf32>
    %lt3A_442 = arith.constant 0.000000e+00 : f32
    %lt3A_443 = vector.broadcast %lt3A_442 : f32 to vector<1x128xf32>
    %lt3A_444 = arith.cmpf olt, %max3A_427, %lt3A_443 : vector<1x128xf32>
    %and3A_445 = vector.broadcast %gt3A_441 : vector<1x1xi1> to vector<1x128xi1>
    %and3A_446 = arith.andi %and3A_445, %lt3A_444 : vector<1x128xi1>
    %jit3A_447 = arith.constant 0.000000e+00 : f32
    %jit3A_448 = arith.constant 9.900000e+01 : f32
    %broadcast_in_dim3A_449 = vector.broadcast %jit3A_447 : f32 to vector<1x128xf32>
    %broadcast_in_dim3A_450 = vector.broadcast %jit3A_448 : f32 to vector<1x128xf32>
    %select_n3A_451 = arith.select %and3A_446, %broadcast_in_dim3A_449, %broadcast_in_dim3A_450 : vector<1x128xi1>, vector<1x128xf32>
    %min3A = arith.minimumf %broadcast_in_dim3A_429, %select_n3A_451 : vector<1x128xf32>
    %eq3A_452 = arith.constant 1 : i32
    %eq3A_453 = vector.broadcast %eq3A_452 : i32 to vector<1x8xi32>
    %eq3A_454 = arith.cmpi eq, %iota3A_180, %eq3A_453 : vector<1x8xi32>
    %jit3A_455 = arith.constant 0.000000e+00 : f32
    %broadcast_in_dim3A_456 = vector.broadcast %jit3A_455 : f32 to vector<1x8xf32>
    %select_n3A_457 = arith.select %eq3A_454, %mul3A_128, %broadcast_in_dim3A_456 : vector<1x8xi1>, vector<1x8xf32>
    %reduce_sum3A_458 = arith.constant dense<0.000000e+00> : vector<1xf32>
    %reduce_sum3A_459 = vector.multi_reduction <add>, %select_n3A_457, %reduce_sum3A_458 [1] : vector<1x8xf32> to vector<1xf32>
    %broadcast_in_dim3A_460 = vector.shape_cast %reduce_sum3A_459 : vector<1xf32> to vector<1x1xf32>
    %gt3A_461 = arith.constant 0.000000e+00 : f32
    %gt3A_462 = vector.broadcast %gt3A_461 : f32 to vector<1x1xf32>
    %gt3A_463 = arith.cmpf ogt, %broadcast_in_dim3A_460, %gt3A_462 : vector<1x1xf32>
    %lt3A_464 = arith.constant 1.000000e+00 : f32
    %lt3A_465 = vector.broadcast %lt3A_464 : f32 to vector<1x128xf32>
    %lt3A_466 = arith.cmpf olt, %max3A_427, %lt3A_465 : vector<1x128xf32>
    %and3A_467 = vector.broadcast %gt3A_463 : vector<1x1xi1> to vector<1x128xi1>
    %and3A_468 = arith.andi %and3A_467, %lt3A_466 : vector<1x128xi1>
    %jit3A_469 = arith.constant 1.000000e+00 : f32
    %jit3A_470 = arith.constant 9.900000e+01 : f32
    %broadcast_in_dim3A_471 = vector.broadcast %jit3A_469 : f32 to vector<1x128xf32>
    %broadcast_in_dim3A_472 = vector.broadcast %jit3A_470 : f32 to vector<1x128xf32>
    %select_n3A_473 = arith.select %and3A_468, %broadcast_in_dim3A_471, %broadcast_in_dim3A_472 : vector<1x128xi1>, vector<1x128xf32>
    %min3A_474 = arith.minimumf %min3A, %select_n3A_473 : vector<1x128xf32>
    %eq3A_475 = arith.constant 2 : i32
    %eq3A_476 = vector.broadcast %eq3A_475 : i32 to vector<1x8xi32>
    %eq3A_477 = arith.cmpi eq, %iota3A_180, %eq3A_476 : vector<1x8xi32>
    %jit3A_478 = arith.constant 0.000000e+00 : f32
    %broadcast_in_dim3A_479 = vector.broadcast %jit3A_478 : f32 to vector<1x8xf32>
    %select_n3A_480 = arith.select %eq3A_477, %mul3A_128, %broadcast_in_dim3A_479 : vector<1x8xi1>, vector<1x8xf32>
    %reduce_sum3A_481 = arith.constant dense<0.000000e+00> : vector<1xf32>
    %reduce_sum3A_482 = vector.multi_reduction <add>, %select_n3A_480, %reduce_sum3A_481 [1] : vector<1x8xf32> to vector<1xf32>
    %broadcast_in_dim3A_483 = vector.shape_cast %reduce_sum3A_482 : vector<1xf32> to vector<1x1xf32>
    %gt3A_484 = arith.constant 0.000000e+00 : f32
    %gt3A_485 = vector.broadcast %gt3A_484 : f32 to vector<1x1xf32>
    %gt3A_486 = arith.cmpf ogt, %broadcast_in_dim3A_483, %gt3A_485 : vector<1x1xf32>
    %lt3A_487 = arith.constant 2.000000e+00 : f32
    %lt3A_488 = vector.broadcast %lt3A_487 : f32 to vector<1x128xf32>
    %lt3A_489 = arith.cmpf olt, %max3A_427, %lt3A_488 : vector<1x128xf32>
    %and3A_490 = vector.broadcast %gt3A_486 : vector<1x1xi1> to vector<1x128xi1>
    %and3A_491 = arith.andi %and3A_490, %lt3A_489 : vector<1x128xi1>
    %jit3A_492 = arith.constant 2.000000e+00 : f32
    %jit3A_493 = arith.constant 9.900000e+01 : f32
    %broadcast_in_dim3A_494 = vector.broadcast %jit3A_492 : f32 to vector<1x128xf32>
    %broadcast_in_dim3A_495 = vector.broadcast %jit3A_493 : f32 to vector<1x128xf32>
    %select_n3A_496 = arith.select %and3A_491, %broadcast_in_dim3A_494, %broadcast_in_dim3A_495 : vector<1x128xi1>, vector<1x128xf32>
    %min3A_497 = arith.minimumf %min3A_474, %select_n3A_496 : vector<1x128xf32>
    %eq3A_498 = arith.constant 3 : i32
    %eq3A_499 = vector.broadcast %eq3A_498 : i32 to vector<1x8xi32>
    %eq3A_500 = arith.cmpi eq, %iota3A_180, %eq3A_499 : vector<1x8xi32>
    %jit3A_501 = arith.constant 0.000000e+00 : f32
    %broadcast_in_dim3A_502 = vector.broadcast %jit3A_501 : f32 to vector<1x8xf32>
    %select_n3A_503 = arith.select %eq3A_500, %mul3A_128, %broadcast_in_dim3A_502 : vector<1x8xi1>, vector<1x8xf32>
    %reduce_sum3A_504 = arith.constant dense<0.000000e+00> : vector<1xf32>
    %reduce_sum3A_505 = vector.multi_reduction <add>, %select_n3A_503, %reduce_sum3A_504 [1] : vector<1x8xf32> to vector<1xf32>
    %broadcast_in_dim3A_506 = vector.shape_cast %reduce_sum3A_505 : vector<1xf32> to vector<1x1xf32>
    %gt3A_507 = arith.constant 0.000000e+00 : f32
    %gt3A_508 = vector.broadcast %gt3A_507 : f32 to vector<1x1xf32>
    %gt3A_509 = arith.cmpf ogt, %broadcast_in_dim3A_506, %gt3A_508 : vector<1x1xf32>
    %lt3A_510 = arith.constant 3.000000e+00 : f32
    %lt3A_511 = vector.broadcast %lt3A_510 : f32 to vector<1x128xf32>
    %lt3A_512 = arith.cmpf olt, %max3A_427, %lt3A_511 : vector<1x128xf32>
    %and3A_513 = vector.broadcast %gt3A_509 : vector<1x1xi1> to vector<1x128xi1>
    %and3A_514 = arith.andi %and3A_513, %lt3A_512 : vector<1x128xi1>
    %jit3A_515 = arith.constant 3.000000e+00 : f32
    %jit3A_516 = arith.constant 9.900000e+01 : f32
    %broadcast_in_dim3A_517 = vector.broadcast %jit3A_515 : f32 to vector<1x128xf32>
    %broadcast_in_dim3A_518 = vector.broadcast %jit3A_516 : f32 to vector<1x128xf32>
    %select_n3A_519 = arith.select %and3A_514, %broadcast_in_dim3A_517, %broadcast_in_dim3A_518 : vector<1x128xi1>, vector<1x128xf32>
    %min3A_520 = arith.minimumf %min3A_497, %select_n3A_519 : vector<1x128xf32>
    %eq3A_521 = arith.constant 4 : i32
    %eq3A_522 = vector.broadcast %eq3A_521 : i32 to vector<1x8xi32>
    %eq3A_523 = arith.cmpi eq, %iota3A_180, %eq3A_522 : vector<1x8xi32>
    %jit3A_524 = arith.constant 0.000000e+00 : f32
    %broadcast_in_dim3A_525 = vector.broadcast %jit3A_524 : f32 to vector<1x8xf32>
    %select_n3A_526 = arith.select %eq3A_523, %mul3A_128, %broadcast_in_dim3A_525 : vector<1x8xi1>, vector<1x8xf32>
    %reduce_sum3A_527 = arith.constant dense<0.000000e+00> : vector<1xf32>
    %reduce_sum3A_528 = vector.multi_reduction <add>, %select_n3A_526, %reduce_sum3A_527 [1] : vector<1x8xf32> to vector<1xf32>
    %broadcast_in_dim3A_529 = vector.shape_cast %reduce_sum3A_528 : vector<1xf32> to vector<1x1xf32>
    %gt3A_530 = arith.constant 0.000000e+00 : f32
    %gt3A_531 = vector.broadcast %gt3A_530 : f32 to vector<1x1xf32>
    %gt3A_532 = arith.cmpf ogt, %broadcast_in_dim3A_529, %gt3A_531 : vector<1x1xf32>
    %lt3A_533 = arith.constant 4.000000e+00 : f32
    %lt3A_534 = vector.broadcast %lt3A_533 : f32 to vector<1x128xf32>
    %lt3A_535 = arith.cmpf olt, %max3A_427, %lt3A_534 : vector<1x128xf32>
    %and3A_536 = vector.broadcast %gt3A_532 : vector<1x1xi1> to vector<1x128xi1>
    %and3A_537 = arith.andi %and3A_536, %lt3A_535 : vector<1x128xi1>
    %jit3A_538 = arith.constant 4.000000e+00 : f32
    %jit3A_539 = arith.constant 9.900000e+01 : f32
    %broadcast_in_dim3A_540 = vector.broadcast %jit3A_538 : f32 to vector<1x128xf32>
    %broadcast_in_dim3A_541 = vector.broadcast %jit3A_539 : f32 to vector<1x128xf32>
    %select_n3A_542 = arith.select %and3A_537, %broadcast_in_dim3A_540, %broadcast_in_dim3A_541 : vector<1x128xi1>, vector<1x128xf32>
    %min3A_543 = arith.minimumf %min3A_520, %select_n3A_542 : vector<1x128xf32>
    %eq3A_544 = arith.constant 5 : i32
    %eq3A_545 = vector.broadcast %eq3A_544 : i32 to vector<1x8xi32>
    %eq3A_546 = arith.cmpi eq, %iota3A_180, %eq3A_545 : vector<1x8xi32>
    %jit3A_547 = arith.constant 0.000000e+00 : f32
    %broadcast_in_dim3A_548 = vector.broadcast %jit3A_547 : f32 to vector<1x8xf32>
    %select_n3A_549 = arith.select %eq3A_546, %mul3A_128, %broadcast_in_dim3A_548 : vector<1x8xi1>, vector<1x8xf32>
    %reduce_sum3A_550 = arith.constant dense<0.000000e+00> : vector<1xf32>
    %reduce_sum3A_551 = vector.multi_reduction <add>, %select_n3A_549, %reduce_sum3A_550 [1] : vector<1x8xf32> to vector<1xf32>
    %broadcast_in_dim3A_552 = vector.shape_cast %reduce_sum3A_551 : vector<1xf32> to vector<1x1xf32>
    %gt3A_553 = arith.constant 0.000000e+00 : f32
    %gt3A_554 = vector.broadcast %gt3A_553 : f32 to vector<1x1xf32>
    %gt3A_555 = arith.cmpf ogt, %broadcast_in_dim3A_552, %gt3A_554 : vector<1x1xf32>
    %lt3A_556 = arith.constant 5.000000e+00 : f32
    %lt3A_557 = vector.broadcast %lt3A_556 : f32 to vector<1x128xf32>
    %lt3A_558 = arith.cmpf olt, %max3A_427, %lt3A_557 : vector<1x128xf32>
    %and3A_559 = vector.broadcast %gt3A_555 : vector<1x1xi1> to vector<1x128xi1>
    %and3A_560 = arith.andi %and3A_559, %lt3A_558 : vector<1x128xi1>
    %jit3A_561 = arith.constant 5.000000e+00 : f32
    %jit3A_562 = arith.constant 9.900000e+01 : f32
    %broadcast_in_dim3A_563 = vector.broadcast %jit3A_561 : f32 to vector<1x128xf32>
    %broadcast_in_dim3A_564 = vector.broadcast %jit3A_562 : f32 to vector<1x128xf32>
    %select_n3A_565 = arith.select %and3A_560, %broadcast_in_dim3A_563, %broadcast_in_dim3A_564 : vector<1x128xi1>, vector<1x128xf32>
    %min3A_566 = arith.minimumf %min3A_543, %select_n3A_565 : vector<1x128xf32>
    %eq3A_567 = arith.constant 6 : i32
    %eq3A_568 = vector.broadcast %eq3A_567 : i32 to vector<1x8xi32>
    %eq3A_569 = arith.cmpi eq, %iota3A_180, %eq3A_568 : vector<1x8xi32>
    %jit3A_570 = arith.constant 0.000000e+00 : f32
    %broadcast_in_dim3A_571 = vector.broadcast %jit3A_570 : f32 to vector<1x8xf32>
    %select_n3A_572 = arith.select %eq3A_569, %mul3A_128, %broadcast_in_dim3A_571 : vector<1x8xi1>, vector<1x8xf32>
    %reduce_sum3A_573 = arith.constant dense<0.000000e+00> : vector<1xf32>
    %reduce_sum3A_574 = vector.multi_reduction <add>, %select_n3A_572, %reduce_sum3A_573 [1] : vector<1x8xf32> to vector<1xf32>
    %broadcast_in_dim3A_575 = vector.shape_cast %reduce_sum3A_574 : vector<1xf32> to vector<1x1xf32>
    %gt3A_576 = arith.constant 0.000000e+00 : f32
    %gt3A_577 = vector.broadcast %gt3A_576 : f32 to vector<1x1xf32>
    %gt3A_578 = arith.cmpf ogt, %broadcast_in_dim3A_575, %gt3A_577 : vector<1x1xf32>
    %lt3A_579 = arith.constant 6.000000e+00 : f32
    %lt3A_580 = vector.broadcast %lt3A_579 : f32 to vector<1x128xf32>
    %lt3A_581 = arith.cmpf olt, %max3A_427, %lt3A_580 : vector<1x128xf32>
    %and3A_582 = vector.broadcast %gt3A_578 : vector<1x1xi1> to vector<1x128xi1>
    %and3A_583 = arith.andi %and3A_582, %lt3A_581 : vector<1x128xi1>
    %jit3A_584 = arith.constant 6.000000e+00 : f32
    %jit3A_585 = arith.constant 9.900000e+01 : f32
    %broadcast_in_dim3A_586 = vector.broadcast %jit3A_584 : f32 to vector<1x128xf32>
    %broadcast_in_dim3A_587 = vector.broadcast %jit3A_585 : f32 to vector<1x128xf32>
    %select_n3A_588 = arith.select %and3A_583, %broadcast_in_dim3A_586, %broadcast_in_dim3A_587 : vector<1x128xi1>, vector<1x128xf32>
    %min3A_589 = arith.minimumf %min3A_566, %select_n3A_588 : vector<1x128xf32>
    %eq3A_590 = arith.constant 7 : i32
    %eq3A_591 = vector.broadcast %eq3A_590 : i32 to vector<1x8xi32>
    %eq3A_592 = arith.cmpi eq, %iota3A_180, %eq3A_591 : vector<1x8xi32>
    %jit3A_593 = arith.constant 0.000000e+00 : f32
    %broadcast_in_dim3A_594 = vector.broadcast %jit3A_593 : f32 to vector<1x8xf32>
    %select_n3A_595 = arith.select %eq3A_592, %mul3A_128, %broadcast_in_dim3A_594 : vector<1x8xi1>, vector<1x8xf32>
    %reduce_sum3A_596 = arith.constant dense<0.000000e+00> : vector<1xf32>
    %reduce_sum3A_597 = vector.multi_reduction <add>, %select_n3A_595, %reduce_sum3A_596 [1] : vector<1x8xf32> to vector<1xf32>
    %broadcast_in_dim3A_598 = vector.shape_cast %reduce_sum3A_597 : vector<1xf32> to vector<1x1xf32>
    %gt3A_599 = arith.constant 0.000000e+00 : f32
    %gt3A_600 = vector.broadcast %gt3A_599 : f32 to vector<1x1xf32>
    %gt3A_601 = arith.cmpf ogt, %broadcast_in_dim3A_598, %gt3A_600 : vector<1x1xf32>
    %lt3A_602 = arith.constant 7.000000e+00 : f32
    %lt3A_603 = vector.broadcast %lt3A_602 : f32 to vector<1x128xf32>
    %lt3A_604 = arith.cmpf olt, %max3A_427, %lt3A_603 : vector<1x128xf32>
    %and3A_605 = vector.broadcast %gt3A_601 : vector<1x1xi1> to vector<1x128xi1>
    %and3A_606 = arith.andi %and3A_605, %lt3A_604 : vector<1x128xi1>
    %jit3A_607 = arith.constant 7.000000e+00 : f32
    %jit3A_608 = arith.constant 9.900000e+01 : f32
    %broadcast_in_dim3A_609 = vector.broadcast %jit3A_607 : f32 to vector<1x128xf32>
    %broadcast_in_dim3A_610 = vector.broadcast %jit3A_608 : f32 to vector<1x128xf32>
    %select_n3A_611 = arith.select %and3A_606, %broadcast_in_dim3A_609, %broadcast_in_dim3A_610 : vector<1x128xi1>, vector<1x128xf32>
    %min3A_612 = arith.minimumf %min3A_589, %select_n3A_611 : vector<1x128xf32>
    %lt3A_613 = arith.constant 9.900000e+01 : f32
    %lt3A_614 = vector.broadcast %lt3A_613 : f32 to vector<1x128xf32>
    %lt3A_615 = arith.cmpf olt, %min3A_612, %lt3A_614 : vector<1x128xf32>
    %convert_element_type3A_616 = arith.extui %lt3A_615 : vector<1x128xi1> to vector<1x128xi32>
    %convert_element_type3A_617 = arith.sitofp %convert_element_type3A_616 : vector<1x128xi32> to vector<1x128xf32>
    %broadcast_in_dim3A_618 = arith.constant -1.000000e+00 : f32
    %broadcast_in_dim3A_619 = vector.broadcast %broadcast_in_dim3A_618 : f32 to vector<1x1xf32>
    %slice3A_620 = vector.extract_strided_slice %max3A_427 {offsets = [0, 0], sizes = [1, 127], strides = [1, 1]} : vector<1x128xf32> to vector<1x127xf32>
    %concatenate3A_621 = tpu.concatenate %broadcast_in_dim3A_619, %slice3A_620 in 1 : vector<1x1xf32>, vector<1x127xf32> -> vector<1x128xf32>
    %ne3A = arith.cmpf one, %max3A_427, %concatenate3A_621 : vector<1x128xf32>
    %convert_element_type3A_622 = arith.extui %ne3A : vector<1x128xi1> to vector<1x128xi32>
    %convert_element_type3A_623 = arith.sitofp %convert_element_type3A_622 : vector<1x128xi32> to vector<1x128xf32>
    %iota3A_624 = tpu.iota {dimensions = array<i32: 0>} : vector<128x128xi32>
    %iota3A_625 = tpu.iota {dimensions = array<i32: 1>} : vector<128x128xi32>
    %le3A_626 = arith.cmpi sle, %iota3A_624, %iota3A_625 : vector<128x128xi32>
    %convert_element_type3A_627 = arith.extui %le3A_626 : vector<128x128xi1> to vector<128x128xi32>
    %convert_element_type3A_628 = arith.sitofp %convert_element_type3A_627 : vector<128x128xi32> to vector<128x128xf32>
    %dot_general3A_629 = arith.constant dense<0.000000e+00> : vector<1x128xf32>
    %dot_general3A_630 = tpu.matmul %convert_element_type3A_623, %convert_element_type3A_628, %dot_general3A_629 {dimension_numbers = #tpu.dot_dimension_numbers<[1], [0], [0], [1], [0, 0, 1, 1], [], []>, transpose_lhs_hint = false} : vector<1x128xf32>, vector<128x128xf32>, vector<1x128xf32> -> vector<1x128xf32>
    %sub3A_631 = arith.constant 1.000000e+00 : f32
    %sub3A_632 = vector.broadcast %sub3A_631 : f32 to vector<1x128xf32>
    %sub3A_633 = arith.subf %dot_general3A_630, %sub3A_632 : vector<1x128xf32>
    %mul3A_634 = arith.constant 5.000000e-01 : f32
    %mul3A_635 = vector.broadcast %mul3A_634 : f32 to vector<1x128xf32>
    %mul3A_636 = arith.mulf %sub3A_633, %mul3A_635 : vector<1x128xf32>
    %floor3A_637 = math.floor %mul3A_636 : vector<1x128xf32>
    %mul3A_638 = arith.constant 2.000000e+00 : f32
    %mul3A_639 = vector.broadcast %mul3A_638 : f32 to vector<1x128xf32>
    %mul3A_640 = arith.mulf %mul3A_639, %floor3A_637 : vector<1x128xf32>
    %sub3A_641 = arith.subf %sub3A_633, %mul3A_640 : vector<1x128xf32>
    %broadcast_in_dim3A_642 = arith.constant 0.000000e+00 : f32
    %broadcast_in_dim3A_643 = vector.broadcast %broadcast_in_dim3A_642 : f32 to vector<3x128xf32>
    %min3A_644 = arith.constant 7.000000e+00 : f32
    %min3A_645 = vector.broadcast %min3A_644 : f32 to vector<1x128xf32>
    %min3A_646 = arith.minimumf %min3A_612, %min3A_645 : vector<1x128xf32>
    %concatenate3A_647 = tpu.concatenate %max3A_427, %sub3A_641, %convert_element_type3A_623, %min3A_646, %convert_element_type3A_617, %broadcast_in_dim3A_643 in 0 : vector<1x128xf32>, vector<1x128xf32>, vector<1x128xf32>, vector<1x128xf32>, vector<1x128xf32>, vector<3x128xf32> -> vector<8x128xf32>
    %convert_element_type3A_648 = arith.fptosi %concatenate3A_647 : vector<8x128xf32> to vector<8x128xi32>
    %swap3A_649 = arith.constant 0 : index
    %swap3A_650 = arith.constant 0 : index
    %swap3A_651 = vector.load %arg3[%swap3A_649, %swap3A_650] : memref<8x128xi32, #tpu.memory_space<vmem>>, vector<8x128xi32>
    tpu.vector_store %arg3[%swap3A_649, %swap3A_650], %convert_element_type3A_648 {strides = array<i32>} : memref<8x128xi32, #tpu.memory_space<vmem>>, vector<8x128xi32>,
    return
  }
}

</mosaic_0001>

<sc_bundles>
// kernel: kernel.6.cloned.1.call-start
scs
__scs_entry_jumppad:
0x0: {  	(pc) =	sbr.rel $0x88, $3  }
0x1: {  	(tag) =	ssettag $0x0;
	lr =	simm.s32 $0x1  }
0x2: {  	[smem:$0x3F9D] =	sst lr;
	_ =	strace $0xD0000000  }
0x3: {  	_ = 	snop  }
0x4: {  	_ = 	snop  }
0x5: {  	_ = 	snop  }
0x6: {  	_ = 	snop  }
0x7: {  	_ = 	snop  }
__scs_overlays_trampoline_lowered:
0x8: {  	[smem:$0x3FAC] =	sst s0  }
0x9: {  	[smem:$0x3FAD] =	sst s1  }
0xa: {  	[smem:$0x3FAE] =	sst s2  }
0xb: {  	[smem:$0x3FAF] =	sst s3  }
0xc: {  	[smem:$0x3FB0] =	sst s4  }
0xd: {  	[smem:$0x3FB1] =	sst s5  }
0xe: {  	[smem:$0x3FB2] =	sst s6  }
0xf: {  	[smem:$0x3FB3] =	sst s7  }
0x10: {  	[smem:$0x3FB4] =	sst s8  }
0x11: {  	[smem:$0x3FB5] =	sst s9;
	s0 =	simm.s32 @!p0 $0x0  }
0x12: {  	s1 =	sld [smem:$0x3F9B];
	s0 =	simm.s32 @p0 $0x1  }
0x13: {  	[smem:$0x3FB6] =	sst s0;
	s0 =	simm.s32 @!p1 $0x0  }
0x14: {  	s2 =	sld [smem:$0x3F9A];
	s0 =	simm.s32 @p1 $0x1  }
0x15: {  	[smem:$0x3FB7] =	sst s0;
	s0 =	simm.s32 @!p2 $0x0  }
0x16: {  	s3 =	sld [smem:$0x3FDB];
	s0 =	simm.s32 @p2 $0x1  }
0x17: {  	s4 =	simm.s32 $0x1BF5;
	[smem:$0x3FB9] =	sst s0  }
0x18: {  	s0 =	sld [smem:$0x3F9C];
	_ =	swait.ge [sflag:s4], $0x0  }
0x19: {  	s7 =	sld [smem:$0x3F9D]  }
0x1a: {  	s8 =	sadd.s32 $0xFFFFE003, lr  }
0x1b: {  	s9 =	sadd.s32 $0xFFFFFEF7, lr;
	s5 =	simm.s32 $0xFFFFFFFF;
	p2 =	slt.u32 s8, $0xFFFFF086  }
0x1c: {  	p1 =	slt.u32 s9, $0xF7A;
	s5 =	simm.s32 @!p2 $0x0  }
0x1d: {  	s5 =	simm.s32 @p1 $0x1;
	p0 =	seq.s32 s7, s2  }
0x1e: {  	s7 =	smul.u32 @!p0 $0xF7A, s2;
	p2 =	seq.s32 @!p0 s5, $0x0  }
0x1f: {  	s9 =	smul.u32 $0xF7A, s1;
	s8 =	simm.s32 @!p0 $0x1BF5;
	p2 =	por !p2, p0  }
0x20: {  	[sflag:s8] =	ssyncset.s32 @!p0 $0xFFFFF086;
	s6 =	sadd.s32 @!p0 s3, s7;
	s7 =	simm.s32 @!p0 $0x108  }
0x21: {  	s3 =	sadd.s32 s3, s9;
	s6 =	sadd.s32 @!p0 $0x88, s6;
	s7 =	simm.s32 @p2 $0x1082  }
0x22: {  	[simem:s7], [sflag:s8] =	dma.local @!p0 [hbm:s6], $0xF7A  }
0x23: {  	s9 =	sor.u32 $0xD0000000, s2;
	s6 =	simm.s32 $0x108;
	_ =	swait.ge @!p0 [sflag:s8], $0x0  }
0x24: {  	s3 =	sadd.s32 $0x88, s3;
	s6 =	simm.s32 @!p1 $0x1082;
	[sflag:s4] =	ssyncset.s32 $0xFFFFF086  }
0x25: {  	[simem:s6], [sflag:s4] =	dma.local [hbm:s3], $0xF7A  }
0x26: {  	[smem:$0x3F9D] =	sst s1;
	(tag) =	ssettag s2;
	_ =	strace s9  }
0x27: {  	s1 =	sld [smem:$0x3FAD]  }
0x28: {  	s2 =	sld [smem:$0x3FAE]  }
0x29: {  	s4 =	sld [smem:$0x3FB0]  }
0x2a: {  	p0 =	seq.s32 s5, $0x0;
	s5 =	sld [smem:$0x3FB1]  }
0x2b: {  	s6 =	sld [smem:$0x3FB2]  }
0x2c: {  	s7 =	sld [smem:$0x3FB3]  }
0x2d: {  	s3 =	simm.s32 $0x108;
	s8 =	sld [smem:$0x3FB4]  }
0x2e: {  	s3 =	simm.s32 @!p0 $0x1082;
	s9 =	sld [smem:$0x3FB5]  }
0x2f: {  	lr =	sadd.s32 s0, s3;
	s0 =	sld [smem:$0x3FAC]  }
0x30: {  	s3 =	sld [smem:$0x3FAF]  }
0x31: {  	[smem:$0x3FB8] =	sst s10  }
0x32: {  	s10 =	sld [smem:$0x3FB6];
	_ =	sdelay $0x3  }
0x33: {  	p0 =	seq.s32 s10, $0x1;
	s10 =	sld [smem:$0x3FB8];
	_ =	sdelay $0x3  }
0x34: {  	[smem:$0x3FB8] =	sst s10  }
0x35: {  	s10 =	sld [smem:$0x3FB7];
	_ =	sdelay $0x3  }
0x36: {  	p1 =	seq.s32 s10, $0x1;
	s10 =	sld [smem:$0x3FB8];
	_ =	sdelay $0x3  }
0x37: {  	[smem:$0x3FB8] =	sst s10  }
0x38: {  	s10 =	sld [smem:$0x3FB9]  }
0x39: {  	_ = 	snop;
	(pc) =	sbr.ind lr, $3  }
0x3a: {  	_ = 	snop  }
0x3b: {  	_ = 	snop  }
0x3c: {  	p2 =	seq.s32 s10, $0x1;
	s10 =	sld [smem:$0x3FB8]  }
0x3d: {  	_ =	shalt  }
0x3e: {  	_ =	shalt  }
0x3f: {  	_ =	shalt  }
0x40: {  	_ =	shalt  }
0x41: {  	_ =	shalt  }
0x42: {  	_ =	shalt  }
0x43: {  	_ =	shalt  }
0x44: {  	_ =	shalt  }
0x45: {  	_ =	shalt  }
0x46: {  	_ =	shalt  }
0x47: {  	_ =	shalt  }
0x48: {  	_ =	shalt  }
0x49: {  	_ =	shalt  }
0x4a: {  	_ =	shalt  }
0x4b: {  	_ =	shalt  }
0x4c: {  	_ =	shalt  }
0x4d: {  	_ =	shalt  }
0x4e: {  	_ =	shalt  }
0x4f: {  	_ =	shalt  }
0x50: {  	_ =	shalt  }
0x51: {  	_ =	shalt  }
0x52: {  	_ =	shalt  }
0x53: {  	_ =	shalt  }
0x54: {  	_ =	shalt  }
0x55: {  	_ =	shalt  }
0x56: {  	_ =	shalt  }
0x57: {  	_ =	shalt  }
0x58: {  	_ =	shalt  }
0x59: {  	_ =	shalt  }
0x5a: {  	_ =	shalt  }
0x5b: {  	_ =	shalt  }
0x5c: {  	_ =	shalt  }
0x5d: {  	_ =	shalt  }
0x5e: {  	_ =	shalt  }
0x5f: {  	_ =	shalt  }
0x60: {  	_ =	shalt  }
0x61: {  	_ =	shalt  }
0x62: {  	_ =	shalt  }
0x63: {  	_ =	shalt  }
0x64: {  	_ =	shalt  }
0x65: {  	_ =	shalt  }
0x66: {  	_ =	shalt  }
0x67: {  	_ =	shalt  }
0x68: {  	_ =	shalt  }
0x69: {  	_ =	shalt  }
0x6a: {  	_ =	shalt  }
0x6b: {  	_ =	shalt  }
0x6c: {  	_ =	shalt  }
0x6d: {  	_ =	shalt  }
0x6e: {  	_ =	shalt  }
0x6f: {  	_ =	shalt  }
0x70: {  	_ =	shalt  }
0x71: {  	_ =	shalt  }
0x72: {  	_ =	shalt  }
0x73: {  	_ =	shalt  }
0x74: {  	_ =	shalt  }
0x75: {  	_ =	shalt  }
0x76: {  	_ =	shalt  }
0x77: {  	_ =	shalt  }
0x78: {  	_ =	shalt  }
0x79: {  	_ =	shalt  }
0x7a: {  	_ =	shalt  }
0x7b: {  	_ =	shalt  }
0x7c: {  	_ =	shalt  }
0x7d: {  	_ =	shalt  }
0x7e: {  	_ =	shalt  }
0x7f: {  	_ =	shalt  }
0x80: {  	_ =	shalt  }
0x81: {  	_ =	shalt  }
0x82: {  	_ =	shalt  }
0x83: {  	_ =	shalt  }
0x84: {  	_ =	shalt  }
0x85: {  	_ =	shalt  }
0x86: {  	_ =	shalt  }
0x87: {  	_ =	shalt  }
.Lfunc_end0:
.L_simem_size_0:
called_computation_lowered:
.L_overlay_start_0:
0x88: {  	s2 =	sld [smem:$0x3FD9]  }
0x89: {  	s3 =	sld [smem:$0x3FFE];
	_ =	sdelay $0x1  }
0x8a: {  	s1 =	srdreg.scid  }
0x8b: {  	s0 =	sand.u32 $0x1, s1  }
0x8c: {  	s17 =	sshll.u32 s0, $0xA;
	s2 =	sadd.s32 s3, s2  }
0x8d: {  	s2 =	sadd.s32 s2, s17  }
0x8e: {  	[smem:$0x3FC4] =	sst s2  }
0x8f: {  	_ = 	snop  }
0x90: {  	s2 =	sld [smem:$0x3FC9];
	(tm) =	ssettm $0x1  }
0x91: {  	s18 =	sld [smem:$0x3FFB];
	_ =	sdelay $0x3  }
0x92: {  	_ =	strace s18  }
0x93: {  	s3 =	sld [smem:$0x3FFC];
	_ =	sdelay $0x3  }
0x94: {  	_ =	strace s3  }
0x95: {  	s3 =	sld [smem:$0x3FFD];
	_ =	sdelay $0x3  }
0x96: {  	_ =	strace s3  }
0x97: {  	_ =	strace $0x8FFFFFFF  }
0x98: {  	s19 =	sld [smem:$0x3FDB];
	_ =	sdelay $0x1  }
0x99: {  	s4 =	simm.s32 $_scs_section_size  }
0x9a: {  	s5 =	simm.s32 $_size__tile_overlayer_lowered;
	s6 =	simm.s32 $_tile_overlayer_lowered  }
0x9b: {  	s22 =	simm.s32 $0x1BFF;
	s21 =	sshll.u32 s6, $0x1;
	s3 =	sadd.s32 s4, s19  }
0x9c: {  	s7 =	simm.s32 $0x0;
	s20 =	sshll.u32 s5, $0x1;
	s5 =	sadd.s32 s21, s3  }
0x9d: {  	[timem:s7], [sflag:s22] =	dma.local [hbm:s5], s20  }
0x9e: {  	_ =	swait.ge [sflag:s22], s20  }
0x9f: {  	s4 =	ssub.s32 $0x0, s20;
	[sflag:s22] =	ssyncset.done $0x0  }
0xa0: {  	[sflag:s22] =	ssyncadd.s32 s4;
	_ =	sdelay $0x1  }
0xa1: {  	s23 =	simm.s32 $0x1B8B  }
0xa2: {  	_ =	swait.ge [sflag:s23], $0x1  }
0xa3: {  	[sflag:s23] =	ssyncset.done $0x0  }
0xa4: {  	s25 =	simm.s32 $0x1B8E;
	s24 =	sld [smem:$0x3FFE];
	[sflag:s23] =	ssyncadd.s32 $0xFFFFFFFF  }
0xa5: {  	s26 =	simm.s32 $execute0_lowered;
	[smem:$0x3FD2] =	sst s25  }
0xa6: {  	s5 =	sshll.u32 s26, $0x1;
	_ =	strace $0x80000046;
	[dreg:$0x1] =	wrdreg $0xFFFFFFFF  }
0xa7: {  	s28 =	simm.s32 $_size_execute0_lowered;
	s3 =	sadd.s32 s3, s5;
	[dreg:$0x0] =	wrdreg $0x0  }
0xa8: {  	s5 =	sshll.u32 s28, $0x1;
	[dreg:$0x2] =	wrdreg s3  }
0xa9: {  	[dreg:$0x3] =	wrdreg s5  }
0xaa: {  	[dreg:$0x4] =	wrdreg $0xC0  }
0xab: {  	_ =	task [dreg:s7], $0x5FFFF  }
0xac: {  	[dreg:$0x1] =	wrdreg $0xFFFFFFFF  }
0xad: {  	[dreg:$0x0] =	wrdreg $0x60  }
0xae: {  	[dreg:$0x2] =	wrdreg s2  }
0xaf: {  	[dreg:$0x3] =	wrdreg s24  }
0xb0: {  	[dreg:$0x4] =	wrdreg $0x9  }
0xb1: {  	_ =	task.clear_ibuf [dreg:s7], $0x5FFFF;
	_ =	strace $0x90000046  }
0xb2: {  	s29 =	simm.s32 $0x9;
	_ =	strace $0x80000048  }
0xb3: {  	_ =	swait.ge [sflag:s29], $0x1  }
0xb4: {  	[sflag:s29] =	ssyncadd.s32 $0xFFFFFFFF  }
0xb5: {  	_ =	strace $0x90000048  }
0xb6: {  	_ =	sfence  }
0xb7: {  	s30 =	sld [smem:$0x0];
	_ =	sdelay $0x2  }
0xb8: {  	s31 =	sshll.u32 s1, $0xD;
	s1 =	sshrl.u32 s1, $0x2  }
0xb9: {  	s3 =	sand.u32 $0x4000, s31;
	s1 =	sadd.s32 s1, s30  }
0xba: {  	s0 =	sor.u32 s3, s0;
	s1 =	sshll.u32 s1, $0x11  }
0xbb: {  	s0 =	sor.u32 s1, s0  }
0xbc: {  	s0 =	sadd.s32 $0x8F2B, s0  }
0xbd: {  	[sflag:s0] =	ssyncadd.remote.s32 $0x1  }
0xbe: {  	_ =	sfence.sel $0xFFFF  }
0xbf: {  	[dreg:$0x0] =	wrdreg $0xFFFFFFFF;
	(pc) =	sbr.abs _section_cstart, $3  }
0xc0: {  	[dreg:$0x1] =	wrdreg $0xFFFFFFFF  }
0xc1: {  	_ =	task.clear_ibuf [dreg:s7], $0x2FFFF;
	_ =	strace $0x9FFFFFFF  }
0xc2: {  	(tm) =	ssettm $0x7FFFFFFF  }
0xc3: {  	_ =	shalt  }
tec
execute0_lowered:
.L_overlay_start_1:
0x0: {  	(tag) =	ssettag $0x1  }
0x1: {  	s0 =	rddreg [dreg:$0x0];
	s1 =	srdreg.scid  }
0x2: {  	s2 =	stileid.u32;
	s6 =	rddreg [dreg:$0x1];
	s9 =	simm.s32 $0x100  }
0x3: {  	s24 =	simm.s32 $0x1900;
	s25 =	simm.s32 $0x2100;
	s26 =	simm.s32 $0x2900  }
0x4: {  	s28 =	simm.s32 $0x3100;
	s29 =	simm.s32 $0x3900;
	s30 =	simm.s32 $0x4100  }
0x5: {  	s31 =	simm.s32 $0x4900;
	s11 =	simm.s32 $0x6100;
	s12 =	simm.s32 $0x6900  }
0x6: {  	s13 =	simm.s32 $0x7100;
	s14 =	simm.s32 $0x7900;
	s15 =	simm.s32 $0x8100  }
0x7: {  	s16 =	simm.s32 $0x8900;
	s17 =	simm.s32 $0x9100;
	s18 =	simm.s32 $0x9900  }
0x8: {  	s19 =	simm.s32 $0xA100;
	s8 =	simm.s32 $0xA900;
	s10 =	simm.s32 $0xB100  }
0x9: {  	s20 =	simm.s32 $0xB900;
	s1 =	sand.u32 $0x1, s1;
	s3 =	sshll.u32 s2, $0x1  }
0xa: {  	s21 =	simm.s32 $0xC100;
	s2 =	simm.s32 $0x0;
	s4 =	sor.u32 s1, s3  }
0xb: {  	[smem:$0x7FF] =	sst s2;
	s1 =	ssub.s32 $0x2, s1;
	s3 =	sshll.u32 s4, $0x5  }
0xc: {  	_ =	strace $0x80000047;
	s4 =	sshll.u32 s4, $0xD;
	s7 =	sshrl.u32 s1, $0x1  }
0xd: {  	s5 =	sadd.s32 s3, s6;
	s3 =	sadd.s32 $0x9000, s6;
	s0 =	sadd.s32 s0, s4  }
0xe: {  	v2 =	vlaneseq.u32;
	s1 =	ssub.s32 s1, s7;
	s4 =	sadd.s32 $0x9100, s6;
	s5 =	sadd.s32 $0x8C00, s5  }
0xf: {  	vm0 =	vmmov $0xffff;
	v1 =	vshrl.u32 v2, $0x3;
	[dreg:$0x4] =	wrdreg s0;
	s7 =	smax.u32 s1, $0x1;
	s1 =	simm.s32 $0x5100  }
0x10: {  	v0 =	vand.u32 $0x7, v2;
	v2 =	vor.u32 $0x8, v2;
	v1 =	vmul.u32 $0x8, v1;
	[dreg:$0x3] =	wrdreg s5;
	s5 =	sadd.s32 $0x9200, s6;
	s6 =	sadd.s32 $0x9300, s6  }
.LBB2_1:
0x11: {  	s22 =	rddreg [dreg:$0x3]  }
0x12: {  	[tilespmem:s2], [sflag:$0x3] =	stream.linear.gather [hbm4b:s22+s2], $0x100, $0x38;
	[tilespmem:$0x10100] =	vst v63  }
0x13: {  	s23 =	rddreg [dreg:$0x4];
	s0 =	simm.s32 $0x3  }
0x14: {  	[tilespmem:s9], [sflag:$0x4] =	stream.linear.gather [hbm4b:s23+s2], $0x10000, $0x38;
	[tilespmem:$0x10100] =	vst v63  }
0x15: {  	_ =	swait.ge [sflag:s0], $0x100  }
0x16: {  	[sflag:s0] =	ssyncset.done $0x0  }
0x17: {  	s23 =	simm.s32 $0x4;
	[sflag:s0] =	ssyncadd.s32 $0xFFFFFF00  }
0x18: {  	_ =	swait.ge [sflag:s23], $0x10000  }
0x19: {  	[sflag:s23] =	ssyncset.done $0x0  }
0x1a: {  	[sflag:s23] =	ssyncadd.s32 $0xFFFF0000  }
0x1b: {  	v3 =	vld [tilespmem:$0x0];
	_ =	sdelay $0x4  }
0x1c: {  	v4 =	vshll.u32 v3, $0x3  }
0x1d: {  	v3 =	vand.u32 $0x7, v3;
	v4 =	vand.u32 $0xFFFFFFC0, v4  }
0x1e: {  	v3 =	vor.u32 v3, v4  }
0x1f: {  	v4 =	vperm.xlane v3, v0;
	_ =	sdelay $0x1  }
0x20: {  	v4 =	vadd.s32 v1, v4;
	_ =	sdelay $0x4  }
0x21: {  	[hbm4b:s3+s2] =	stream.indirect_vreg.scatter [tilespmem:s9], [sflag:$0x1], $0x80, v4, vm0, $0xb8;
	[tilespmem:$0x10100] =	vst v63  }
0x22: {  	s22 =	simm.s32 $0x900;
	v3 =	vperm.xlane v3, v2  }
0x23: {  	[hbm4b:s4+s2] =	stream.indirect_vreg.scatter [tilespmem:s22], [sflag:$0x1], $0x80, v4, vm0, $0xb8;
	[tilespmem:$0x10100] =	vst v63  }
0x24: {  	s23 =	simm.s32 $0x1100;
	v3 =	vadd.s32 v1, v3  }
0x25: {  	[hbm4b:s5+s2] =	stream.indirect_vreg.scatter [tilespmem:s23], [sflag:$0x1], $0x80, v4, vm0, $0xb8;
	[tilespmem:$0x10100] =	vst v63  }
0x26: {  	_ = 	snop  }
0x27: {  	[hbm4b:s6+s2] =	stream.indirect_vreg.scatter [tilespmem:s24], [sflag:$0x1], $0x80, v4, vm0, $0xb8;
	[tilespmem:$0x10100] =	vst v63  }
0x28: {  	_ = 	snop  }
0x29: {  	[hbm4b:s3+s2] =	stream.indirect_vreg.scatter [tilespmem:s25], [sflag:$0x1], $0x80, v3, vm0, $0xb8;
	[tilespmem:$0x10100] =	vst v63  }
0x2a: {  	_ = 	snop  }
0x2b: {  	[hbm4b:s4+s2] =	stream.indirect_vreg.scatter [tilespmem:s26], [sflag:$0x1], $0x80, v3, vm0, $0xb8;
	[tilespmem:$0x10100] =	vst v63  }
0x2c: {  	_ = 	snop  }
0x2d: {  	[hbm4b:s5+s2] =	stream.indirect_vreg.scatter [tilespmem:s28], [sflag:$0x1], $0x80, v3, vm0, $0xb8;
	[tilespmem:$0x10100] =	vst v63  }
0x2e: {  	_ = 	snop  }
0x2f: {  	[hbm4b:s6+s2] =	stream.indirect_vreg.scatter [tilespmem:s29], [sflag:$0x1], $0x80, v3, vm0, $0xb8;
	[tilespmem:$0x10100] =	vst v63  }
0x30: {  	v3 =	vld [tilespmem:$0x10];
	_ =	sdelay $0x4  }
0x31: {  	v57 =	vshll.u32 v3, $0x3  }
0x32: {  	v3 =	vand.u32 $0x7, v3;
	v4 =	vand.u32 $0xFFFFFFC0, v57  }
0x33: {  	v3 =	vor.u32 v3, v4  }
0x34: {  	v4 =	vperm.xlane v3, v0;
	_ =	sdelay $0x1  }
0x35: {  	v4 =	vadd.s32 v1, v4;
	_ =	sdelay $0x4  }
0x36: {  	[hbm4b:s3+s2] =	stream.indirect_vreg.scatter [tilespmem:s30], [sflag:$0x1], $0x80, v4, vm0, $0xb8;
	[tilespmem:$0x10100] =	vst v63  }
0x37: {  	v3 =	vperm.xlane v3, v2  }
0x38: {  	[hbm4b:s4+s2] =	stream.indirect_vreg.scatter [tilespmem:s31], [sflag:$0x1], $0x80, v4, vm0, $0xb8;
	[tilespmem:$0x10100] =	vst v63  }
0x39: {  	v3 =	vadd.s32 v1, v3  }
0x3a: {  	[hbm4b:s5+s2] =	stream.indirect_vreg.scatter [tilespmem:s1], [sflag:$0x1], $0x80, v4, vm0, $0xb8;
	[tilespmem:$0x10100] =	vst v63  }
0x3b: {  	s0 =	simm.s32 $0x5900  }
0x3c: {  	[hbm4b:s6+s2] =	stream.indirect_vreg.scatter [tilespmem:s0], [sflag:$0x1], $0x80, v4, vm0, $0xb8;
	[tilespmem:$0x10100] =	vst v63  }
0x3d: {  	_ = 	snop  }
0x3e: {  	[hbm4b:s3+s2] =	stream.indirect_vreg.scatter [tilespmem:s11], [sflag:$0x1], $0x80, v3, vm0, $0xb8;
	[tilespmem:$0x10100] =	vst v63  }
0x3f: {  	_ = 	snop  }
0x40: {  	[hbm4b:s4+s2] =	stream.indirect_vreg.scatter [tilespmem:s12], [sflag:$0x1], $0x80, v3, vm0, $0xb8;
	[tilespmem:$0x10100] =	vst v63  }
0x41: {  	_ = 	snop  }
0x42: {  	[hbm4b:s5+s2] =	stream.indirect_vreg.scatter [tilespmem:s13], [sflag:$0x1], $0x80, v3, vm0, $0xb8;
	[tilespmem:$0x10100] =	vst v63  }
0x43: {  	_ = 	snop  }
0x44: {  	[hbm4b:s6+s2] =	stream.indirect_vreg.scatter [tilespmem:s14], [sflag:$0x1], $0x80, v3, vm0, $0xb8;
	[tilespmem:$0x10100] =	vst v63  }
0x45: {  	v3 =	vld [tilespmem:$0x20];
	_ =	sdelay $0x4  }
0x46: {  	v58 =	vshll.u32 v3, $0x3  }
0x47: {  	v3 =	vand.u32 $0x7, v3;
	v4 =	vand.u32 $0xFFFFFFC0, v58  }
0x48: {  	v3 =	vor.u32 v3, v4  }
0x49: {  	v4 =	vperm.xlane v3, v0;
	_ =	sdelay $0x1  }
0x4a: {  	v4 =	vadd.s32 v1, v4;
	_ =	sdelay $0x4  }
0x4b: {  	[hbm4b:s3+s2] =	stream.indirect_vreg.scatter [tilespmem:s15], [sflag:$0x1], $0x80, v4, vm0, $0xb8;
	[tilespmem:$0x10100] =	vst v63  }
0x4c: {  	v3 =	vperm.xlane v3, v2  }
0x4d: {  	[hbm4b:s4+s2] =	stream.indirect_vreg.scatter [tilespmem:s16], [sflag:$0x1], $0x80, v4, vm0, $0xb8;
	[tilespmem:$0x10100] =	vst v63  }
0x4e: {  	v3 =	vadd.s32 v1, v3  }
0x4f: {  	[hbm4b:s5+s2] =	stream.indirect_vreg.scatter [tilespmem:s17], [sflag:$0x1], $0x80, v4, vm0, $0xb8;
	[tilespmem:$0x10100] =	vst v63  }
0x50: {  	_ = 	snop  }
0x51: {  	[hbm4b:s6+s2] =	stream.indirect_vreg.scatter [tilespmem:s18], [sflag:$0x1], $0x80, v4, vm0, $0xb8;
	[tilespmem:$0x10100] =	vst v63  }
0x52: {  	_ = 	snop  }
0x53: {  	[hbm4b:s3+s2] =	stream.indirect_vreg.scatter [tilespmem:s19], [sflag:$0x1], $0x80, v3, vm0, $0xb8;
	[tilespmem:$0x10100] =	vst v63  }
0x54: {  	_ = 	snop  }
0x55: {  	[hbm4b:s4+s2] =	stream.indirect_vreg.scatter [tilespmem:s8], [sflag:$0x1], $0x80, v3, vm0, $0xb8;
	[tilespmem:$0x10100] =	vst v63  }
0x56: {  	_ = 	snop  }
0x57: {  	[hbm4b:s5+s2] =	stream.indirect_vreg.scatter [tilespmem:s10], [sflag:$0x1], $0x80, v3, vm0, $0xb8;
	[tilespmem:$0x10100] =	vst v63  }
0x58: {  	_ = 	snop  }
0x59: {  	[hbm4b:s6+s2] =	stream.indirect_vreg.scatter [tilespmem:s20], [sflag:$0x1], $0x80, v3, vm0, $0xb8;
	[tilespmem:$0x10100] =	vst v63  }
0x5a: {  	v3 =	vld [tilespmem:$0x30];
	_ =	sdelay $0x4  }
0x5b: {  	v59 =	vshll.u32 v3, $0x3  }
0x5c: {  	v3 =	vand.u32 $0x7, v3;
	v4 =	vand.u32 $0xFFFFFFC0, v59  }
0x5d: {  	v3 =	vor.u32 v3, v4  }
0x5e: {  	v4 =	vperm.xlane v3, v0;
	_ =	sdelay $0x1  }
0x5f: {  	v4 =	vadd.s32 v1, v4;
	_ =	sdelay $0x4  }
0x60: {  	[hbm4b:s3+s2] =	stream.indirect_vreg.scatter [tilespmem:s21], [sflag:$0x1], $0x80, v4, vm0, $0xb8;
	[tilespmem:$0x10100] =	vst v63  }
0x61: {  	s0 =	simm.s32 $0xC900;
	v3 =	vperm.xlane v3, v2  }
0x62: {  	[hbm4b:s4+s2] =	stream.indirect_vreg.scatter [tilespmem:s0], [sflag:$0x1], $0x80, v4, vm0, $0xb8;
	[tilespmem:$0x10100] =	vst v63  }
0x63: {  	v3 =	vadd.s32 v1, v3;
	s0 =	simm.s32 $0xD100  }
0x64: {  	[hbm4b:s5+s2] =	stream.indirect_vreg.scatter [tilespmem:s0], [sflag:$0x1], $0x80, v4, vm0, $0xb8;
	[tilespmem:$0x10100] =	vst v63  }
0x65: {  	s0 =	simm.s32 $0xD900  }
0x66: {  	[hbm4b:s6+s2] =	stream.indirect_vreg.scatter [tilespmem:s0], [sflag:$0x1], $0x80, v4, vm0, $0xb8;
	[tilespmem:$0x10100] =	vst v63  }
0x67: {  	s0 =	simm.s32 $0xE100  }
0x68: {  	[hbm4b:s3+s2] =	stream.indirect_vreg.scatter [tilespmem:s0], [sflag:$0x1], $0x80, v3, vm0, $0xb8;
	[tilespmem:$0x10100] =	vst v63  }
0x69: {  	s0 =	simm.s32 $0xE900  }
0x6a: {  	[hbm4b:s4+s2] =	stream.indirect_vreg.scatter [tilespmem:s0], [sflag:$0x1], $0x80, v3, vm0, $0xb8;
	[tilespmem:$0x10100] =	vst v63  }
0x6b: {  	s0 =	simm.s32 $0xF100  }
0x6c: {  	[hbm4b:s5+s2] =	stream.indirect_vreg.scatter [tilespmem:s0], [sflag:$0x1], $0x80, v3, vm0, $0xb8;
	[tilespmem:$0x10100] =	vst v63  }
0x6d: {  	s0 =	simm.s32 $0xF900  }
0x6e: {  	[hbm4b:s6+s2] =	stream.indirect_vreg.scatter [tilespmem:s0], [sflag:$0x1], $0x80, v3, vm0, $0xb8;
	[tilespmem:$0x10100] =	vst v63  }
0x6f: {  	v3 =	vld [tilespmem:$0x80];
	_ =	sdelay $0x4  }
0x70: {  	v60 =	vshll.u32 v3, $0x3  }
0x71: {  	v3 =	vand.u32 $0x7, v3;
	v4 =	vand.u32 $0xFFFFFFC0, v60  }
0x72: {  	v3 =	vor.u32 v3, v4  }
0x73: {  	v4 =	vperm.xlane v3, v0;
	_ =	sdelay $0x1  }
0x74: {  	v4 =	vadd.s32 v1, v4;
	_ =	sdelay $0x4  }
0x75: {  	[hbm4b:s3+s2] =	stream.indirect_vreg.scatter [tilespmem:s9], [sflag:$0x2], $0x80, v4, vm0, $0xb8;
	[tilespmem:$0x10100] =	vst v63  }
0x76: {  	v3 =	vperm.xlane v3, v2  }
0x77: {  	[hbm4b:s4+s2] =	stream.indirect_vreg.scatter [tilespmem:s22], [sflag:$0x2], $0x80, v4, vm0, $0xb8;
	[tilespmem:$0x10100] =	vst v63  }
0x78: {  	v3 =	vadd.s32 v1, v3  }
0x79: {  	[hbm4b:s5+s2] =	stream.indirect_vreg.scatter [tilespmem:s23], [sflag:$0x2], $0x80, v4, vm0, $0xb8;
	[tilespmem:$0x10100] =	vst v63  }
0x7a: {  	_ = 	snop  }
0x7b: {  	[hbm4b:s6+s2] =	stream.indirect_vreg.scatter [tilespmem:s24], [sflag:$0x2], $0x80, v4, vm0, $0xb8;
	[tilespmem:$0x10100] =	vst v63  }
0x7c: {  	_ = 	snop  }
0x7d: {  	[hbm4b:s3+s2] =	stream.indirect_vreg.scatter [tilespmem:s25], [sflag:$0x2], $0x80, v3, vm0, $0xb8;
	[tilespmem:$0x10100] =	vst v63  }
0x7e: {  	_ = 	snop  }
0x7f: {  	[hbm4b:s4+s2] =	stream.indirect_vreg.scatter [tilespmem:s26], [sflag:$0x2], $0x80, v3, vm0, $0xb8;
	[tilespmem:$0x10100] =	vst v63  }
0x80: {  	_ = 	snop  }
0x81: {  	[hbm4b:s5+s2] =	stream.indirect_vreg.scatter [tilespmem:s28], [sflag:$0x2], $0x80, v3, vm0, $0xb8;
	[tilespmem:$0x10100] =	vst v63  }
0x82: {  	_ = 	snop  }
0x83: {  	[hbm4b:s6+s2] =	stream.indirect_vreg.scatter [tilespmem:s29], [sflag:$0x2], $0x80, v3, vm0, $0xb8;
	[tilespmem:$0x10100] =	vst v63  }
0x84: {  	v3 =	vld [tilespmem:$0x90];
	_ =	sdelay $0x4  }
0x85: {  	v61 =	vshll.u32 v3, $0x3  }
0x86: {  	v3 =	vand.u32 $0x7, v3;
	v4 =	vand.u32 $0xFFFFFFC0, v61  }
0x87: {  	v3 =	vor.u32 v3, v4  }
0x88: {  	v4 =	vperm.xlane v3, v0;
	_ =	sdelay $0x1  }
0x89: {  	v4 =	vadd.s32 v1, v4;
	_ =	sdelay $0x4  }
0x8a: {  	[hbm4b:s3+s2] =	stream.indirect_vreg.scatter [tilespmem:s30], [sflag:$0x2], $0x80, v4, vm0, $0xb8;
	[tilespmem:$0x10100] =	vst v63  }
0x8b: {  	v3 =	vperm.xlane v3, v2  }
0x8c: {  	[hbm4b:s4+s2] =	stream.indirect_vreg.scatter [tilespmem:s31], [sflag:$0x2], $0x80, v4, vm0, $0xb8;
	[tilespmem:$0x10100] =	vst v63  }
0x8d: {  	v3 =	vadd.s32 v1, v3  }
0x8e: {  	[hbm4b:s5+s2] =	stream.indirect_vreg.scatter [tilespmem:s1], [sflag:$0x2], $0x80, v4, vm0, $0xb8;
	[tilespmem:$0x10100] =	vst v63  }
0x8f: {  	s22 =	simm.s32 $0x5900  }
0x90: {  	[hbm4b:s6+s2] =	stream.indirect_vreg.scatter [tilespmem:s22], [sflag:$0x2], $0x80, v4, vm0, $0xb8;
	[tilespmem:$0x10100] =	vst v63  }
0x91: {  	_ = 	snop  }
0x92: {  	[hbm4b:s3+s2] =	stream.indirect_vreg.scatter [tilespmem:s11], [sflag:$0x2], $0x80, v3, vm0, $0xb8;
	[tilespmem:$0x10100] =	vst v63  }
0x93: {  	_ = 	snop  }
0x94: {  	[hbm4b:s4+s2] =	stream.indirect_vreg.scatter [tilespmem:s12], [sflag:$0x2], $0x80, v3, vm0, $0xb8;
	[tilespmem:$0x10100] =	vst v63  }
0x95: {  	_ = 	snop  }
0x96: {  	[hbm4b:s5+s2] =	stream.indirect_vreg.scatter [tilespmem:s13], [sflag:$0x2], $0x80, v3, vm0, $0xb8;
	[tilespmem:$0x10100] =	vst v63  }
0x97: {  	_ = 	snop  }
0x98: {  	[hbm4b:s6+s2] =	stream.indirect_vreg.scatter [tilespmem:s14], [sflag:$0x2], $0x80, v3, vm0, $0xb8;
	[tilespmem:$0x10100] =	vst v63  }
0x99: {  	v3 =	vld [tilespmem:$0xA0];
	_ =	sdelay $0x4  }
0x9a: {  	v62 =	vshll.u32 v3, $0x3  }
0x9b: {  	v3 =	vand.u32 $0x7, v3;
	v4 =	vand.u32 $0xFFFFFFC0, v62  }
0x9c: {  	v3 =	vor.u32 v3, v4  }
0x9d: {  	v4 =	vperm.xlane v3, v0;
	_ =	sdelay $0x1  }
0x9e: {  	v4 =	vadd.s32 v1, v4;
	_ =	sdelay $0x4  }
0x9f: {  	[hbm4b:s3+s2] =	stream.indirect_vreg.scatter [tilespmem:s15], [sflag:$0x2], $0x80, v4, vm0, $0xb8;
	[tilespmem:$0x10100] =	vst v63  }
0xa0: {  	v3 =	vperm.xlane v3, v2  }
0xa1: {  	[hbm4b:s4+s2] =	stream.indirect_vreg.scatter [tilespmem:s16], [sflag:$0x2], $0x80, v4, vm0, $0xb8;
	[tilespmem:$0x10100] =	vst v63  }
0xa2: {  	v3 =	vadd.s32 v1, v3  }
0xa3: {  	[hbm4b:s5+s2] =	stream.indirect_vreg.scatter [tilespmem:s17], [sflag:$0x2], $0x80, v4, vm0, $0xb8;
	[tilespmem:$0x10100] =	vst v63  }
0xa4: {  	_ = 	snop  }
0xa5: {  	[hbm4b:s6+s2] =	stream.indirect_vreg.scatter [tilespmem:s18], [sflag:$0x2], $0x80, v4, vm0, $0xb8;
	[tilespmem:$0x10100] =	vst v63  }
0xa6: {  	_ = 	snop  }
0xa7: {  	[hbm4b:s3+s2] =	stream.indirect_vreg.scatter [tilespmem:s19], [sflag:$0x2], $0x80, v3, vm0, $0xb8;
	[tilespmem:$0x10100] =	vst v63  }
0xa8: {  	_ = 	snop  }
0xa9: {  	[hbm4b:s4+s2] =	stream.indirect_vreg.scatter [tilespmem:s8], [sflag:$0x2], $0x80, v3, vm0, $0xb8;
	[tilespmem:$0x10100] =	vst v63  }
0xaa: {  	_ = 	snop  }
0xab: {  	[hbm4b:s5+s2] =	stream.indirect_vreg.scatter [tilespmem:s10], [sflag:$0x2], $0x80, v3, vm0, $0xb8;
	[tilespmem:$0x10100] =	vst v63  }
0xac: {  	_ = 	snop  }
0xad: {  	[hbm4b:s6+s2] =	stream.indirect_vreg.scatter [tilespmem:s20], [sflag:$0x2], $0x80, v3, vm0, $0xb8;
	[tilespmem:$0x10100] =	vst v63  }
0xae: {  	v3 =	vld [tilespmem:$0xB0];
	_ =	sdelay $0x4  }
0xaf: {  	v63 =	vshll.u32 v3, $0x3  }
0xb0: {  	v3 =	vand.u32 $0x7, v3;
	v4 =	vand.u32 $0xFFFFFFC0, v63  }
0xb1: {  	v3 =	vor.u32 v3, v4  }
0xb2: {  	v4 =	vperm.xlane v3, v0;
	_ =	sdelay $0x1  }
0xb3: {  	v4 =	vadd.s32 v1, v4;
	_ =	sdelay $0x4  }
0xb4: {  	[hbm4b:s3+s2] =	stream.indirect_vreg.scatter [tilespmem:s21], [sflag:$0x2], $0x80, v4, vm0, $0xb8;
	[tilespmem:$0x10100] =	vst v63  }
0xb5: {  	s23 =	simm.s32 $0xC900;
	v3 =	vperm.xlane v3, v2  }
0xb6: {  	[hbm4b:s4+s2] =	stream.indirect_vreg.scatter [tilespmem:s23], [sflag:$0x2], $0x80, v4, vm0, $0xb8;
	[tilespmem:$0x10100] =	vst v63  }
0xb7: {  	s22 =	simm.s32 $0xD100;
	v3 =	vadd.s32 v1, v3  }
0xb8: {  	[hbm4b:s5+s2] =	stream.indirect_vreg.scatter [tilespmem:s22], [sflag:$0x2], $0x80, v4, vm0, $0xb8;
	[tilespmem:$0x10100] =	vst v63  }
0xb9: {  	s23 =	simm.s32 $0xD900  }
0xba: {  	[hbm4b:s6+s2] =	stream.indirect_vreg.scatter [tilespmem:s23], [sflag:$0x2], $0x80, v4, vm0, $0xb8;
	[tilespmem:$0x10100] =	vst v63  }
0xbb: {  	s22 =	simm.s32 $0xE100  }
0xbc: {  	[hbm4b:s3+s2] =	stream.indirect_vreg.scatter [tilespmem:s22], [sflag:$0x2], $0x80, v3, vm0, $0xb8;
	[tilespmem:$0x10100] =	vst v63  }
0xbd: {  	s23 =	simm.s32 $0xE900  }
0xbe: {  	[hbm4b:s4+s2] =	stream.indirect_vreg.scatter [tilespmem:s23], [sflag:$0x2], $0x80, v3, vm0, $0xb8;
	[tilespmem:$0x10100] =	vst v63  }
0xbf: {  	s22 =	simm.s32 $0xF100  }
0xc0: {  	[hbm4b:s5+s2] =	stream.indirect_vreg.scatter [tilespmem:s22], [sflag:$0x2], $0x80, v3, vm0, $0xb8;
	[tilespmem:$0x10100] =	vst v63  }
0xc1: {  	s23 =	simm.s32 $0xF900;
	s22 =	simm.s32 $0x1  }
0xc2: {  	[hbm4b:s6+s2] =	stream.indirect_vreg.scatter [tilespmem:s23], [sflag:$0x2], $0x80, v3, vm0, $0xb8;
	[tilespmem:$0x10100] =	vst v63  }
0xc3: {  	p0 =	sne.s32 s7, $0x1;
	_ =	swait.ge [sflag:s22], $0x10000  }
.Ltmp0:
0xc4: {  	[sflag:s22] =	ssyncset.done $0x0;
	(pc) =	sbr.rel @p0 .LBB2_1-.Ltmp0, $4  }
0xc5: {  	s23 =	simm.s32 $0x2;
	[sflag:s22] =	ssyncadd.s32 $0xFFFF0000  }
0xc6: {  	_ =	swait.ge [sflag:s23], $0x10000  }
0xc7: {  	[sflag:s23] =	ssyncset.done $0x0  }
0xc8: {  	s7 =	sadd.s32 $0xFFFFFFFF, s7;
	[sflag:s23] =	ssyncadd.s32 $0xFFFF0000  }
0xc9: {  	_ =	sfence.sel $0x180000  }
0xca: {  	[bflag:$0x0] =	sbarrier.arrive $0xFFFF  }
0xcb: {  	_ =	strace $0x90000047  }
0xcc: {  	s0 =	stileid.u32;
	[bflag:$0x2] =	sbarrier.arrive $0xFFFF  }
0xcd: {  	p0 =	sne.s32 s0, $0x0;
	s0 =	rddreg [dreg:$0x2]  }
0xce: {  	s0 =	sadd.s32 @!p0 $0x100000, s0  }
0xcf: {  	[sflag:s0] =	ssyncadd.tile.s32 @!p0 $0x1;
	_ =	shalt  }
.Lfunc_end2:
_tile_overlayer_lowered:
.L_overlay_start_2:
0xd0: {  	(tag) =	ssettag $0x2  }
0xd1: {  	s0 =	rddreg [dreg:$0x0];
	s2 =	stileid.u32  }
0xd2: {  	s1 =	rddreg [dreg:$0x1];
	p0 =	sne.s32 s2, $0x0  }
0xd3: {  	s3 =	rddreg [dreg:$0x2];
	[bflag:$0x3] =	sbarrier.arrive $0xFFFF;
	s2 =	simm.s32 @!p0 $0x1C05  }
0xd4: {  	[timem:s3], [sflag:s2] =	dma.local @!p0 [hbm:s0], s1  }
0xd5: {  	s0 =	simm.s32 @!p0 $0x5  }
0xd6: {  	_ =	swait.ge @!p0 [sflag:s0], s1  }
0xd7: {  	s1 =	ssub.s32 @!p0 $0x0, s1;
	[sflag:s0] =	ssyncset.done @!p0 $0x0  }
0xd8: {  	[sflag:s0] =	ssyncadd.s32 @!p0 s1  }
0xd9: {  	[bflag:$0x3] =	sbarrier.arrive $0xFFFF  }
0xda: {  	_ =	shalt  }

// kernel: kernel.9.cloned.1.call-start
scs
__scs_entry_jumppad:
0x0: {  	(pc) =	sbr.rel $0x88, $3  }
0x1: {  	(tag) =	ssettag $0x0;
	lr =	simm.s32 $0x1  }
0x2: {  	[smem:$0x3F9D] =	sst lr;
	_ =	strace $0xD0000000  }
0x3: {  	_ = 	snop  }
0x4: {  	_ = 	snop  }
0x5: {  	_ = 	snop  }
0x6: {  	_ = 	snop  }
0x7: {  	_ = 	snop  }
__scs_overlays_trampoline_lowered:
0x8: {  	[smem:$0x3FAC] =	sst s0  }
0x9: {  	[smem:$0x3FAD] =	sst s1  }
0xa: {  	[smem:$0x3FAE] =	sst s2  }
0xb: {  	[smem:$0x3FAF] =	sst s3  }
0xc: {  	[smem:$0x3FB0] =	sst s4  }
0xd: {  	[smem:$0x3FB1] =	sst s5  }
0xe: {  	[smem:$0x3FB2] =	sst s6  }
0xf: {  	[smem:$0x3FB3] =	sst s7  }
0x10: {  	[smem:$0x3FB4] =	sst s8  }
0x11: {  	[smem:$0x3FB5] =	sst s9;
	s0 =	simm.s32 @!p0 $0x0  }
0x12: {  	s1 =	sld [smem:$0x3F9B];
	s0 =	simm.s32 @p0 $0x1  }
0x13: {  	[smem:$0x3FB6] =	sst s0;
	s0 =	simm.s32 @!p1 $0x0  }
0x14: {  	s2 =	sld [smem:$0x3F9A];
	s0 =	simm.s32 @p1 $0x1  }
0x15: {  	[smem:$0x3FB7] =	sst s0;
	s0 =	simm.s32 @!p2 $0x0  }
0x16: {  	s3 =	sld [smem:$0x3FDB];
	s0 =	simm.s32 @p2 $0x1  }
0x17: {  	s4 =	simm.s32 $0x1BF5;
	[smem:$0x3FB9] =	sst s0  }
0x18: {  	s0 =	sld [smem:$0x3F9C];
	_ =	swait.ge [sflag:s4], $0x0  }
0x19: {  	s7 =	sld [smem:$0x3F9D]  }
0x1a: {  	s8 =	sadd.s32 $0xFFFFE003, lr  }
0x1b: {  	s9 =	sadd.s32 $0xFFFFFEF7, lr;
	s5 =	simm.s32 $0xFFFFFFFF;
	p2 =	slt.u32 s8, $0xFFFFF086  }
0x1c: {  	p1 =	slt.u32 s9, $0xF7A;
	s5 =	simm.s32 @!p2 $0x0  }
0x1d: {  	s5 =	simm.s32 @p1 $0x1;
	p0 =	seq.s32 s7, s2  }
0x1e: {  	s7 =	smul.u32 @!p0 $0xF7A, s2;
	p2 =	seq.s32 @!p0 s5, $0x0  }
0x1f: {  	s9 =	smul.u32 $0xF7A, s1;
	s8 =	simm.s32 @!p0 $0x1BF5;
	p2 =	por !p2, p0  }
0x20: {  	[sflag:s8] =	ssyncset.s32 @!p0 $0xFFFFF086;
	s6 =	sadd.s32 @!p0 s3, s7;
	s7 =	simm.s32 @!p0 $0x108  }
0x21: {  	s3 =	sadd.s32 s3, s9;
	s6 =	sadd.s32 @!p0 $0x88, s6;
	s7 =	simm.s32 @p2 $0x1082  }
0x22: {  	[simem:s7], [sflag:s8] =	dma.local @!p0 [hbm:s6], $0xF7A  }
0x23: {  	s9 =	sor.u32 $0xD0000000, s2;
	s6 =	simm.s32 $0x108;
	_ =	swait.ge @!p0 [sflag:s8], $0x0  }
0x24: {  	s3 =	sadd.s32 $0x88, s3;
	s6 =	simm.s32 @!p1 $0x1082;
	[sflag:s4] =	ssyncset.s32 $0xFFFFF086  }
0x25: {  	[simem:s6], [sflag:s4] =	dma.local [hbm:s3], $0xF7A  }
0x26: {  	[smem:$0x3F9D] =	sst s1;
	(tag) =	ssettag s2;
	_ =	strace s9  }
0x27: {  	s1 =	sld [smem:$0x3FAD]  }
0x28: {  	s2 =	sld [smem:$0x3FAE]  }
0x29: {  	s4 =	sld [smem:$0x3FB0]  }
0x2a: {  	p0 =	seq.s32 s5, $0x0;
	s5 =	sld [smem:$0x3FB1]  }
0x2b: {  	s6 =	sld [smem:$0x3FB2]  }
0x2c: {  	s7 =	sld [smem:$0x3FB3]  }
0x2d: {  	s3 =	simm.s32 $0x108;
	s8 =	sld [smem:$0x3FB4]  }
0x2e: {  	s3 =	simm.s32 @!p0 $0x1082;
	s9 =	sld [smem:$0x3FB5]  }
0x2f: {  	lr =	sadd.s32 s0, s3;
	s0 =	sld [smem:$0x3FAC]  }
0x30: {  	s3 =	sld [smem:$0x3FAF]  }
0x31: {  	[smem:$0x3FB8] =	sst s10  }
0x32: {  	s10 =	sld [smem:$0x3FB6];
	_ =	sdelay $0x3  }
0x33: {  	p0 =	seq.s32 s10, $0x1;
	s10 =	sld [smem:$0x3FB8];
	_ =	sdelay $0x3  }
0x34: {  	[smem:$0x3FB8] =	sst s10  }
0x35: {  	s10 =	sld [smem:$0x3FB7];
	_ =	sdelay $0x3  }
0x36: {  	p1 =	seq.s32 s10, $0x1;
	s10 =	sld [smem:$0x3FB8];
	_ =	sdelay $0x3  }
0x37: {  	[smem:$0x3FB8] =	sst s10  }
0x38: {  	s10 =	sld [smem:$0x3FB9]  }
0x39: {  	_ = 	snop;
	(pc) =	sbr.ind lr, $3  }
0x3a: {  	_ = 	snop  }
0x3b: {  	_ = 	snop  }
0x3c: {  	p2 =	seq.s32 s10, $0x1;
	s10 =	sld [smem:$0x3FB8]  }
0x3d: {  	_ =	shalt  }
0x3e: {  	_ =	shalt  }
0x3f: {  	_ =	shalt  }
0x40: {  	_ =	shalt  }
0x41: {  	_ =	shalt  }
0x42: {  	_ =	shalt  }
0x43: {  	_ =	shalt  }
0x44: {  	_ =	shalt  }
0x45: {  	_ =	shalt  }
0x46: {  	_ =	shalt  }
0x47: {  	_ =	shalt  }
0x48: {  	_ =	shalt  }
0x49: {  	_ =	shalt  }
0x4a: {  	_ =	shalt  }
0x4b: {  	_ =	shalt  }
0x4c: {  	_ =	shalt  }
0x4d: {  	_ =	shalt  }
0x4e: {  	_ =	shalt  }
0x4f: {  	_ =	shalt  }
0x50: {  	_ =	shalt  }
0x51: {  	_ =	shalt  }
0x52: {  	_ =	shalt  }
0x53: {  	_ =	shalt  }
0x54: {  	_ =	shalt  }
0x55: {  	_ =	shalt  }
0x56: {  	_ =	shalt  }
0x57: {  	_ =	shalt  }
0x58: {  	_ =	shalt  }
0x59: {  	_ =	shalt  }
0x5a: {  	_ =	shalt  }
0x5b: {  	_ =	shalt  }
0x5c: {  	_ =	shalt  }
0x5d: {  	_ =	shalt  }
0x5e: {  	_ =	shalt  }
0x5f: {  	_ =	shalt  }
0x60: {  	_ =	shalt  }
0x61: {  	_ =	shalt  }
0x62: {  	_ =	shalt  }
0x63: {  	_ =	shalt  }
0x64: {  	_ =	shalt  }
0x65: {  	_ =	shalt  }
0x66: {  	_ =	shalt  }
0x67: {  	_ =	shalt  }
0x68: {  	_ =	shalt  }
0x69: {  	_ =	shalt  }
0x6a: {  	_ =	shalt  }
0x6b: {  	_ =	shalt  }
0x6c: {  	_ =	shalt  }
0x6d: {  	_ =	shalt  }
0x6e: {  	_ =	shalt  }
0x6f: {  	_ =	shalt  }
0x70: {  	_ =	shalt  }
0x71: {  	_ =	shalt  }
0x72: {  	_ =	shalt  }
0x73: {  	_ =	shalt  }
0x74: {  	_ =	shalt  }
0x75: {  	_ =	shalt  }
0x76: {  	_ =	shalt  }
0x77: {  	_ =	shalt  }
0x78: {  	_ =	shalt  }
0x79: {  	_ =	shalt  }
0x7a: {  	_ =	shalt  }
0x7b: {  	_ =	shalt  }
0x7c: {  	_ =	shalt  }
0x7d: {  	_ =	shalt  }
0x7e: {  	_ =	shalt  }
0x7f: {  	_ =	shalt  }
0x80: {  	_ =	shalt  }
0x81: {  	_ =	shalt  }
0x82: {  	_ =	shalt  }
0x83: {  	_ =	shalt  }
0x84: {  	_ =	shalt  }
0x85: {  	_ =	shalt  }
0x86: {  	_ =	shalt  }
0x87: {  	_ =	shalt  }
.Lfunc_end0:
.L_simem_size_0:
called_computation.1_lowered:
.L_overlay_start_0:
0x88: {  	s2 =	sld [smem:$0x3FD9]  }
0x89: {  	s3 =	sld [smem:$0x3FFE];
	_ =	sdelay $0x1  }
0x8a: {  	s1 =	srdreg.scid  }
0x8b: {  	s0 =	sand.u32 $0x1, s1  }
0x8c: {  	s17 =	sshll.u32 s0, $0xA;
	s2 =	sadd.s32 s3, s2  }
0x8d: {  	s2 =	sadd.s32 s2, s17  }
0x8e: {  	[smem:$0x3FC4] =	sst s2  }
0x8f: {  	_ = 	snop  }
0x90: {  	s2 =	sld [smem:$0x3FD0];
	(tm) =	ssettm $0x1  }
0x91: {  	s18 =	sld [smem:$0x3FFB];
	_ =	sdelay $0x3  }
0x92: {  	_ =	strace s18  }
0x93: {  	s3 =	sld [smem:$0x3FFC];
	_ =	sdelay $0x3  }
0x94: {  	_ =	strace s3  }
0x95: {  	s3 =	sld [smem:$0x3FFD];
	_ =	sdelay $0x3  }
0x96: {  	_ =	strace s3  }
0x97: {  	_ =	strace $0x8FFFFFFF  }
0x98: {  	s19 =	sld [smem:$0x3FDB];
	_ =	sdelay $0x1  }
0x99: {  	s4 =	simm.s32 $_scs_section_size  }
0x9a: {  	s5 =	simm.s32 $_size__tile_overlayer_lowered;
	s6 =	simm.s32 $_tile_overlayer_lowered  }
0x9b: {  	s22 =	simm.s32 $0x1BFF;
	s21 =	sshll.u32 s6, $0x1;
	s3 =	sadd.s32 s4, s19  }
0x9c: {  	s7 =	simm.s32 $0x0;
	s20 =	sshll.u32 s5, $0x1;
	s5 =	sadd.s32 s21, s3  }
0x9d: {  	[timem:s7], [sflag:s22] =	dma.local [hbm:s5], s20  }
0x9e: {  	_ =	swait.ge [sflag:s22], s20  }
0x9f: {  	s4 =	ssub.s32 $0x0, s20;
	[sflag:s22] =	ssyncset.done $0x0  }
0xa0: {  	[sflag:s22] =	ssyncadd.s32 s4;
	_ =	sdelay $0x1  }
0xa1: {  	s23 =	simm.s32 $0x1B8B  }
0xa2: {  	_ =	swait.ge [sflag:s23], $0x1  }
0xa3: {  	[sflag:s23] =	ssyncset.done $0x0  }
0xa4: {  	s25 =	simm.s32 $0x1B8E;
	s24 =	sld [smem:$0x3FFE];
	[sflag:s23] =	ssyncadd.s32 $0xFFFFFFFF  }
0xa5: {  	s26 =	simm.s32 $execute0_lowered;
	[smem:$0x3FD2] =	sst s25  }
0xa6: {  	s5 =	sshll.u32 s26, $0x1;
	_ =	strace $0x80000049;
	[dreg:$0x1] =	wrdreg $0xFFFFFFFF  }
0xa7: {  	s28 =	simm.s32 $_size_execute0_lowered;
	s3 =	sadd.s32 s3, s5;
	[dreg:$0x0] =	wrdreg $0x0  }
0xa8: {  	s5 =	sshll.u32 s28, $0x1;
	[dreg:$0x2] =	wrdreg s3  }
0xa9: {  	[dreg:$0x3] =	wrdreg s5  }
0xaa: {  	[dreg:$0x4] =	wrdreg $0xC0  }
0xab: {  	_ =	task [dreg:s7], $0x5FFFF  }
0xac: {  	[dreg:$0x1] =	wrdreg $0xFFFFFFFF  }
0xad: {  	[dreg:$0x0] =	wrdreg $0x60  }
0xae: {  	[dreg:$0x2] =	wrdreg s24  }
0xaf: {  	[dreg:$0x3] =	wrdreg s2  }
0xb0: {  	[dreg:$0x4] =	wrdreg $0x9  }
0xb1: {  	_ =	task.clear_ibuf [dreg:s7], $0x5FFFF;
	_ =	strace $0x90000049  }
0xb2: {  	s29 =	simm.s32 $0x9;
	_ =	strace $0x8000004B  }
0xb3: {  	_ =	swait.ge [sflag:s29], $0x1  }
0xb4: {  	[sflag:s29] =	ssyncadd.s32 $0xFFFFFFFF  }
0xb5: {  	_ =	strace $0x9000004B  }
0xb6: {  	_ =	sfence  }
0xb7: {  	s30 =	sld [smem:$0x0];
	_ =	sdelay $0x2  }
0xb8: {  	s31 =	sshll.u32 s1, $0xD;
	s1 =	sshrl.u32 s1, $0x2  }
0xb9: {  	s3 =	sand.u32 $0x4000, s31;
	s1 =	sadd.s32 s1, s30  }
0xba: {  	s0 =	sor.u32 s3, s0;
	s1 =	sshll.u32 s1, $0x11  }
0xbb: {  	s0 =	sor.u32 s1, s0  }
0xbc: {  	s0 =	sadd.s32 $0x8F2B, s0  }
0xbd: {  	[sflag:s0] =	ssyncadd.remote.s32 $0x1  }
0xbe: {  	_ =	sfence.sel $0xFFFF  }
0xbf: {  	[dreg:$0x0] =	wrdreg $0xFFFFFFFF;
	(pc) =	sbr.abs _section_cstart, $3  }
0xc0: {  	[dreg:$0x1] =	wrdreg $0xFFFFFFFF  }
0xc1: {  	_ =	task.clear_ibuf [dreg:s7], $0x2FFFF;
	_ =	strace $0x9FFFFFFF  }
0xc2: {  	(tm) =	ssettm $0x7FFFFFFF  }
0xc3: {  	_ =	shalt  }
tec
execute0_lowered:
.L_overlay_start_1:
0x0: {  	(tag) =	ssettag $0x1  }
0x1: {  	s0 =	rddreg [dreg:$0x0]  }
0x2: {  	s1 =	rddreg [dreg:$0x1];
	s2 =	simm.s32 $0x0;
	s28 =	srdreg.scid  }
0x3: {  	s3 =	stileid.u32;
	s11 =	simm.s32 $0x3;
	s13 =	simm.s32 $0x2100  }
0x4: {  	s12 =	simm.s32 $0xC100;
	s10 =	simm.s32 $0xD900;
	s14 =	simm.s32 $0xE100  }
0x5: {  	s15 =	simm.s32 $0xE900;
	s16 =	simm.s32 $0xF100;
	s17 =	simm.s32 $0xF900  }
0x6: {  	s18 =	simm.s32 $0x10100;
	s19 =	simm.s32 $0x10900;
	s20 =	simm.s32 $0x11100  }
0x7: {  	s21 =	simm.s32 $0x11900;
	s22 =	simm.s32 $0x1;
	s23 =	simm.s32 $0x2  }
0x8: {  	[smem:$0x7FF] =	sst s2;
	s2 =	sand.u32 $0x1, s28;
	s4 =	sshll.u32 s3, $0x1  }
0x9: {  	s3 =	sadd.s32 $0xC9000, s0;
	s8 =	sadd.s32 $0xC9300, s0;
	s4 =	sor.u32 s2, s4  }
0xa: {  	_ =	strace $0x8000004A;
	s2 =	ssub.s32 $0x2, s2;
	s5 =	sshll.u32 s4, $0x5  }
0xb: {  	s6 =	sshll.u32 s4, $0xA;
	s7 =	sshrl.u32 s2, $0x1;
	s30 =	sshll.u32 s4, $0xD  }
0xc: {  	v2 =	vlaneseq.u32;
	s4 =	simm.s32 $0xC900;
	s5 =	sadd.s32 s5, s0;
	s6 =	sadd.s32 s6, s0  }
0xd: {  	v0 =	vand.u32 $0x7, v2;
	v1 =	vshrl.u32 v2, $0x3;
	s2 =	ssub.s32 s2, s7;
	s7 =	sadd.s32 $0xC9200, s0;
	s5 =	sadd.s32 $0x8C00, s5  }
0xe: {  	v63 =	vor.u32 $0x8, v2;
	[tilespmem:$0x1FFD0] =	vst v0;
	v62 =	vmul.u32 $0x8, v1;
	s9 =	sadd.s32 s1, s30;
	s29 =	sadd.s32 $0xC00, s6;
	[dreg:$0x3] =	wrdreg s5  }
0xf: {  	[tilespmem:$0x1FFF0] =	vst v63;
	s1 =	simm.s32 $0x0;
	s31 =	smax.u32 s2, $0x1;
	[dreg:$0x4] =	wrdreg s29  }
0x10: {  	vm0 =	vmmov $0xffff;
	[tilespmem:$0x1FFE0] =	vst v62;
	s6 =	sadd.s32 $0xC9100, s0;
	[dreg:$0x5] =	wrdreg s31;
	s5 =	simm.s32 $0xD100  }
.LBB2_1:
0x11: {  	[dreg:$0x6] =	wrdreg s1  }
0x12: {  	s0 =	simm.s32 $0x0;
	s31 =	rddreg [dreg:$0x3]  }
0x13: {  	[tilespmem:s0], [sflag:$0x3] =	stream.linear.gather [hbm4b:s31+s0], $0x100, $0x38;
	[tilespmem:$0x12100] =	vst v63  }
0x14: {  	_ =	swait.ge [sflag:s11], $0x100  }
0x15: {  	[sflag:s11] =	ssyncset.done $0x0  }
0x16: {  	s24 =	simm.s32 $0x100;
	s2 =	rddreg [dreg:$0x4];
	[sflag:s11] =	ssyncadd.s32 $0xFFFFFF00  }
0x17: {  	[tilespmem:s24], [sflag:$0x3] =	stream.linear.gather [hbm4b:s2+s0], $0x2000, $0x38;
	[tilespmem:$0x12100] =	vst v63  }
0x18: {  	_ =	swait.ge [sflag:s11], $0x2000  }
0x19: {  	s1 =	simm.s32 $0x0;
	[sflag:s11] =	ssyncset.done $0x0  }
0x1a: {  	p1 =	por $0x1, $0x1;
	s24 =	simm.s32 $0x0;
	[sflag:s11] =	ssyncadd.s32 $0xFFFFE000  }
.LBB2_2:
0x1b: {  	s25 =	sshll.u32 s24, $0x5  }
0x1c: {  	v3 =	vld [tilespmem:s25+$0x0];
	_ =	sdelay $0x2  }
0x1d: {  	v0 =	vld [tilespmem:$0x1FFD0];
	_ =	sdelay $0x1  }
0x1e: {  	v1 =	vld [tilespmem:$0x1FFE0];
	v4 =	vshll.u32 v3, $0x3  }
0x1f: {  	v3 =	vand.u32 $0x7, v3;
	v4 =	vand.u32 $0xFFFFFFC0, v4  }
0x20: {  	v3 =	vor.u32 v3, v4  }
0x21: {  	v4 =	vperm.xlane v3, v0;
	_ =	sdelay $0x1  }
0x22: {  	v4 =	vadd.s32 v1, v4  }
0x23: {  	v2 =	vld [tilespmem:$0x1FFF0];
	_ =	sdelay $0x2  }
0x24: {  	s2 =	simm.s32 $0x0  }
0x25: {  	[tilespmem:s13], [sflag:$0x1] =	stream.indirect_vreg.gather [hbm4b:s3+s2], $0x80, v4, vm0, $0xb8;
	[tilespmem:$0x12100] =	vst v63  }
0x26: {  	s0 =	simm.s32 $0x2900;
	v3 =	vperm.xlane v3, v2  }
0x27: {  	[tilespmem:s0], [sflag:$0x1] =	stream.indirect_vreg.gather [hbm4b:s6+s2], $0x80, v4, vm0, $0xb8;
	[tilespmem:$0x12100] =	vst v63  }
0x28: {  	s31 =	simm.s32 $0x3100;
	v3 =	vadd.s32 v1, v3  }
0x29: {  	[tilespmem:s31], [sflag:$0x1] =	stream.indirect_vreg.gather [hbm4b:s7+s2], $0x80, v4, vm0, $0xb8;
	[tilespmem:$0x12100] =	vst v63  }
0x2a: {  	s26 =	simm.s32 $0x3900  }
0x2b: {  	[tilespmem:s26], [sflag:$0x1] =	stream.indirect_vreg.gather [hbm4b:s8+s2], $0x80, v4, vm0, $0xb8;
	[tilespmem:$0x12100] =	vst v63  }
0x2c: {  	s30 =	simm.s32 $0x4100  }
0x2d: {  	[tilespmem:s30], [sflag:$0x1] =	stream.indirect_vreg.gather [hbm4b:s3+s2], $0x80, v3, vm0, $0xb8;
	[tilespmem:$0x12100] =	vst v63  }
0x2e: {  	s31 =	simm.s32 $0x4900  }
0x2f: {  	[tilespmem:s31], [sflag:$0x1] =	stream.indirect_vreg.gather [hbm4b:s6+s2], $0x80, v3, vm0, $0xb8;
	[tilespmem:$0x12100] =	vst v63  }
0x30: {  	s26 =	simm.s32 $0x5100  }
0x31: {  	[tilespmem:s26], [sflag:$0x1] =	stream.indirect_vreg.gather [hbm4b:s7+s2], $0x80, v3, vm0, $0xb8;
	[tilespmem:$0x12100] =	vst v63  }
0x32: {  	s30 =	simm.s32 $0x5900  }
0x33: {  	[tilespmem:s30], [sflag:$0x1] =	stream.indirect_vreg.gather [hbm4b:s8+s2], $0x80, v3, vm0, $0xb8;
	[tilespmem:$0x12100] =	vst v63  }
0x34: {  	v3 =	vld [tilespmem:s25+$0x10];
	_ =	sdelay $0x4  }
0x35: {  	v61 =	vshll.u32 v3, $0x3  }
0x36: {  	v3 =	vand.u32 $0x7, v3;
	v4 =	vand.u32 $0xFFFFFFC0, v61  }
0x37: {  	v3 =	vor.u32 v3, v4  }
0x38: {  	v4 =	vperm.xlane v3, v0;
	_ =	sdelay $0x1  }
0x39: {  	v4 =	vadd.s32 v1, v4;
	_ =	sdelay $0x3  }
0x3a: {  	s31 =	simm.s32 $0x6100  }
0x3b: {  	[tilespmem:s31], [sflag:$0x1] =	stream.indirect_vreg.gather [hbm4b:s3+s2], $0x80, v4, vm0, $0xb8;
	[tilespmem:$0x12100] =	vst v63  }
0x3c: {  	s26 =	simm.s32 $0x6900;
	v3 =	vperm.xlane v3, v2  }
0x3d: {  	[tilespmem:s26], [sflag:$0x1] =	stream.indirect_vreg.gather [hbm4b:s6+s2], $0x80, v4, vm0, $0xb8;
	[tilespmem:$0x12100] =	vst v63  }
0x3e: {  	s30 =	simm.s32 $0x7100;
	v3 =	vadd.s32 v1, v3  }
0x3f: {  	[tilespmem:s30], [sflag:$0x1] =	stream.indirect_vreg.gather [hbm4b:s7+s2], $0x80, v4, vm0, $0xb8;
	[tilespmem:$0x12100] =	vst v63  }
0x40: {  	s31 =	simm.s32 $0x7900  }
0x41: {  	[tilespmem:s31], [sflag:$0x1] =	stream.indirect_vreg.gather [hbm4b:s8+s2], $0x80, v4, vm0, $0xb8;
	[tilespmem:$0x12100] =	vst v63  }
0x42: {  	s26 =	simm.s32 $0x8100  }
0x43: {  	[tilespmem:s26], [sflag:$0x1] =	stream.indirect_vreg.gather [hbm4b:s3+s2], $0x80, v3, vm0, $0xb8;
	[tilespmem:$0x12100] =	vst v63  }
0x44: {  	s30 =	simm.s32 $0x8900  }
0x45: {  	[tilespmem:s30], [sflag:$0x1] =	stream.indirect_vreg.gather [hbm4b:s6+s2], $0x80, v3, vm0, $0xb8;
	[tilespmem:$0x12100] =	vst v63  }
0x46: {  	s31 =	simm.s32 $0x9100  }
0x47: {  	[tilespmem:s31], [sflag:$0x1] =	stream.indirect_vreg.gather [hbm4b:s7+s2], $0x80, v3, vm0, $0xb8;
	[tilespmem:$0x12100] =	vst v63  }
0x48: {  	s26 =	simm.s32 $0x9900  }
0x49: {  	[tilespmem:s26], [sflag:$0x1] =	stream.indirect_vreg.gather [hbm4b:s8+s2], $0x80, v3, vm0, $0xb8;
	[tilespmem:$0x12100] =	vst v63  }
0x4a: {  	v3 =	vld [tilespmem:s25+$0x80];
	_ =	sdelay $0x4  }
0x4b: {  	v62 =	vshll.u32 v3, $0x3  }
0x4c: {  	v3 =	vand.u32 $0x7, v3;
	v4 =	vand.u32 $0xFFFFFFC0, v62  }
0x4d: {  	v3 =	vor.u32 v3, v4  }
0x4e: {  	v4 =	vperm.xlane v3, v0;
	_ =	sdelay $0x1  }
0x4f: {  	v4 =	vadd.s32 v1, v4;
	_ =	sdelay $0x3  }
0x50: {  	s30 =	simm.s32 $0xA100  }
0x51: {  	[tilespmem:s30], [sflag:$0x2] =	stream.indirect_vreg.gather [hbm4b:s3+s2], $0x80, v4, vm0, $0xb8;
	[tilespmem:$0x12100] =	vst v63  }
0x52: {  	s31 =	simm.s32 $0xA900;
	v3 =	vperm.xlane v3, v2  }
0x53: {  	[tilespmem:s31], [sflag:$0x2] =	stream.indirect_vreg.gather [hbm4b:s6+s2], $0x80, v4, vm0, $0xb8;
	[tilespmem:$0x12100] =	vst v63  }
0x54: {  	s26 =	simm.s32 $0xB100;
	v3 =	vadd.s32 v1, v3  }
0x55: {  	[tilespmem:s26], [sflag:$0x2] =	stream.indirect_vreg.gather [hbm4b:s7+s2], $0x80, v4, vm0, $0xb8;
	[tilespmem:$0x12100] =	vst v63  }
0x56: {  	s30 =	simm.s32 $0xB900  }
0x57: {  	[tilespmem:s30], [sflag:$0x2] =	stream.indirect_vreg.gather [hbm4b:s8+s2], $0x80, v4, vm0, $0xb8;
	[tilespmem:$0x12100] =	vst v63  }
0x58: {  	_ = 	snop  }
0x59: {  	[tilespmem:s12], [sflag:$0x2] =	stream.indirect_vreg.gather [hbm4b:s3+s2], $0x80, v3, vm0, $0xb8;
	[tilespmem:$0x12100] =	vst v63  }
0x5a: {  	_ = 	snop  }
0x5b: {  	[tilespmem:s4], [sflag:$0x2] =	stream.indirect_vreg.gather [hbm4b:s6+s2], $0x80, v3, vm0, $0xb8;
	[tilespmem:$0x12100] =	vst v63  }
0x5c: {  	_ = 	snop  }
0x5d: {  	[tilespmem:s5], [sflag:$0x2] =	stream.indirect_vreg.gather [hbm4b:s7+s2], $0x80, v3, vm0, $0xb8;
	[tilespmem:$0x12100] =	vst v63  }
0x5e: {  	_ = 	snop  }
0x5f: {  	[tilespmem:s10], [sflag:$0x2] =	stream.indirect_vreg.gather [hbm4b:s8+s2], $0x80, v3, vm0, $0xb8;
	[tilespmem:$0x12100] =	vst v63  }
0x60: {  	v3 =	vld [tilespmem:s25+$0x90];
	_ =	sdelay $0x4  }
0x61: {  	v63 =	vshll.u32 v3, $0x3  }
0x62: {  	v3 =	vand.u32 $0x7, v3;
	v4 =	vand.u32 $0xFFFFFFC0, v63  }
0x63: {  	v3 =	vor.u32 v3, v4  }
0x64: {  	v4 =	vperm.xlane v3, v0;
	_ =	sdelay $0x1  }
0x65: {  	v4 =	vadd.s32 v1, v4;
	_ =	sdelay $0x4  }
0x66: {  	[tilespmem:s14], [sflag:$0x2] =	stream.indirect_vreg.gather [hbm4b:s3+s2], $0x80, v4, vm0, $0xb8;
	[tilespmem:$0x12100] =	vst v63  }
0x67: {  	v3 =	vperm.xlane v3, v2  }
0x68: {  	[tilespmem:s15], [sflag:$0x2] =	stream.indirect_vreg.gather [hbm4b:s6+s2], $0x80, v4, vm0, $0xb8;
	[tilespmem:$0x12100] =	vst v63  }
0x69: {  	v3 =	vadd.s32 v1, v3  }
0x6a: {  	[tilespmem:s16], [sflag:$0x2] =	stream.indirect_vreg.gather [hbm4b:s7+s2], $0x80, v4, vm0, $0xb8;
	[tilespmem:$0x12100] =	vst v63  }
0x6b: {  	_ = 	snop  }
0x6c: {  	[tilespmem:s17], [sflag:$0x2] =	stream.indirect_vreg.gather [hbm4b:s8+s2], $0x80, v4, vm0, $0xb8;
	[tilespmem:$0x12100] =	vst v63  }
0x6d: {  	_ = 	snop  }
0x6e: {  	[tilespmem:s18], [sflag:$0x2] =	stream.indirect_vreg.gather [hbm4b:s3+s2], $0x80, v3, vm0, $0xb8;
	[tilespmem:$0x12100] =	vst v63  }
0x6f: {  	_ = 	snop  }
0x70: {  	[tilespmem:s19], [sflag:$0x2] =	stream.indirect_vreg.gather [hbm4b:s6+s2], $0x80, v3, vm0, $0xb8;
	[tilespmem:$0x12100] =	vst v63  }
0x71: {  	_ = 	snop  }
0x72: {  	[tilespmem:s20], [sflag:$0x2] =	stream.indirect_vreg.gather [hbm4b:s7+s2], $0x80, v3, vm0, $0xb8;
	[tilespmem:$0x12100] =	vst v63  }
0x73: {  	_ = 	snop  }
0x74: {  	[tilespmem:s21], [sflag:$0x2] =	stream.indirect_vreg.gather [hbm4b:s8+s2], $0x80, v3, vm0, $0xb8;
	[tilespmem:$0x12100] =	vst v63  }
0x75: {  	_ =	swait.ge [sflag:s22], $0x8000  }
0x76: {  	[sflag:s22] =	ssyncset.done $0x0  }
0x77: {  	s24 =	sshll.u32 s24, $0xC;
	[sflag:s22] =	ssyncadd.s32 $0xFFFF8000  }
0x78: {  	p0 =	por p1, p1;
	s28 =	simm.s32 $0x0;
	_ =	swait.ge [sflag:s23], $0x8000  }
0x79: {  	s29 =	simm.s32 $0x0;
	s31 =	sand.u32 $0x3FFFF000, s24;
	[sflag:s23] =	ssyncset.done $0x0  }
0x7a: {  	s26 =	simm.s32 $0xFFFF8000;
	s25 =	sor.u32 $0x110, s31;
	[sflag:s23] =	ssyncadd.s32 $0xFFFF8000  }
.LBB2_3:
0x7b: {  	s30 =	sadd.s32 $0x8000, s26  }
0x7c: {  	v3 =	vld [tilespmem:s25+$0xFFFFFFF0];
	s31 =	sand.u32 $0x380, s29;
	s30 =	sand.u32 $0x6000, s30  }
0x7d: {  	v4 =	vld [tilespmem:s25+$0x0];
	s30 =	sor.u32 s31, s30  }
0x7e: {  	v6 =	vld [tilespmem:s30+$0x2100]  }
0x7f: {  	v7 =	vld [tilespmem:s30+$0xA100]  }
0x80: {  	v10 =	vld [tilespmem:s30+$0x2110]  }
0x81: {  	v11 =	vld [tilespmem:s30+$0xA110]  }
0x82: {  	v14 =	vld [tilespmem:s30+$0x2120]  }
0x83: {  	v17 =	vld [tilespmem:s30+$0xA120]  }
0x84: {  	v20 =	vld [tilespmem:s30+$0x2130]  }
0x85: {  	v21 =	vld [tilespmem:s30+$0xA130]  }
0x86: {  	v26 =	vld [tilespmem:s30+$0x2140]  }
0x87: {  	v27 =	vld [tilespmem:s30+$0xA140]  }
0x88: {  	v28 =	vld [tilespmem:s30+$0x2150]  }
0x89: {  	v29 =	vld [tilespmem:s30+$0xA150]  }
0x8a: {  	v30 =	vld [tilespmem:s30+$0x2160]  }
0x8b: {  	v31 =	vld [tilespmem:s30+$0xA160]  }
0x8c: {  	v32 =	vld [tilespmem:s30+$0x2170]  }
0x8d: {  	v33 =	vld [tilespmem:s30+$0xA170]  }
0x8e: {  	v34 =	vld [tilespmem:s30+$0x2500]  }
0x8f: {  	v35 =	vld [tilespmem:s30+$0xA500]  }
0x90: {  	v36 =	vld [tilespmem:s30+$0x2510]  }
0x91: {  	v37 =	vld [tilespmem:s30+$0xA510]  }
0x92: {  	v38 =	vld [tilespmem:s30+$0x2520]  }
0x93: {  	v39 =	vld [tilespmem:s30+$0xA520]  }
0x94: {  	v40 =	vld [tilespmem:s30+$0x2530]  }
0x95: {  	v41 =	vld [tilespmem:s30+$0xA530]  }
0x96: {  	v42 =	vld [tilespmem:s30+$0x2540]  }
0x97: {  	v43 =	vld [tilespmem:s30+$0xA540]  }
0x98: {  	v44 =	vld [tilespmem:s30+$0x2550]  }
0x99: {  	v45 =	vld [tilespmem:s30+$0xA550]  }
0x9a: {  	v46 =	vld [tilespmem:s30+$0x2560]  }
0x9b: {  	v47 =	vld [tilespmem:s30+$0xA560]  }
0x9c: {  	v48 =	vld [tilespmem:s30+$0x2570]  }
0x9d: {  	v49 =	vld [tilespmem:s30+$0xA570]  }
0x9e: {  	v50 =	vld [tilespmem:s30+$0x2900]  }
0x9f: {  	v51 =	vld [tilespmem:s30+$0xA900]  }
0xa0: {  	v52 =	vld [tilespmem:s30+$0x2910]  }
0xa1: {  	v53 =	vld [tilespmem:s30+$0xA910]  }
0xa2: {  	v54 =	vld [tilespmem:s30+$0x2920]  }
0xa3: {  	v55 =	vld [tilespmem:s30+$0xA920]  }
0xa4: {  	v56 =	vld [tilespmem:s30+$0x2930]  }
0xa5: {  	v57 =	vld [tilespmem:s30+$0xA930]  }
0xa6: {  	v58 =	vld [tilespmem:s30+$0x2940]  }
0xa7: {  	v59 =	vld [tilespmem:s30+$0xA940]  }
0xa8: {  	v60 =	vld [tilespmem:s30+$0x2950]  }
0xa9: {  	v61 =	vld [tilespmem:s30+$0xA950]  }
0xaa: {  	v62 =	vld [tilespmem:s30+$0x2960]  }
0xab: {  	v63 =	vld [tilespmem:s30+$0xA960]  }
0xac: {  	v5 =	vld [tilespmem:s30+$0x2970]  }
0xad: {  	v2 =	vld [tilespmem:s30+$0xA970]  }
0xae: {  	v24 =	vld [tilespmem:s30+$0x2D00]  }
0xaf: {  	v25 =	vld [tilespmem:s30+$0xAD00]  }
0xb0: {  	v22 =	vld [tilespmem:s30+$0x2D10]  }
0xb1: {  	v23 =	vld [tilespmem:s30+$0xAD10]  }
0xb2: {  	v18 =	vld [tilespmem:s30+$0x2D20]  }
0xb3: {  	v0 =	vld [tilespmem:s30+$0x2D60]  }
0xb4: {  	v19 =	vld [tilespmem:s30+$0xAD20]  }
0xb5: {  	v15 =	vld [tilespmem:s30+$0x2D30]  }
0xb6: {  	v16 =	vld [tilespmem:s30+$0xAD30]  }
0xb7: {  	v12 =	vld [tilespmem:s30+$0x2D40];
	v1 =	vmul.f32 v6, v3  }
0xb8: {  	v13 =	vld [tilespmem:s30+$0xAD40];
	[tilespmem:$0x1FFC0] =	vst v0;
	v0 =	vmul.f32 v7, v4;
	v10 =	vmul.f32 v10, v3  }
0xb9: {  	v8 =	vld [tilespmem:s30+$0x2D50];
	v11 =	vmul.f32 v11, v4;
	v14 =	vmul.f32 v14, v3  }
0xba: {  	v9 =	vld [tilespmem:s30+$0xAD50];
	v17 =	vmul.f32 v17, v4;
	v20 =	vmul.f32 v20, v3  }
0xbb: {  	v7 =	vld [tilespmem:s30+$0xAD60];
	v21 =	vmul.f32 v21, v4;
	v26 =	vmul.f32 v26, v3  }
0xbc: {  	v6 =	vld [tilespmem:s30+$0x2D70];
	v27 =	vmul.f32 v27, v4;
	v34 =	vmul.f32 v34, v3  }
0xbd: {  	v35 =	vmul.f32 v35, v4;
	v38 =	vmul.f32 v38, v3;
	v1 =	vadd.f32 v0, v1;
	v0 =	vld [tilespmem:s30+$0xAD70]  }
0xbe: {  	v39 =	vmul.f32 v39, v4;
	v40 =	vmul.f32 v40, v3;
	v10 =	vadd.f32 v11, v10;
	v11 =	vld [tilespmem:s30+$0x3100]  }
0xbf: {  	v5 =	vmul.f32 v5, v3;
	v2 =	vmul.f32 v2, v4;
	[tilespmem:s30+$0x2100] =	vst v1;
	v1 =	vadd.f32 v17, v14;
	v14 =	vld [tilespmem:s30+$0xB100]  }
0xc0: {  	[tilespmem:s30+$0x2110] =	vst v10;
	v10 =	vadd.f32 v21, v20;
	v21 =	vmul.f32 v28, v3;
	v28 =	vmul.f32 v29, v4;
	v17 =	vld [tilespmem:s30+$0x3110]  }
0xc1: {  	v52 =	vmul.f32 v52, v3;
	v2 =	vadd.f32 v2, v5;
	v20 =	vld [tilespmem:s30+$0xB110];
	v29 =	vmul.f32 v33, v4;
	[tilespmem:s30+$0x2120] =	vst v1  }
0xc2: {  	v1 =	vadd.f32 v27, v26;
	v26 =	vmul.f32 v30, v3;
	[tilespmem:s30+$0x2130] =	vst v10;
	v10 =	vadd.f32 v28, v21;
	v21 =	vld [tilespmem:s30+$0x3120]  }
0xc3: {  	v27 =	vmul.f32 v31, v4;
	v28 =	vmul.f32 v32, v3;
	v31 =	vld [tilespmem:s30+$0x3130]  }
0xc4: {  	v24 =	vmul.f32 v24, v3;
	v25 =	vmul.f32 v25, v4;
	[tilespmem:s30+$0x2970] =	vst v2;
	v32 =	vld [tilespmem:s30+$0xB130]  }
0xc5: {  	v18 =	vmul.f32 v18, v3;
	v33 =	vadd.f32 v27, v26;
	v26 =	vld [tilespmem:s30+$0xB120];
	[tilespmem:s30+$0x2150] =	vst v10;
	v10 =	vadd.f32 v29, v28  }
0xc6: {  	[tilespmem:s30+$0x2140] =	vst v1;
	v28 =	vmul.f32 v36, v3;
	v36 =	vmul.f32 v37, v4;
	v37 =	vadd.f32 v35, v34;
	v34 =	vld [tilespmem:s30+$0xB140]  }
0xc7: {  	v19 =	vmul.f32 v19, v4;
	v12 =	vmul.f32 v12, v3;
	v35 =	vld [tilespmem:s30+$0x3150];
	[tilespmem:s30+$0x2160] =	vst v33  }
0xc8: {  	v13 =	vmul.f32 v13, v4;
	v27 =	vld [tilespmem:s30+$0xB520];
	v29 =	vadd.f32 v25, v24;
	[tilespmem:s30+$0x2170] =	vst v10;
	v10 =	vadd.f32 v36, v28  }
0xc9: {  	v36 =	vmul.f32 v41, v4;
	v33 =	vld [tilespmem:s30+$0x3140];
	[tilespmem:s30+$0x2500] =	vst v37;
	v37 =	vadd.f32 v39, v38;
	v38 =	vmul.f32 v42, v3  }
0xca: {  	v39 =	vmul.f32 v43, v4;
	v41 =	vmul.f32 v45, v4;
	v28 =	vld [tilespmem:s30+$0x3520];
	[tilespmem:s30+$0x2D00] =	vst v29  }
0xcb: {  	v43 =	vmul.f32 v46, v3;
	[tilespmem:s30+$0x2510] =	vst v10;
	v10 =	vadd.f32 v36, v40;
	v40 =	vmul.f32 v44, v3;
	v36 =	vld [tilespmem:s30+$0xB150]  }
0xcc: {  	v46 =	vmul.f32 v48, v3;
	[tilespmem:s30+$0x2520] =	vst v37;
	v42 =	vadd.f32 v39, v38;
	v44 =	vmul.f32 v47, v4;
	v37 =	vld [tilespmem:s30+$0x3160]  }
0xcd: {  	v47 =	vmul.f32 v49, v4;
	v49 =	vmul.f32 v50, v3;
	v38 =	vld [tilespmem:s30+$0xB160];
	[tilespmem:s30+$0x2530] =	vst v10;
	v45 =	vadd.f32 v41, v40  }
0xce: {  	v50 =	vmul.f32 v51, v4;
	v39 =	vld [tilespmem:s30+$0x3170];
	[tilespmem:s30+$0x2540] =	vst v42;
	v48 =	vadd.f32 v44, v43;
	v44 =	vmul.f32 v53, v4  }
0xcf: {  	v51 =	vadd.f32 v47, v46;
	v46 =	vmul.f32 v54, v3;
	v47 =	vmul.f32 v55, v4;
	v40 =	vld [tilespmem:s30+$0xB170];
	[tilespmem:s30+$0x2550] =	vst v45  }
0xd0: {  	v41 =	vld [tilespmem:s30+$0x3500];
	v53 =	vmul.f32 v59, v4;
	v55 =	vmul.f32 v60, v3;
	[tilespmem:s30+$0x2560] =	vst v48;
	v45 =	vadd.f32 v50, v49  }
0xd1: {  	v42 =	vld [tilespmem:s30+$0xB500];
	v59 =	vmul.f32 v63, v4;
	v63 =	vmul.f32 v23, v4;
	[tilespmem:s30+$0x2570] =	vst v51;
	v48 =	vadd.f32 v44, v52  }
0xd2: {  	v43 =	vld [tilespmem:s30+$0x3510];
	v49 =	vmul.f32 v56, v3;
	v50 =	vmul.f32 v57, v4;
	v51 =	vadd.f32 v47, v46;
	[tilespmem:s30+$0x2900] =	vst v45  }
0xd3: {  	v23 =	vld [tilespmem:s30+$0xB530];
	v25 =	vmul.f32 v33, v3;
	v52 =	vmul.f32 v58, v3;
	v47 =	vadd.f32 v19, v18;
	[tilespmem:s30+$0x2910] =	vst v48  }
0xd4: {  	v56 =	vmul.f32 v61, v4;
	v58 =	vmul.f32 v62, v3;
	v44 =	vld [tilespmem:s30+$0xB510];
	v54 =	vadd.f32 v50, v49;
	[tilespmem:s30+$0x2920] =	vst v51  }
0xd5: {  	v62 =	vmul.f32 v22, v3;
	v22 =	vld [tilespmem:s30+$0x3530];
	v46 =	vmul.f32 v16, v4;
	v57 =	vadd.f32 v53, v52;
	[tilespmem:s30+$0x2D20] =	vst v47  }
0xd6: {  	v16 =	vld [tilespmem:s30+$0xB540];
	v33 =	vmul.f32 v37, v3;
	v60 =	vadd.f32 v56, v55;
	v45 =	vmul.f32 v15, v3;
	[tilespmem:s30+$0x2930] =	vst v54  }
0xd7: {  	v18 =	vld [tilespmem:s30+$0x3910];
	v61 =	vadd.f32 v59, v58;
	v49 =	vmul.f32 v8, v3;
	v50 =	vmul.f32 v9, v4;
	[tilespmem:s30+$0x2940] =	vst v57  }
0xd8: {  	v19 =	vld [tilespmem:s30+$0xB910];
	v30 =	vadd.f32 v63, v62;
	v56 =	vmul.f32 v11, v3;
	v58 =	vmul.f32 v17, v3;
	[tilespmem:s30+$0x2950] =	vst v60  }
0xd9: {  	v15 =	vld [tilespmem:s30+$0x3540];
	v51 =	vadd.f32 v13, v12;
	v59 =	vmul.f32 v20, v4;
	v62 =	vmul.f32 v26, v4;
	[tilespmem:s30+$0x2960] =	vst v61  }
0xda: {  	v9 =	vld [tilespmem:s30+$0x3550];
	v20 =	vmul.f32 v31, v3;
	v26 =	vmul.f32 v34, v4;
	[tilespmem:s30+$0x2D10] =	vst v30;
	v48 =	vadd.f32 v46, v45  }
0xdb: {  	v52 =	vld [tilespmem:$0x1FFC0];
	v31 =	vmul.f32 v36, v4;
	v34 =	vmul.f32 v38, v4;
	v53 =	vadd.f32 v50, v49;
	[tilespmem:s30+$0x2D40] =	vst v51  }
0xdc: {  	v12 =	vld [tilespmem:s30+$0xB550];
	v36 =	vmul.f32 v39, v3;
	v37 =	vmul.f32 v40, v4;
	v63 =	vadd.f32 v59, v58;
	[tilespmem:s30+$0x2D30] =	vst v48  }
0xdd: {  	v11 =	vld [tilespmem:s30+$0x3570];
	v61 =	vmul.f32 v21, v3;
	v21 =	vmul.f32 v32, v4;
	v32 =	vadd.f32 v26, v25;
	[tilespmem:s30+$0x2D50] =	vst v53  }
0xde: {  	v13 =	vld [tilespmem:s30+$0xB570];
	v39 =	vmul.f32 v41, v3;
	v40 =	vmul.f32 v42, v4;
	v38 =	vadd.f32 v34, v33;
	[tilespmem:s30+$0x3110] =	vst v63  }
0xdf: {  	v0 =	vmul.f32 v0, v4;
	v17 =	vld [tilespmem:s30+$0xB900];
	v54 =	vmul.f32 v6, v3;
	v42 =	vadd.f32 v37, v36;
	[tilespmem:s30+$0x3140] =	vst v32  }
0xe0: {  	v41 =	vld [tilespmem:s30+$0xB920];
	v57 =	vmul.f32 v14, v4;
	v47 =	vadd.f32 v40, v39;
	[tilespmem:s30+$0x3160] =	vst v38  }
0xe1: {  	v6 =	vld [tilespmem:s30+$0x3560];
	v0 =	vadd.f32 v0, v54;
	[tilespmem:s30+$0x3170] =	vst v42  }
0xe2: {  	v14 =	vld [tilespmem:s30+$0x3900];
	v60 =	vadd.f32 v57, v56;
	[tilespmem:s30+$0x3500] =	vst v47  }
0xe3: {  	v7 =	vmul.f32 v7, v4;
	v30 =	vmul.f32 v35, v3;
	v46 =	vld [tilespmem:s30+$0x3930];
	v24 =	vadd.f32 v62, v61;
	[tilespmem:s30+$0x2D70] =	vst v0  }
0xe4: {  	v43 =	vmul.f32 v43, v3;
	v50 =	vld [tilespmem:s30+$0xB930];
	v45 =	vmul.f32 v44, v4;
	v29 =	vadd.f32 v21, v20;
	[tilespmem:s30+$0x3100] =	vst v60  }
0xe5: {  	v49 =	vmul.f32 v27, v4;
	v58 =	vld [tilespmem:s30+$0x3950];
	v35 =	vadd.f32 v31, v30;
	v10 =	vmul.f32 v52, v3;
	[tilespmem:s30+$0x3120] =	vst v24  }
0xe6: {  	v36 =	vld [tilespmem:s30+$0xB970];
	v53 =	vmul.f32 v23, v4;
	v51 =	vadd.f32 v45, v43;
	v52 =	vmul.f32 v22, v3;
	[tilespmem:s30+$0x3130] =	vst v29  }
0xe7: {  	v40 =	vld [tilespmem:s30+$0xB940];
	v57 =	vmul.f32 v16, v4;
	v56 =	vmul.f32 v15, v3;
	[tilespmem:s30+$0x3150] =	vst v35;
	v55 =	vadd.f32 v7, v10  }
0xe8: {  	v20 =	vld [tilespmem:s30+$0x3920];
	v26 =	vmul.f32 v11, v3;
	v27 =	vmul.f32 v13, v4;
	[tilespmem:s30+$0x3510] =	vst v51;
	v59 =	vadd.f32 v53, v52  }
0xe9: {  	v62 =	vld [tilespmem:s30+$0xB950];
	v61 =	vmul.f32 v12, v4;
	v60 =	vmul.f32 v9, v3;
	v63 =	vadd.f32 v57, v56;
	[tilespmem:s30+$0x2D60] =	vst v55  }
0xea: {  	v34 =	vmul.f32 v18, v3;
	v16 =	vld [tilespmem:s30+$0x3960];
	v35 =	vmul.f32 v19, v4;
	v33 =	vadd.f32 v27, v26;
	[tilespmem:s30+$0x3530] =	vst v59  }
0xeb: {  	v48 =	vmul.f32 v28, v3;
	v28 =	vld [tilespmem:s30+$0xB960];
	v31 =	vmul.f32 v17, v4;
	v23 =	vadd.f32 v61, v60;
	[tilespmem:s30+$0x3540] =	vst v63  }
0xec: {  	v32 =	vld [tilespmem:s30+$0x3970];
	v39 =	vmul.f32 v41, v4;
	v30 =	vmul.f32 v14, v3;
	v41 =	vadd.f32 v35, v34;
	[tilespmem:s30+$0x3570] =	vst v33  }
0xed: {  	v10 =	vld [tilespmem:s30+$0xB560];
	v42 =	vmul.f32 v46, v3;
	v43 =	vmul.f32 v50, v4;
	v55 =	vadd.f32 v49, v48;
	[tilespmem:s30+$0x3550] =	vst v23  }
0xee: {  	v54 =	vld [tilespmem:s30+$0x3940];
	v37 =	vadd.f32 v31, v30;
	v38 =	vmul.f32 v20, v3;
	[tilespmem:s30+$0x3910] =	vst v41  }
0xef: {  	v45 =	vmul.f32 v58, v3;
	v46 =	vmul.f32 v62, v4;
	v47 =	vadd.f32 v43, v42;
	[tilespmem:s30+$0x3520] =	vst v55  }
0xf0: {  	v48 =	vmul.f32 v16, v3;
	v49 =	vmul.f32 v28, v4;
	[tilespmem:s30+$0x3900] =	vst v37;
	v44 =	vadd.f32 v39, v38  }
0xf1: {  	v52 =	vmul.f32 v36, v4;
	v51 =	vmul.f32 v32, v3;
	v50 =	vadd.f32 v46, v45;
	[tilespmem:s30+$0x3930] =	vst v47  }
0xf2: {  	v6 =	vmul.f32 v6, v3;
	v53 =	vadd.f32 v49, v48;
	v12 =	vmul.f32 v10, v4;
	[tilespmem:s30+$0x3920] =	vst v44  }
0xf3: {  	s0 =	sand.u32 $0x7, s2;
	v54 =	vmul.f32 v54, v3;
	v55 =	vmul.f32 v40, v4;
	v56 =	vadd.f32 v52, v51;
	[tilespmem:s30+$0x3950] =	vst v50  }
0xf4: {  	s31 =	sshll.u32 s0, $0x7;
	[tilespmem:s30+$0x3960] =	vst v53;
	v29 =	vadd.f32 v12, v6  }
0xf5: {  	s31 =	sadd.s32 s31, s28;
	v2 =	vadd.f32 v55, v54;
	[tilespmem:s30+$0x3970] =	vst v56  }
0xf6: {  	s0 =	sor.u32 $0x1C00, s31;
	[tilespmem:s30+$0x3560] =	vst v29  }
0xf7: {  	[tilespmem:s30+$0x3940] =	vst v2;
	v0 =	vld [tilespmem:s0+$0x2100]  }
0xf8: {  	v1 =	vld [tilespmem:s0+$0xA100];
	_ =	sdelay $0x4  }
0xf9: {  	v0 =	vmul.f32 v0, v3;
	v1 =	vmul.f32 v1, v4;
	_ =	sdelay $0x1  }
0xfa: {  	v0 =	vadd.f32 v1, v0;
	_ =	sdelay $0x1  }
0xfb: {  	s30 =	sor.u32 $0x1C10, s31;
	[tilespmem:s0+$0x2100] =	vst v0  }
0xfc: {  	v0 =	vld [tilespmem:s30+$0x2100]  }
0xfd: {  	v57 =	vld [tilespmem:s30+$0xA100];
	_ =	sdelay $0x4  }
0xfe: {  	v0 =	vmul.f32 v0, v3;
	v1 =	vmul.f32 v57, v4;
	_ =	sdelay $0x1  }
0xff: {  	v0 =	vadd.f32 v1, v0;
	_ =	sdelay $0x1  }
0x100: {  	[tilespmem:s30+$0x2100] =	vst v0;
	s30 =	sor.u32 $0x1C20, s31  }
0x101: {  	v0 =	vld [tilespmem:s30+$0x2100]  }
0x102: {  	v58 =	vld [tilespmem:s30+$0xA100];
	_ =	sdelay $0x4  }
0x103: {  	v0 =	vmul.f32 v0, v3;
	v1 =	vmul.f32 v58, v4;
	_ =	sdelay $0x1  }
0x104: {  	v0 =	vadd.f32 v1, v0;
	_ =	sdelay $0x1  }
0x105: {  	[tilespmem:s30+$0x2100] =	vst v0;
	s30 =	sor.u32 $0x1C30, s31  }
0x106: {  	v0 =	vld [tilespmem:s30+$0x2100]  }
0x107: {  	v59 =	vld [tilespmem:s30+$0xA100];
	_ =	sdelay $0x4  }
0x108: {  	v0 =	vmul.f32 v0, v3;
	v1 =	vmul.f32 v59, v4;
	_ =	sdelay $0x1  }
0x109: {  	v0 =	vadd.f32 v1, v0;
	_ =	sdelay $0x1  }
0x10a: {  	[tilespmem:s30+$0x2100] =	vst v0;
	s30 =	sor.u32 $0x1C40, s31  }
0x10b: {  	v0 =	vld [tilespmem:s30+$0x2100]  }
0x10c: {  	v60 =	vld [tilespmem:s30+$0xA100];
	_ =	sdelay $0x4  }
0x10d: {  	v0 =	vmul.f32 v0, v3;
	v1 =	vmul.f32 v60, v4;
	_ =	sdelay $0x1  }
0x10e: {  	v0 =	vadd.f32 v1, v0;
	_ =	sdelay $0x1  }
0x10f: {  	[tilespmem:s30+$0x2100] =	vst v0;
	s30 =	sor.u32 $0x1C50, s31  }
0x110: {  	v0 =	vld [tilespmem:s30+$0x2100]  }
0x111: {  	v61 =	vld [tilespmem:s30+$0xA100];
	_ =	sdelay $0x4  }
0x112: {  	v0 =	vmul.f32 v0, v3;
	v1 =	vmul.f32 v61, v4;
	_ =	sdelay $0x1  }
0x113: {  	v0 =	vadd.f32 v1, v0;
	_ =	sdelay $0x1  }
0x114: {  	[tilespmem:s30+$0x2100] =	vst v0;
	s30 =	sor.u32 $0x1C60, s31  }
0x115: {  	v0 =	vld [tilespmem:s30+$0x2100]  }
0x116: {  	v62 =	vld [tilespmem:s30+$0xA100];
	_ =	sdelay $0x4  }
0x117: {  	v0 =	vmul.f32 v0, v3;
	v1 =	vmul.f32 v62, v4;
	_ =	sdelay $0x1  }
0x118: {  	v0 =	vadd.f32 v1, v0;
	_ =	sdelay $0x1  }
0x119: {  	s31 =	sor.u32 $0x1C70, s31;
	[tilespmem:s30+$0x2100] =	vst v0  }
0x11a: {  	v0 =	vld [tilespmem:s31+$0x2100]  }
0x11b: {  	v63 =	vld [tilespmem:s31+$0xA100];
	_ =	sdelay $0x3  }
0x11c: {  	p1 =	sne.s32 s29, $0xF80  }
.Ltmp0:
0x11d: {  	v0 =	vmul.f32 v0, v3;
	v1 =	vmul.f32 v63, v4;
	(pc) =	sbr.rel @p1 .LBB2_3-.Ltmp0, $4  }
0x11e: {  	_ = 	snop  }
0x11f: {  	v0 =	vadd.f32 v1, v0  }
0x120: {  	s2 =	sadd.s32 $0x1, s2;
	s26 =	sadd.s32 $0x400, s26  }
0x121: {  	s25 =	sadd.s32 $0x80, s25;
	s29 =	sadd.s32 $0x80, s29;
	s28 =	sadd.s32 $0x400, s28;
	[tilespmem:s31+$0x2100] =	vst v0  }
.Ltmp1:
0x122: {  	s0 =	sadd.s32 s24, s9;
	(pc) =	sbr.rel @p0 .LBB2_2-.Ltmp1, $4  }
0x123: {  	[hbm4b:s0+s1] =	stream.linear.scatter [tilespmem:s13], [sflag:$0x3], $0x8000, $0x38;
	[tilespmem:$0x12100] =	vst v63  }
0x124: {  	_ =	swait.ge [sflag:s11], $0x8000  }
0x125: {  	[sflag:s11] =	ssyncset.done $0x0  }
0x126: {  	s24 =	simm.s32 $0x1;
	p1 =	por $0x0, $0x0;
	[sflag:s11] =	ssyncadd.s32 $0xFFFF8000  }
0x127: {  	s1 =	rddreg [dreg:$0x6]  }
0x128: {  	s0 =	rddreg [dreg:$0x5];
	s1 =	sadd.s32 $0x1, s1  }
0x129: {  	p0 =	sne.s32 s1, s0  }
.Ltmp2:
0x12a: {  	_ = 	snop;
	(pc) =	sbr.rel @p0 .LBB2_1-.Ltmp2, $1  }
0x12b: {  	_ =	sdelay $0x3  }
0x12c: {  	_ =	sfence.sel $0x180000  }
0x12d: {  	[bflag:$0x0] =	sbarrier.arrive $0xFFFF  }
0x12e: {  	_ =	strace $0x9000004A  }
0x12f: {  	s0 =	stileid.u32;
	[bflag:$0x2] =	sbarrier.arrive $0xFFFF  }
0x130: {  	p0 =	sne.s32 s0, $0x0;
	s0 =	rddreg [dreg:$0x2]  }
0x131: {  	s0 =	sadd.s32 @!p0 $0x100000, s0  }
0x132: {  	[sflag:s0] =	ssyncadd.tile.s32 @!p0 $0x1;
	_ =	shalt  }
.Lfunc_end2:
_tile_overlayer_lowered:
.L_overlay_start_2:
0x133: {  	(tag) =	ssettag $0x2  }
0x134: {  	s0 =	rddreg [dreg:$0x0];
	s2 =	stileid.u32  }
0x135: {  	s1 =	rddreg [dreg:$0x1];
	p0 =	sne.s32 s2, $0x0  }
0x136: {  	s3 =	rddreg [dreg:$0x2];
	[bflag:$0x3] =	sbarrier.arrive $0xFFFF;
	s2 =	simm.s32 @!p0 $0x1C03  }
0x137: {  	[timem:s3], [sflag:s2] =	dma.local @!p0 [hbm:s0], s1  }
0x138: {  	s0 =	simm.s32 @!p0 $0x3  }
0x139: {  	_ =	swait.ge @!p0 [sflag:s0], s1  }
0x13a: {  	s1 =	ssub.s32 @!p0 $0x0, s1;
	[sflag:s0] =	ssyncset.done @!p0 $0x0  }
0x13b: {  	[sflag:s0] =	ssyncadd.s32 @!p0 s1  }
0x13c: {  	[bflag:$0x3] =	sbarrier.arrive $0xFFFF  }
0x13d: {  	_ =	shalt  }

</sc_bundles>
